<compile_context>
chip_gen: v7x
topology: tpu7x:2x2x1
jax: 0.10.2.dev20260603
libtpu: 0.0.44.dev20260713+nightly
codegen_flags: <defaults>
</compile_context>

<pallas_src>
import functools

import jax
import jax.numpy as jnp
from jax import lax
from jax.experimental import pallas as pl
from jax.experimental.pallas import tpu as pltpu
from jax.experimental.pallas import tpu_sc as plsc

M = 25_165_824
N = 16_777_216
NC, NS, L = 2, 16, 16
NTILES = NC * NS
PER_T = M // NTILES
WIN = 8192
KVR = WIN // L
NWIN = PER_T // WIN
NBUF = 4
B1 = 2048
B2 = 2064
NVW = N // (NTILES * WIN)

_mesh = plsc.VectorSubcoreMesh(
    core_axis_name="c", subcore_axis_name="s", num_cores=NC, num_subcores=NS)


def _wid():
    return lax.axis_index("s") * NC + lax.axis_index("c")


def _t_of(x):
    d = (jnp.abs(x - 0.5) * 8388608.0).astype(jnp.int32)
    return 4194304 - d


def _dig1(x):
    return jnp.bitwise_and(_t_of(x), B1 - 1)


def _dig2(t):
    return lax.shift_right_logical(t, 11)


def _zero_table(table, nbkt):
    zeros = jnp.zeros((L,), jnp.int32)

    def zero(b, _):
        table[pl.ds(b * L, L)] = zeros
        return 0

    lax.fori_loop(0, nbkt // L, zero, 0)


def _hist1_kernel(src_hbm, g_hbm, xwin, table):
    w = _wid()
    _zero_table(table, B1)

    def win_body(win, _):
        pltpu.sync_copy(src_hbm.at[w, win], xwin)

        def step(k, _):
            dig = _dig1(xwin[pl.ds(k * L, L)])
            cnt, last = plsc.scan_count(dig)
            base = plsc.load_gather(table, [dig])
            plsc.store_scatter(table, [dig], base + cnt, mask=last)
            return 0

        lax.fori_loop(0, KVR, step, 0)
        return 0

    lax.fori_loop(0, NWIN, win_body, 0)
    pltpu.sync_copy(table, g_hbm.at[w])


def _hist2_kernel(i_hbm_in, sel_hbm, g_hbm, iwin, xg, table, sem):
    w = _wid()
    _zero_table(table, B2)

    def win_body(win, _):
        pltpu.sync_copy(i_hbm_in.at[w, win], iwin)
        pltpu.async_copy(sel_hbm.at[iwin], xg, sem).wait()

        def step(k, _):
            dig = _dig2(_t_of(xg[pl.ds(k * L, L)]))
            cnt, last = plsc.scan_count(dig)
            base = plsc.load_gather(table, [dig])
            plsc.store_scatter(table, [dig], base + cnt, mask=last)
            return 0

        lax.fori_loop(0, KVR, step, 0)
        return 0

    lax.fori_loop(0, NWIN, win_body, 0)
    pltpu.sync_copy(table, g_hbm.at[w])


def _scan_kernel(g_hbm, gs_hbm, gbuf, *, nbkt):
    w = _wid()

    @pl.when(w == 0)
    def _():
        pltpu.sync_copy(g_hbm, gbuf)
        lanes = lax.iota(jnp.int32, L)
        idx_lo = lanes * nbkt
        idx_hi = idx_lo + L * nbkt

        def body(d, carry):
            i0 = idx_lo + d
            i1 = idx_hi + d
            v0 = plsc.load_gather(gbuf, [i0])
            v1 = plsc.load_gather(gbuf, [i1])
            t0 = jnp.sum(v0)
            e0 = plsc.cumsum(v0) - v0 + carry
            e1 = plsc.cumsum(v1) - v1 + (carry + t0)
            plsc.store_scatter(gbuf, [i0], e0)
            plsc.store_scatter(gbuf, [i1], e1)
            return carry + t0 + jnp.sum(v1)

        lax.fori_loop(0, nbkt, body, jnp.int32(0))
        pltpu.sync_copy(gbuf, gs_hbm)


def _permute1_kernel(sel_hbm, gs_hbm, i_hbm,
                     xwin, table,
                     ib0, ib1, ib2, ib3, pb0, pb1, pb2, pb3,
                     s0, s1, s2, s3):
    w = _wid()
    lanes = lax.iota(jnp.int32, L)
    ibufs = (ib0, ib1, ib2, ib3)
    posbufs = (pb0, pb1, pb2, pb3)
    sems = (s0, s1, s2, s3)
    pltpu.sync_copy(gs_hbm.at[w], table)

    def group(g, _):
        for b in range(NBUF):
            win = g * NBUF + b

            @pl.when(g > 0)
            def _():
                pltpu.make_async_copy(
                    ibufs[b], i_hbm.at[posbufs[b]], sems[b]).wait()

            pltpu.sync_copy(sel_hbm.at[w, win], xwin)
            gbase = w * PER_T + win * WIN

            def step(k, _):
                t = _t_of(xwin[pl.ds(k * L, L)])
                dig = jnp.bitwise_and(t, B1 - 1)
                cnt, last = plsc.scan_count(dig)
                pos = plsc.load_gather(table, [dig]) + cnt - 1
                plsc.store_scatter(table, [dig], pos + 1, mask=last)
                ibufs[b][pl.ds(k * L, L)] = gbase + k * L + lanes
                posbufs[b][pl.ds(k * L, L)] = pos
                return 0

            lax.fori_loop(0, KVR, step, 0)
            pltpu.async_copy(ibufs[b], i_hbm.at[posbufs[b]], sems[b])
        return 0

    lax.fori_loop(0, NWIN // NBUF, group, 0)
    for b in range(NBUF):
        pltpu.make_async_copy(ibufs[b], i_hbm.at[posbufs[b]], sems[b]).wait()


def _permute2_kernel(i_hbm_in, sel_hbm, gs_hbm, iout_hbm,
                     xg, table,
                     iw0, iw1, iw2, iw3, pb0, pb1, pb2, pb3,
                     s0, s1, s2, s3, gsem):
    w = _wid()
    iwins = (iw0, iw1, iw2, iw3)
    posbufs = (pb0, pb1, pb2, pb3)
    sems = (s0, s1, s2, s3)
    pltpu.sync_copy(gs_hbm.at[w], table)

    def group(g, _):
        for b in range(NBUF):
            win = g * NBUF + b

            @pl.when(g > 0)
            def _():
                pltpu.make_async_copy(
                    iwins[b], iout_hbm.at[posbufs[b]], sems[b]).wait()

            pltpu.sync_copy(i_hbm_in.at[w, win], iwins[b])
            pltpu.async_copy(sel_hbm.at[iwins[b]], xg, gsem).wait()

            def step(k, _):
                dig = _dig2(_t_of(xg[pl.ds(k * L, L)]))
                cnt, last = plsc.scan_count(dig)
                pos = plsc.load_gather(table, [dig]) + cnt - 1
                plsc.store_scatter(table, [dig], pos + 1, mask=last)
                posbufs[b][pl.ds(k * L, L)] = w * PER_T + win * WIN + k * L + lax.iota(jnp.int32, L)
                return 0

            lax.fori_loop(0, KVR, step, 0)
            pltpu.async_copy(iwins[b], iout_hbm.at[posbufs[b]], sems[b])
        return 0

    lax.fori_loop(0, NWIN // NBUF, group, 0)
    for b in range(NBUF):
        pltpu.make_async_copy(
            iwins[b], iout_hbm.at[posbufs[b]], sems[b]).wait()


def _gather_vals_kernel(idx_hbm, sel_hbm, v_hbm, iwin, xbuf, sem):
    w = _wid()

    def win_body(win, _):
        pltpu.sync_copy(idx_hbm.at[w, win], iwin)
        pltpu.async_copy(sel_hbm.at[iwin], xbuf, sem).wait()
        pltpu.sync_copy(xbuf, v_hbm.at[w, win])
        return 0

    lax.fori_loop(0, NVW, win_body, 0)


def _sc_call(body, out_type, scratch):
    return pl.kernel(body, out_type=out_type, mesh=_mesh,
                     scratch_types=scratch,
                     compiler_params=pltpu.CompilerParams(
                         needs_layout_passes=False))


def _vmem_i32(n=WIN):
    return pltpu.VMEM((n,), jnp.int32)


def kernel(data):
    sel = data[:, :, 19:67].reshape(M)
    selv = sel.reshape(NTILES, NWIN, WIN)

    g1 = _sc_call(
        _hist1_kernel,
        jax.ShapeDtypeStruct((NTILES, B1), jnp.int32),
        [pltpu.VMEM((WIN,), jnp.float32), _vmem_i32(B1)],
    )(selv)
    gs1 = _sc_call(
        functools.partial(_scan_kernel, nbkt=B1),
        jax.ShapeDtypeStruct((NTILES * B1,), jnp.int32),
        [_vmem_i32(NTILES * B1)],
    )(g1.reshape(NTILES * B1)).reshape(NTILES, B1)

    i1 = _sc_call(
        _permute1_kernel,
        jax.ShapeDtypeStruct((M,), jnp.int32),
        [pltpu.VMEM((WIN,), jnp.float32), _vmem_i32(B1)]
        + [_vmem_i32() for _ in range(2 * NBUF)]
        + [pltpu.SemaphoreType.DMA] * NBUF,
    )(selv, gs1)

    i1v = i1.reshape(NTILES, NWIN, WIN)

    g2 = _sc_call(
        _hist2_kernel,
        jax.ShapeDtypeStruct((NTILES, B2), jnp.int32),
        [_vmem_i32(), pltpu.VMEM((WIN,), jnp.float32), _vmem_i32(B2),
         pltpu.SemaphoreType.DMA],
    )(i1v, sel)
    gs2 = _sc_call(
        functools.partial(_scan_kernel, nbkt=B2),
        jax.ShapeDtypeStruct((NTILES * B2,), jnp.int32),
        [_vmem_i32(NTILES * B2)],
    )(g2.reshape(NTILES * B2)).reshape(NTILES, B2)

    iout = _sc_call(
        _permute2_kernel,
        jax.ShapeDtypeStruct((M,), jnp.int32),
        [pltpu.VMEM((WIN,), jnp.float32), _vmem_i32(B2)]
        + [_vmem_i32() for _ in range(2 * NBUF)]
        + [pltpu.SemaphoreType.DMA] * (NBUF + 1),
    )(i1v, sel, gs2)

    idx_n = iout[:N]
    vals = _sc_call(
        _gather_vals_kernel,
        jax.ShapeDtypeStruct((NTILES, NVW, WIN), jnp.float32),
        [_vmem_i32(), pltpu.VMEM((WIN,), jnp.float32),
         pltpu.SemaphoreType.DMA],
    )(idx_n.reshape(NTILES, NVW, WIN), sel)

    return (idx_n.reshape(N, 1),
            vals.reshape(N, 1).astype(jnp.float16))

# --- scband reference (transcript-rebuilt; emitter-appended) ---
"""Pipeline reference for scband-encoder-13537736917134 (READ-ONLY COPY).

The authoritative reference and input builder live on the scoring server;
editing this copy changes nothing except your own understanding.
"""

import jax, jax.numpy as jnp
import numpy as np

N = 16777216


def setup_inputs(seed: int = 0) -> dict:
    key = jax.random.key(seed)
    data = jax.random.uniform(key, (4096, 128, 128), dtype=jnp.float32)
    return {"data": data}


def reference(data):
    # Compress(data[:, :, SELECTED_ROWS], N) with SELECTED_ROWS = range(19, 67)
    sel = data[:, :, 19:67]
    output = sel.reshape(-1, 1)
    keys = jnp.abs(output - 0.5).reshape(-1)
    # torch.sort(..., dim=0, descending=True)[1] -> descending argsort
    order = jnp.argsort(-keys)
    indices = order[:N].astype(jnp.int32).reshape(-1, 1)
    values = output[order][:N].astype(jnp.float16)
    return indices, values

if __name__ == "__main__":
    import jax
    _d = setup_inputs()
    print(jax.jit(kernel)(*tuple(_d.values())))

</pallas_src>

<mosaic_0001>
#map = affine_map<(d0, d1) -> (0, 0, 0)>
#map1 = affine_map<(d0, d1) -> (0, 0)>
module attributes {stable_mosaic.version = 14 : i64} {
  func.func @_hist1_kernel(%arg0: i32, %arg1: i32, %arg2: memref<32x96x8192xf32, #tpu.memory_space<hbm>>, %arg3: memref<32x2048xi32, #tpu.memory_space<hbm>>, %arg4: memref<8192xf32, #tpu.memory_space<vmem>>, %arg5: memref<2048xi32, #tpu.memory_space<vmem>>) attributes {dimension_semantics = [#tpu.dimension_semantics<core_parallel>, #tpu.dimension_semantics<subcore_parallel>], iteration_bounds = array<i64: 2, 16>, scalar_prefetch = 0 : i64, scratch_operands = 2 : i64, tpu.core_type = #tpu.core_type<sc_vector_subcore>, window_params = [{transform_indices = #map}, {transform_indices = #map1}]} {
    %mul3A = arith.constant 2 : i32
    %mul3A_0 = arith.muli %arg1, %mul3A : i32
    %add3A = arith.addi %mul3A_0, %arg0 : i32
    %broadcast_in_dim3A = arith.constant 0 : i32
    %broadcast_in_dim3A_1 = vector.broadcast %broadcast_in_dim3A : i32 to vector<16xi32>
    %scan3A = arith.constant 0 : i32
    %scan3A_2 = arith.constant 0 : i32
    %scan3A_3 = arith.constant 128 : i32
    %scan3A_4 = arith.addi %scan3A_2, %scan3A_3 : i32
    %scan3A_5 = arith.constant 1 : i32
    %scan3A_6 = scf.for %scan3A_15 = %scan3A_2 to %scan3A_4 step %scan3A_5 iter_args(%scan3A_16 = %scan3A) -> (i32)  : i32 {
      %mul3A_17 = arith.constant 16 : i32
      %mul3A_18 = arith.muli %scan3A_15, %mul3A_17 : i32
      %swap3A = arith.index_cast %mul3A_18 : i32 to index
      %swap3A_19 = tpu.vector_load %arg5[%swap3A] {strides = array<i32>} : memref<2048xi32, #tpu.memory_space<vmem>>, vector<16xi32>,
      tpu.vector_store %arg5[%swap3A], %broadcast_in_dim3A_1 {strides = array<i32>} : memref<2048xi32, #tpu.memory_space<vmem>>, vector<16xi32>,
      %scan3A_20 = arith.constant 0 : i32
      scf.yield %scan3A_20 : i32
    }
    %scan3A_7 = arith.constant 128 : i32
    %scan3A_8 = arith.constant 0 : i32
    %scan3A_9 = arith.constant 0 : i32
    %scan3A_10 = arith.constant 96 : i32
    %scan3A_11 = arith.addi %scan3A_9, %scan3A_10 : i32
    %scan3A_12 = arith.constant 1 : i32
    %scan3A_13 = scf.for %scan3A_15 = %scan3A_9 to %scan3A_11 step %scan3A_12 iter_args(%scan3A_16 = %scan3A_8) -> (i32)  : i32 {
      "tpu.region"() ({
        %run_scoped3A = tpu.sem_alloc : memref<!tpu.dma_semaphore, #tpu.memory_space<semaphore_mem>>
        %dma_start3A = arith.constant 0 : i32
        %dma_start3A_25 = tpu.memref_slice %arg2[%add3A, %scan3A_15, %dma_start3A] : memref<32x96x8192xf32, #tpu.memory_space<hbm>> -> memref<1x1x8192xf32, #tpu.memory_space<hbm>>
        %dma_start3A_26 = tpu.memref_squeeze %dma_start3A_25 : memref<1x1x8192xf32, #tpu.memory_space<hbm>> -> memref<8192xf32, #tpu.memory_space<hbm>>
        %dma_start3A_27 = arith.constant 0 : i32
        %dma_start3A_28 = tpu.memref_slice %arg2[%add3A, %scan3A_15, %dma_start3A_27] : memref<32x96x8192xf32, #tpu.memory_space<hbm>> -> memref<1x1x8192xf32, #tpu.memory_space<hbm>>
        %dma_start3A_29 = tpu.memref_squeeze %dma_start3A_28 : memref<1x1x8192xf32, #tpu.memory_space<hbm>> -> memref<8192xf32, #tpu.memory_space<hbm>>
        tpu.enqueue_dma source(%dma_start3A_29 : memref<8192xf32, #tpu.memory_space<hbm>>) target(%arg4 : memref<8192xf32, #tpu.memory_space<vmem>>) target_semaphore(%run_scoped3A : memref<!tpu.dma_semaphore, #tpu.memory_space<semaphore_mem>>)
        %dma_wait3A = arith.constant 0 : i32
        %dma_wait3A_30 = tpu.memref_slice %arg2[%add3A, %scan3A_15, %dma_wait3A] : memref<32x96x8192xf32, #tpu.memory_space<hbm>> -> memref<1x1x8192xf32, #tpu.memory_space<hbm>>
        %dma_wait3A_31 = tpu.memref_squeeze %dma_wait3A_30 : memref<1x1x8192xf32, #tpu.memory_space<hbm>> -> memref<8192xf32, #tpu.memory_space<hbm>>
        %dma_wait3A_32 = arith.constant 0 : i32
        %dma_wait3A_33 = tpu.memref_slice %arg2[%add3A, %scan3A_15, %dma_wait3A_32] : memref<32x96x8192xf32, #tpu.memory_space<hbm>> -> memref<1x1x8192xf32, #tpu.memory_space<hbm>>
        %dma_wait3A_34 = tpu.memref_squeeze %dma_wait3A_33 : memref<1x1x8192xf32, #tpu.memory_space<hbm>> -> memref<8192xf32, #tpu.memory_space<hbm>>
        tpu.wait_dma2 semaphore(%run_scoped3A : memref<!tpu.dma_semaphore, #tpu.memory_space<semaphore_mem>>) src(%dma_wait3A_34 : memref<8192xf32, #tpu.memory_space<hbm>>) dst(%arg4 : memref<8192xf32, #tpu.memory_space<vmem>>)
        tpu.yield
      }) : () -> ()
      %scan3A_17 = arith.constant 0 : i32
      %scan3A_18 = arith.constant 0 : i32
      %scan3A_19 = arith.constant 512 : i32
      %scan3A_20 = arith.addi %scan3A_18, %scan3A_19 : i32
      %scan3A_21 = arith.constant 1 : i32
      %scan3A_22 = scf.for %scan3A_25 = %scan3A_18 to %scan3A_20 step %scan3A_21 iter_args(%scan3A_26 = %scan3A_17) -> (i32)  : i32 {
        %mul3A_27 = arith.constant 16 : i32
        %mul3A_28 = arith.muli %scan3A_25, %mul3A_27 : i32
        %get3A = arith.index_cast %mul3A_28 : i32 to index
        %get3A_29 = tpu.vector_load %arg4[%get3A] {strides = array<i32>} : memref<8192xf32, #tpu.memory_space<vmem>>, vector<16xf32>,
        %sub3A = arith.constant 5.000000e-01 : f32
        %sub3A_30 = vector.broadcast %sub3A : f32 to vector<16xf32>
        %sub3A_31 = arith.subf %get3A_29, %sub3A_30 : vector<16xf32>
        %abs3A = math.absf %sub3A_31 : vector<16xf32>
        %mul3A_32 = arith.constant 0x4B000000 : f32
        %mul3A_33 = vector.broadcast %mul3A_32 : f32 to vector<16xf32>
        %mul3A_34 = arith.mulf %abs3A, %mul3A_33 : vector<16xf32>
        %convert_element_type3A = arith.fptosi %mul3A_34 : vector<16xf32> to vector<16xi32>
        %sub3A_35 = arith.constant 4194304 : i32
        %sub3A_36 = vector.broadcast %sub3A_35 : i32 to vector<16xi32>
        %sub3A_37 = arith.subi %sub3A_36, %convert_element_type3A : vector<16xi32>
        %and3A = arith.constant 2047 : i32
        %and3A_38 = vector.broadcast %and3A : i32 to vector<16xi32>
        %and3A_39 = arith.andi %sub3A_37, %and3A_38 : vector<16xi32>
        %broadcast_in_dim3A_40 = arith.constant true
        %broadcast_in_dim3A_41 = vector.broadcast %broadcast_in_dim3A_40 : i1 to vector<16xi1>
        %unique3A, %unique3A_42 = tpu.scan_count mask(%broadcast_in_dim3A_41 : vector<16xi1>) value(%and3A_39 : vector<16xi32>) : vector<16xi1>, vector<16xi32>
        %gather3A = tpu.vector_load_idx %arg5[%and3A_39] : memref<2048xi32, #tpu.memory_space<vmem>>[vector<16xi32>], vector<16xi32>,
        %add3A_43 = arith.addi %gather3A, %unique3A_42 : vector<16xi32>
        tpu.vector_store_idx %arg5[%and3A_39], %add3A_43 masked %unique3A : memref<2048xi32, #tpu.memory_space<vmem>>[vector<16xi32>], vector<16xi32>, vector<16xi1>
        %scan3A_44 = arith.constant 0 : i32
        scf.yield %scan3A_44 : i32
      }
      %scan3A_23 = arith.constant 512 : i32
      %scan3A_24 = arith.constant 0 : i32
      scf.yield %scan3A_24 : i32
    }
    %scan3A_14 = arith.constant 96 : i32
    "tpu.region"() ({
      %run_scoped3A = tpu.sem_alloc : memref<!tpu.dma_semaphore, #tpu.memory_space<semaphore_mem>>
      %dma_start3A = arith.constant 0 : i32
      %dma_start3A_15 = tpu.memref_slice %arg3[%add3A, %dma_start3A] : memref<32x2048xi32, #tpu.memory_space<hbm>> -> memref<1x2048xi32, #tpu.memory_space<hbm>>
      %dma_start3A_16 = tpu.memref_squeeze %dma_start3A_15 : memref<1x2048xi32, #tpu.memory_space<hbm>> -> memref<2048xi32, #tpu.memory_space<hbm>>
      %dma_start3A_17 = arith.constant 0 : i32
      %dma_start3A_18 = tpu.memref_slice %arg3[%add3A, %dma_start3A_17] : memref<32x2048xi32, #tpu.memory_space<hbm>> -> memref<1x2048xi32, #tpu.memory_space<hbm>>
      %dma_start3A_19 = tpu.memref_squeeze %dma_start3A_18 : memref<1x2048xi32, #tpu.memory_space<hbm>> -> memref<2048xi32, #tpu.memory_space<hbm>>
      tpu.enqueue_dma source(%arg5 : memref<2048xi32, #tpu.memory_space<vmem>>) target(%dma_start3A_19 : memref<2048xi32, #tpu.memory_space<hbm>>) target_semaphore(%run_scoped3A : memref<!tpu.dma_semaphore, #tpu.memory_space<semaphore_mem>>)
      %dma_wait3A = arith.constant 0 : i32
      %dma_wait3A_20 = tpu.memref_slice %arg3[%add3A, %dma_wait3A] : memref<32x2048xi32, #tpu.memory_space<hbm>> -> memref<1x2048xi32, #tpu.memory_space<hbm>>
      %dma_wait3A_21 = tpu.memref_squeeze %dma_wait3A_20 : memref<1x2048xi32, #tpu.memory_space<hbm>> -> memref<2048xi32, #tpu.memory_space<hbm>>
      %dma_wait3A_22 = arith.constant 0 : i32
      %dma_wait3A_23 = tpu.memref_slice %arg3[%add3A, %dma_wait3A_22] : memref<32x2048xi32, #tpu.memory_space<hbm>> -> memref<1x2048xi32, #tpu.memory_space<hbm>>
      %dma_wait3A_24 = tpu.memref_squeeze %dma_wait3A_23 : memref<1x2048xi32, #tpu.memory_space<hbm>> -> memref<2048xi32, #tpu.memory_space<hbm>>
      tpu.wait_dma2 semaphore(%run_scoped3A : memref<!tpu.dma_semaphore, #tpu.memory_space<semaphore_mem>>) src(%arg5 : memref<2048xi32, #tpu.memory_space<vmem>>) dst(%dma_wait3A_24 : memref<2048xi32, #tpu.memory_space<hbm>>)
      tpu.yield
    }) : () -> ()
    return
  }
}

#map = affine_map<(d0, d1) -> (0)>
module attributes {stable_mosaic.version = 14 : i64} {
  func.func @_scan_kernel(%arg0: i32, %arg1: i32, %arg2: memref<65536xi32, #tpu.memory_space<hbm>>, %arg3: memref<65536xi32, #tpu.memory_space<hbm>>, %arg4: memref<65536xi32, #tpu.memory_space<vmem>>) attributes {dimension_semantics = [#tpu.dimension_semantics<core_parallel>, #tpu.dimension_semantics<subcore_parallel>], iteration_bounds = array<i64: 2, 16>, scalar_prefetch = 0 : i64, scratch_operands = 1 : i64, tpu.core_type = #tpu.core_type<sc_vector_subcore>, window_params = [{transform_indices = #map}, {transform_indices = #map}]} {
    %mul3A = arith.constant 2 : i32
    %mul3A_0 = arith.muli %arg1, %mul3A : i32
    %add3A = arith.addi %mul3A_0, %arg0 : i32
    %eq3A = arith.constant 0 : i32
    %eq3A_1 = arith.cmpi eq, %add3A, %eq3A : i32
    %convert_element_type3A = arith.extui %eq3A_1 : i1 to i32
    %cond3A = arith.constant 0 : i32
    %cond3A_2 = arith.cmpi ne, %convert_element_type3A, %cond3A : i32
    scf.if %cond3A_2 {
      "tpu.region"() ({
        %run_scoped3A = tpu.sem_alloc : memref<!tpu.dma_semaphore, #tpu.memory_space<semaphore_mem>>
        tpu.enqueue_dma source(%arg2 : memref<65536xi32, #tpu.memory_space<hbm>>) target(%arg4 : memref<65536xi32, #tpu.memory_space<vmem>>) target_semaphore(%run_scoped3A : memref<!tpu.dma_semaphore, #tpu.memory_space<semaphore_mem>>)
        tpu.wait_dma2 semaphore(%run_scoped3A : memref<!tpu.dma_semaphore, #tpu.memory_space<semaphore_mem>>) src(%arg2 : memref<65536xi32, #tpu.memory_space<hbm>>) dst(%arg4 : memref<65536xi32, #tpu.memory_space<vmem>>)
        tpu.yield
      }) : () -> ()
      %iota3A = tpu.iota {dimensions = array<i32: 0>} : vector<16xi32>
      %mul3A_3 = arith.constant 2048 : i32
      %mul3A_4 = vector.broadcast %mul3A_3 : i32 to vector<16xi32>
      %mul3A_5 = arith.muli %iota3A, %mul3A_4 : vector<16xi32>
      %add3A_6 = arith.constant 32768 : i32
      %add3A_7 = vector.broadcast %add3A_6 : i32 to vector<16xi32>
      %add3A_8 = arith.addi %mul3A_5, %add3A_7 : vector<16xi32>
      %scan3A = arith.constant 0 : i32
      %scan3A_9 = arith.constant 0 : i32
      %scan3A_10 = arith.constant 2048 : i32
      %scan3A_11 = arith.addi %scan3A_9, %scan3A_10 : i32
      %scan3A_12 = arith.constant 1 : i32
      %scan3A_13 = scf.for %scan3A_15 = %scan3A_9 to %scan3A_11 step %scan3A_12 iter_args(%scan3A_16 = %scan3A) -> (i32)  : i32 {
        %add3A_17 = vector.broadcast %scan3A_15 : i32 to vector<16xi32>
        %add3A_18 = arith.addi %mul3A_5, %add3A_17 : vector<16xi32>
        %add3A_19 = vector.broadcast %scan3A_15 : i32 to vector<16xi32>
        %add3A_20 = arith.addi %add3A_8, %add3A_19 : vector<16xi32>
        %gather3A = tpu.vector_load_idx %arg4[%add3A_18] : memref<65536xi32, #tpu.memory_space<vmem>>[vector<16xi32>], vector<16xi32>,
        %gather3A_21 = tpu.vector_load_idx %arg4[%add3A_20] : memref<65536xi32, #tpu.memory_space<vmem>>[vector<16xi32>], vector<16xi32>,
        %reduce_sum3A = arith.constant true
        %reduce_sum3A_22 = vector.broadcast %reduce_sum3A : i1 to vector<16xi1>
        %reduce_sum3A_23 = tpu.scan <sum>, %gather3A masked %reduce_sum3A_22 : vector<16xi32>, vector<16xi1> -> vector<16xi32>
        %reduce_sum3A_24 = vector.extract %reduce_sum3A_23[15] : i32 from vector<16xi32>
        %broadcast_in_dim3A = arith.constant true
        %broadcast_in_dim3A_25 = vector.broadcast %broadcast_in_dim3A : i1 to vector<16xi1>
        %masked_cumsum3A = tpu.scan <sum>, %gather3A masked %broadcast_in_dim3A_25 : vector<16xi32>, vector<16xi1> -> vector<16xi32>
        %sub3A = arith.subi %masked_cumsum3A, %gather3A : vector<16xi32>
        %add3A_26 = vector.broadcast %scan3A_16 : i32 to vector<16xi32>
        %add3A_27 = arith.addi %sub3A, %add3A_26 : vector<16xi32>
        %broadcast_in_dim3A_28 = arith.constant true
        %broadcast_in_dim3A_29 = vector.broadcast %broadcast_in_dim3A_28 : i1 to vector<16xi1>
        %masked_cumsum3A_30 = tpu.scan <sum>, %gather3A_21 masked %broadcast_in_dim3A_29 : vector<16xi32>, vector<16xi1> -> vector<16xi32>
        %sub3A_31 = arith.subi %masked_cumsum3A_30, %gather3A_21 : vector<16xi32>
        %add3A_32 = arith.addi %scan3A_16, %reduce_sum3A_24 : i32
        %add3A_33 = vector.broadcast %add3A_32 : i32 to vector<16xi32>
        %add3A_34 = arith.addi %sub3A_31, %add3A_33 : vector<16xi32>
        tpu.vector_store_idx %arg4[%add3A_18], %add3A_27 : memref<65536xi32, #tpu.memory_space<vmem>>[vector<16xi32>], vector<16xi32>,
        tpu.vector_store_idx %arg4[%add3A_20], %add3A_34 : memref<65536xi32, #tpu.memory_space<vmem>>[vector<16xi32>], vector<16xi32>,
        %add3A_35 = arith.addi %scan3A_16, %reduce_sum3A_24 : i32
        %reduce_sum3A_36 = arith.constant true
        %reduce_sum3A_37 = vector.broadcast %reduce_sum3A_36 : i1 to vector<16xi1>
        %reduce_sum3A_38 = tpu.scan <sum>, %gather3A_21 masked %reduce_sum3A_37 : vector<16xi32>, vector<16xi1> -> vector<16xi32>
        %reduce_sum3A_39 = vector.extract %reduce_sum3A_38[15] : i32 from vector<16xi32>
        %add3A_40 = arith.addi %add3A_35, %reduce_sum3A_39 : i32
        scf.yield %add3A_40 : i32
      }
      %scan3A_14 = arith.constant 2048 : i32
      "tpu.region"() ({
        %run_scoped3A = tpu.sem_alloc : memref<!tpu.dma_semaphore, #tpu.memory_space<semaphore_mem>>
        tpu.enqueue_dma source(%arg4 : memref<65536xi32, #tpu.memory_space<vmem>>) target(%arg3 : memref<65536xi32, #tpu.memory_space<hbm>>) target_semaphore(%run_scoped3A : memref<!tpu.dma_semaphore, #tpu.memory_space<semaphore_mem>>)
        tpu.wait_dma2 semaphore(%run_scoped3A : memref<!tpu.dma_semaphore, #tpu.memory_space<semaphore_mem>>) src(%arg4 : memref<65536xi32, #tpu.memory_space<vmem>>) dst(%arg3 : memref<65536xi32, #tpu.memory_space<hbm>>)
        tpu.yield
      }) : () -> ()
    } else {
    }
    return
  }
}

#map = affine_map<(d0, d1) -> (0, 0, 0)>
#map1 = affine_map<(d0, d1) -> (0, 0)>
#map2 = affine_map<(d0, d1) -> (0)>
module attributes {stable_mosaic.version = 14 : i64} {
  func.func @_permute1_kernel(%arg0: i32, %arg1: i32, %arg2: memref<32x96x8192xf32, #tpu.memory_space<hbm>>, %arg3: memref<32x2048xi32, #tpu.memory_space<hbm>>, %arg4: memref<25165824xi32, #tpu.memory_space<hbm>>, %arg5: memref<8192xf32, #tpu.memory_space<vmem>>, %arg6: memref<2048xi32, #tpu.memory_space<vmem>>, %arg7: memref<8192xi32, #tpu.memory_space<vmem>>, %arg8: memref<8192xi32, #tpu.memory_space<vmem>>, %arg9: memref<8192xi32, #tpu.memory_space<vmem>>, %arg10: memref<8192xi32, #tpu.memory_space<vmem>>, %arg11: memref<8192xi32, #tpu.memory_space<vmem>>, %arg12: memref<8192xi32, #tpu.memory_space<vmem>>, %arg13: memref<8192xi32, #tpu.memory_space<vmem>>, %arg14: memref<8192xi32, #tpu.memory_space<vmem>>, %arg15: memref<!tpu.dma_semaphore, #tpu.memory_space<semaphore_mem>>, %arg16: memref<!tpu.dma_semaphore, #tpu.memory_space<semaphore_mem>>, %arg17: memref<!tpu.dma_semaphore, #tpu.memory_space<semaphore_mem>>, %arg18: memref<!tpu.dma_semaphore, #tpu.memory_space<semaphore_mem>>) attributes {dimension_semantics = [#tpu.dimension_semantics<core_parallel>, #tpu.dimension_semantics<subcore_parallel>], iteration_bounds = array<i64: 2, 16>, scalar_prefetch = 0 : i64, scratch_operands = 14 : i64, tpu.core_type = #tpu.core_type<sc_vector_subcore>, window_params = [{transform_indices = #map}, {transform_indices = #map1}, {transform_indices = #map2}]} {
    %mul3A = arith.constant 2 : i32
    %mul3A_0 = arith.muli %arg1, %mul3A : i32
    %add3A = arith.addi %mul3A_0, %arg0 : i32
    %iota3A = tpu.iota {dimensions = array<i32: 0>} : vector<16xi32>
    "tpu.region"() ({
      %run_scoped3A = tpu.sem_alloc : memref<!tpu.dma_semaphore, #tpu.memory_space<semaphore_mem>>
      %dma_start3A = arith.constant 0 : i32
      %dma_start3A_14 = tpu.memref_slice %arg3[%add3A, %dma_start3A] : memref<32x2048xi32, #tpu.memory_space<hbm>> -> memref<1x2048xi32, #tpu.memory_space<hbm>>
      %dma_start3A_15 = tpu.memref_squeeze %dma_start3A_14 : memref<1x2048xi32, #tpu.memory_space<hbm>> -> memref<2048xi32, #tpu.memory_space<hbm>>
      %dma_start3A_16 = arith.constant 0 : i32
      %dma_start3A_17 = tpu.memref_slice %arg3[%add3A, %dma_start3A_16] : memref<32x2048xi32, #tpu.memory_space<hbm>> -> memref<1x2048xi32, #tpu.memory_space<hbm>>
      %dma_start3A_18 = tpu.memref_squeeze %dma_start3A_17 : memref<1x2048xi32, #tpu.memory_space<hbm>> -> memref<2048xi32, #tpu.memory_space<hbm>>
      tpu.enqueue_dma source(%dma_start3A_18 : memref<2048xi32, #tpu.memory_space<hbm>>) target(%arg6 : memref<2048xi32, #tpu.memory_space<vmem>>) target_semaphore(%run_scoped3A : memref<!tpu.dma_semaphore, #tpu.memory_space<semaphore_mem>>)
      %dma_wait3A_19 = arith.constant 0 : i32
      %dma_wait3A_20 = tpu.memref_slice %arg3[%add3A, %dma_wait3A_19] : memref<32x2048xi32, #tpu.memory_space<hbm>> -> memref<1x2048xi32, #tpu.memory_space<hbm>>
      %dma_wait3A_21 = tpu.memref_squeeze %dma_wait3A_20 : memref<1x2048xi32, #tpu.memory_space<hbm>> -> memref<2048xi32, #tpu.memory_space<hbm>>
      %dma_wait3A_22 = arith.constant 0 : i32
      %dma_wait3A_23 = tpu.memref_slice %arg3[%add3A, %dma_wait3A_22] : memref<32x2048xi32, #tpu.memory_space<hbm>> -> memref<1x2048xi32, #tpu.memory_space<hbm>>
      %dma_wait3A_24 = tpu.memref_squeeze %dma_wait3A_23 : memref<1x2048xi32, #tpu.memory_space<hbm>> -> memref<2048xi32, #tpu.memory_space<hbm>>
      tpu.wait_dma2 semaphore(%run_scoped3A : memref<!tpu.dma_semaphore, #tpu.memory_space<semaphore_mem>>) src(%dma_wait3A_24 : memref<2048xi32, #tpu.memory_space<hbm>>) dst(%arg6 : memref<2048xi32, #tpu.memory_space<vmem>>)
      tpu.yield
    }) : () -> ()
    %scan3A = arith.constant 0 : i32
    %scan3A_1 = arith.constant 0 : i32
    %scan3A_2 = arith.constant 24 : i32
    %scan3A_3 = arith.addi %scan3A_1, %scan3A_2 : i32
    %scan3A_4 = arith.constant 1 : i32
    %scan3A_5 = scf.for %scan3A_14 = %scan3A_1 to %scan3A_3 step %scan3A_4 iter_args(%scan3A_15 = %scan3A) -> (i32)  : i32 {
      %mul3A_16 = arith.constant 4 : i32
      %mul3A_17 = arith.muli %scan3A_14, %mul3A_16 : i32
      %add3A_18 = arith.constant 0 : i32
      %add3A_19 = arith.addi %mul3A_17, %add3A_18 : i32
      %gt3A = arith.constant 0 : i32
      %gt3A_20 = arith.cmpi sgt, %scan3A_14, %gt3A : i32
      %convert_element_type3A = arith.extui %gt3A_20 : i1 to i32
      %cond3A = arith.constant 0 : i32
      %cond3A_21 = arith.cmpi ne, %convert_element_type3A, %cond3A : i32
      scf.if %cond3A_21 {
        %dma_wait3A_105 = arith.constant 0 : i32
        %dma_wait3A_106 = tpu.memref_slice %arg4[%dma_wait3A_105] : memref<25165824xi32, #tpu.memory_space<hbm>> -> memref<25165824xi32, #tpu.memory_space<hbm>>
        tpu.wait_indirect_dma semaphore(%arg15 : memref<!tpu.dma_semaphore, #tpu.memory_space<semaphore_mem>>) src(%arg7 : memref<8192xi32, #tpu.memory_space<vmem>>) dst(%dma_wait3A_106 : memref<25165824xi32, #tpu.memory_space<hbm>>)
      } else {
      }
      "tpu.region"() ({
        %run_scoped3A = tpu.sem_alloc : memref<!tpu.dma_semaphore, #tpu.memory_space<semaphore_mem>>
        %dma_start3A_105 = arith.constant 0 : i32
        %dma_start3A_106 = tpu.memref_slice %arg2[%add3A, %add3A_19, %dma_start3A_105] : memref<32x96x8192xf32, #tpu.memory_space<hbm>> -> memref<1x1x8192xf32, #tpu.memory_space<hbm>>
        %dma_start3A_107 = tpu.memref_squeeze %dma_start3A_106 : memref<1x1x8192xf32, #tpu.memory_space<hbm>> -> memref<8192xf32, #tpu.memory_space<hbm>>
        %dma_start3A_108 = arith.constant 0 : i32
        %dma_start3A_109 = tpu.memref_slice %arg2[%add3A, %add3A_19, %dma_start3A_108] : memref<32x96x8192xf32, #tpu.memory_space<hbm>> -> memref<1x1x8192xf32, #tpu.memory_space<hbm>>
        %dma_start3A_110 = tpu.memref_squeeze %dma_start3A_109 : memref<1x1x8192xf32, #tpu.memory_space<hbm>> -> memref<8192xf32, #tpu.memory_space<hbm>>
        tpu.enqueue_dma source(%dma_start3A_110 : memref<8192xf32, #tpu.memory_space<hbm>>) target(%arg5 : memref<8192xf32, #tpu.memory_space<vmem>>) target_semaphore(%run_scoped3A : memref<!tpu.dma_semaphore, #tpu.memory_space<semaphore_mem>>)
        %dma_wait3A_111 = arith.constant 0 : i32
        %dma_wait3A_112 = tpu.memref_slice %arg2[%add3A, %add3A_19, %dma_wait3A_111] : memref<32x96x8192xf32, #tpu.memory_space<hbm>> -> memref<1x1x8192xf32, #tpu.memory_space<hbm>>
        %dma_wait3A_113 = tpu.memref_squeeze %dma_wait3A_112 : memref<1x1x8192xf32, #tpu.memory_space<hbm>> -> memref<8192xf32, #tpu.memory_space<hbm>>
        %dma_wait3A_114 = arith.constant 0 : i32
        %dma_wait3A_115 = tpu.memref_slice %arg2[%add3A, %add3A_19, %dma_wait3A_114] : memref<32x96x8192xf32, #tpu.memory_space<hbm>> -> memref<1x1x8192xf32, #tpu.memory_space<hbm>>
        %dma_wait3A_116 = tpu.memref_squeeze %dma_wait3A_115 : memref<1x1x8192xf32, #tpu.memory_space<hbm>> -> memref<8192xf32, #tpu.memory_space<hbm>>
        tpu.wait_dma2 semaphore(%run_scoped3A : memref<!tpu.dma_semaphore, #tpu.memory_space<semaphore_mem>>) src(%dma_wait3A_116 : memref<8192xf32, #tpu.memory_space<hbm>>) dst(%arg5 : memref<8192xf32, #tpu.memory_space<vmem>>)
        tpu.yield
      }) : () -> ()
      %mul3A_22 = arith.constant 786432 : i32
      %mul3A_23 = arith.muli %add3A, %mul3A_22 : i32
      %mul3A_24 = arith.constant 8192 : i32
      %mul3A_25 = arith.muli %add3A_19, %mul3A_24 : i32
      %add3A_26 = arith.addi %mul3A_23, %mul3A_25 : i32
      %scan3A_27 = arith.constant 0 : i32
      %scan3A_28 = arith.constant 0 : i32
      %scan3A_29 = arith.constant 512 : i32
      %scan3A_30 = arith.addi %scan3A_28, %scan3A_29 : i32
      %scan3A_31 = arith.constant 1 : i32
      %scan3A_32 = scf.for %scan3A_105 = %scan3A_28 to %scan3A_30 step %scan3A_31 iter_args(%scan3A_106 = %scan3A_27) -> (i32)  : i32 {
        %mul3A_107 = arith.constant 16 : i32
        %mul3A_108 = arith.muli %scan3A_105, %mul3A_107 : i32
        %get3A = arith.index_cast %mul3A_108 : i32 to index
        %get3A_109 = tpu.vector_load %arg5[%get3A] {strides = array<i32>} : memref<8192xf32, #tpu.memory_space<vmem>>, vector<16xf32>,
        %sub3A = arith.constant 5.000000e-01 : f32
        %sub3A_110 = vector.broadcast %sub3A : f32 to vector<16xf32>
        %sub3A_111 = arith.subf %get3A_109, %sub3A_110 : vector<16xf32>
        %abs3A = math.absf %sub3A_111 : vector<16xf32>
        %mul3A_112 = arith.constant 0x4B000000 : f32
        %mul3A_113 = vector.broadcast %mul3A_112 : f32 to vector<16xf32>
        %mul3A_114 = arith.mulf %abs3A, %mul3A_113 : vector<16xf32>
        %convert_element_type3A_115 = arith.fptosi %mul3A_114 : vector<16xf32> to vector<16xi32>
        %sub3A_116 = arith.constant 4194304 : i32
        %sub3A_117 = vector.broadcast %sub3A_116 : i32 to vector<16xi32>
        %sub3A_118 = arith.subi %sub3A_117, %convert_element_type3A_115 : vector<16xi32>
        %and3A = arith.constant 2047 : i32
        %and3A_119 = vector.broadcast %and3A : i32 to vector<16xi32>
        %and3A_120 = arith.andi %sub3A_118, %and3A_119 : vector<16xi32>
        %broadcast_in_dim3A = arith.constant true
        %broadcast_in_dim3A_121 = vector.broadcast %broadcast_in_dim3A : i1 to vector<16xi1>
        %unique3A, %unique3A_122 = tpu.scan_count mask(%broadcast_in_dim3A_121 : vector<16xi1>) value(%and3A_120 : vector<16xi32>) : vector<16xi1>, vector<16xi32>
        %gather3A = tpu.vector_load_idx %arg6[%and3A_120] : memref<2048xi32, #tpu.memory_space<vmem>>[vector<16xi32>], vector<16xi32>,
        %add3A_123 = arith.addi %gather3A, %unique3A_122 : vector<16xi32>
        %sub3A_124 = arith.constant 1 : i32
        %sub3A_125 = vector.broadcast %sub3A_124 : i32 to vector<16xi32>
        %sub3A_126 = arith.subi %add3A_123, %sub3A_125 : vector<16xi32>
        %add3A_127 = arith.constant 1 : i32
        %add3A_128 = vector.broadcast %add3A_127 : i32 to vector<16xi32>
        %add3A_129 = arith.addi %sub3A_126, %add3A_128 : vector<16xi32>
        tpu.vector_store_idx %arg6[%and3A_120], %add3A_129 masked %unique3A : memref<2048xi32, #tpu.memory_space<vmem>>[vector<16xi32>], vector<16xi32>, vector<16xi1>
        %mul3A_130 = arith.constant 16 : i32
        %mul3A_131 = arith.muli %scan3A_105, %mul3A_130 : i32
        %add3A_132 = arith.addi %add3A_26, %mul3A_131 : i32
        %add3A_133 = vector.broadcast %add3A_132 : i32 to vector<16xi32>
        %add3A_134 = arith.addi %add3A_133, %iota3A : vector<16xi32>
        %mul3A_135 = arith.constant 16 : i32
        %mul3A_136 = arith.muli %scan3A_105, %mul3A_135 : i32
        %swap3A = arith.index_cast %mul3A_136 : i32 to index
        %swap3A_137 = tpu.vector_load %arg7[%swap3A] {strides = array<i32>} : memref<8192xi32, #tpu.memory_space<vmem>>, vector<16xi32>,
        tpu.vector_store %arg7[%swap3A], %add3A_134 {strides = array<i32>} : memref<8192xi32, #tpu.memory_space<vmem>>, vector<16xi32>,
        %mul3A_138 = arith.constant 16 : i32
        %mul3A_139 = arith.muli %scan3A_105, %mul3A_138 : i32
        %swap3A_140 = arith.index_cast %mul3A_139 : i32 to index
        %swap3A_141 = tpu.vector_load %arg11[%swap3A_140] {strides = array<i32>} : memref<8192xi32, #tpu.memory_space<vmem>>, vector<16xi32>,
        tpu.vector_store %arg11[%swap3A_140], %sub3A_126 {strides = array<i32>} : memref<8192xi32, #tpu.memory_space<vmem>>, vector<16xi32>,
        %scan3A_142 = arith.constant 0 : i32
        scf.yield %scan3A_142 : i32
      }
      %scan3A_33 = arith.constant 512 : i32
      %dma_start3A = arith.constant 0 : i32
      %dma_start3A_34 = tpu.memref_slice %arg4[%dma_start3A] : memref<25165824xi32, #tpu.memory_space<hbm>> -> memref<25165824xi32, #tpu.memory_space<hbm>>
      tpu.enqueue_indirect_dma source(%arg7 : memref<8192xi32, #tpu.memory_space<vmem>>) target(%dma_start3A_34 : memref<25165824xi32, #tpu.memory_space<hbm>>) offsets(%arg11 : memref<8192xi32, #tpu.memory_space<vmem>>) semaphore(%arg15 : memref<!tpu.dma_semaphore, #tpu.memory_space<semaphore_mem>>)
      %mul3A_35 = arith.constant 4 : i32
      %mul3A_36 = arith.muli %scan3A_14, %mul3A_35 : i32
      %add3A_37 = arith.constant 1 : i32
      %add3A_38 = arith.addi %mul3A_36, %add3A_37 : i32
      %gt3A_39 = arith.constant 0 : i32
      %gt3A_40 = arith.cmpi sgt, %scan3A_14, %gt3A_39 : i32
      %convert_element_type3A_41 = arith.extui %gt3A_40 : i1 to i32
      %cond3A_42 = arith.constant 0 : i32
      %cond3A_43 = arith.cmpi ne, %convert_element_type3A_41, %cond3A_42 : i32
      scf.if %cond3A_43 {
        %dma_wait3A_105 = arith.constant 0 : i32
        %dma_wait3A_106 = tpu.memref_slice %arg4[%dma_wait3A_105] : memref<25165824xi32, #tpu.memory_space<hbm>> -> memref<25165824xi32, #tpu.memory_space<hbm>>
        tpu.wait_indirect_dma semaphore(%arg16 : memref<!tpu.dma_semaphore, #tpu.memory_space<semaphore_mem>>) src(%arg8 : memref<8192xi32, #tpu.memory_space<vmem>>) dst(%dma_wait3A_106 : memref<25165824xi32, #tpu.memory_space<hbm>>)
      } else {
      }
      "tpu.region"() ({
        %run_scoped3A = tpu.sem_alloc : memref<!tpu.dma_semaphore, #tpu.memory_space<semaphore_mem>>
        %dma_start3A_105 = arith.constant 0 : i32
        %dma_start3A_106 = tpu.memref_slice %arg2[%add3A, %add3A_38, %dma_start3A_105] : memref<32x96x8192xf32, #tpu.memory_space<hbm>> -> memref<1x1x8192xf32, #tpu.memory_space<hbm>>
        %dma_start3A_107 = tpu.memref_squeeze %dma_start3A_106 : memref<1x1x8192xf32, #tpu.memory_space<hbm>> -> memref<8192xf32, #tpu.memory_space<hbm>>
        %dma_start3A_108 = arith.constant 0 : i32
        %dma_start3A_109 = tpu.memref_slice %arg2[%add3A, %add3A_38, %dma_start3A_108] : memref<32x96x8192xf32, #tpu.memory_space<hbm>> -> memref<1x1x8192xf32, #tpu.memory_space<hbm>>
        %dma_start3A_110 = tpu.memref_squeeze %dma_start3A_109 : memref<1x1x8192xf32, #tpu.memory_space<hbm>> -> memref<8192xf32, #tpu.memory_space<hbm>>
        tpu.enqueue_dma source(%dma_start3A_110 : memref<8192xf32, #tpu.memory_space<hbm>>) target(%arg5 : memref<8192xf32, #tpu.memory_space<vmem>>) target_semaphore(%run_scoped3A : memref<!tpu.dma_semaphore, #tpu.memory_space<semaphore_mem>>)
        %dma_wait3A_111 = arith.constant 0 : i32
        %dma_wait3A_112 = tpu.memref_slice %arg2[%add3A, %add3A_38, %dma_wait3A_111] : memref<32x96x8192xf32, #tpu.memory_space<hbm>> -> memref<1x1x8192xf32, #tpu.memory_space<hbm>>
        %dma_wait3A_113 = tpu.memref_squeeze %dma_wait3A_112 : memref<1x1x8192xf32, #tpu.memory_space<hbm>> -> memref<8192xf32, #tpu.memory_space<hbm>>
        %dma_wait3A_114 = arith.constant 0 : i32
        %dma_wait3A_115 = tpu.memref_slice %arg2[%add3A, %add3A_38, %dma_wait3A_114] : memref<32x96x8192xf32, #tpu.memory_space<hbm>> -> memref<1x1x8192xf32, #tpu.memory_space<hbm>>
        %dma_wait3A_116 = tpu.memref_squeeze %dma_wait3A_115 : memref<1x1x8192xf32, #tpu.memory_space<hbm>> -> memref<8192xf32, #tpu.memory_space<hbm>>
        tpu.wait_dma2 semaphore(%run_scoped3A : memref<!tpu.dma_semaphore, #tpu.memory_space<semaphore_mem>>) src(%dma_wait3A_116 : memref<8192xf32, #tpu.memory_space<hbm>>) dst(%arg5 : memref<8192xf32, #tpu.memory_space<vmem>>)
        tpu.yield
      }) : () -> ()
      %mul3A_44 = arith.constant 786432 : i32
      %mul3A_45 = arith.muli %add3A, %mul3A_44 : i32
      %mul3A_46 = arith.constant 8192 : i32
      %mul3A_47 = arith.muli %add3A_38, %mul3A_46 : i32
      %add3A_48 = arith.addi %mul3A_45, %mul3A_47 : i32
      %scan3A_49 = arith.constant 0 : i32
      %scan3A_50 = arith.constant 0 : i32
      %scan3A_51 = arith.constant 512 : i32
      %scan3A_52 = arith.addi %scan3A_50, %scan3A_51 : i32
      %scan3A_53 = arith.constant 1 : i32
      %scan3A_54 = scf.for %scan3A_105 = %scan3A_50 to %scan3A_52 step %scan3A_53 iter_args(%scan3A_106 = %scan3A_49) -> (i32)  : i32 {
        %mul3A_107 = arith.constant 16 : i32
        %mul3A_108 = arith.muli %scan3A_105, %mul3A_107 : i32
        %get3A = arith.index_cast %mul3A_108 : i32 to index
        %get3A_109 = tpu.vector_load %arg5[%get3A] {strides = array<i32>} : memref<8192xf32, #tpu.memory_space<vmem>>, vector<16xf32>,
        %sub3A = arith.constant 5.000000e-01 : f32
        %sub3A_110 = vector.broadcast %sub3A : f32 to vector<16xf32>
        %sub3A_111 = arith.subf %get3A_109, %sub3A_110 : vector<16xf32>
        %abs3A = math.absf %sub3A_111 : vector<16xf32>
        %mul3A_112 = arith.constant 0x4B000000 : f32
        %mul3A_113 = vector.broadcast %mul3A_112 : f32 to vector<16xf32>
        %mul3A_114 = arith.mulf %abs3A, %mul3A_113 : vector<16xf32>
        %convert_element_type3A_115 = arith.fptosi %mul3A_114 : vector<16xf32> to vector<16xi32>
        %sub3A_116 = arith.constant 4194304 : i32
        %sub3A_117 = vector.broadcast %sub3A_116 : i32 to vector<16xi32>
        %sub3A_118 = arith.subi %sub3A_117, %convert_element_type3A_115 : vector<16xi32>
        %and3A = arith.constant 2047 : i32
        %and3A_119 = vector.broadcast %and3A : i32 to vector<16xi32>
        %and3A_120 = arith.andi %sub3A_118, %and3A_119 : vector<16xi32>
        %broadcast_in_dim3A = arith.constant true
        %broadcast_in_dim3A_121 = vector.broadcast %broadcast_in_dim3A : i1 to vector<16xi1>
        %unique3A, %unique3A_122 = tpu.scan_count mask(%broadcast_in_dim3A_121 : vector<16xi1>) value(%and3A_120 : vector<16xi32>) : vector<16xi1>, vector<16xi32>
        %gather3A = tpu.vector_load_idx %arg6[%and3A_120] : memref<2048xi32, #tpu.memory_space<vmem>>[vector<16xi32>], vector<16xi32>,
        %add3A_123 = arith.addi %gather3A, %unique3A_122 : vector<16xi32>
        %sub3A_124 = arith.constant 1 : i32
        %sub3A_125 = vector.broadcast %sub3A_124 : i32 to vector<16xi32>
        %sub3A_126 = arith.subi %add3A_123, %sub3A_125 : vector<16xi32>
        %add3A_127 = arith.constant 1 : i32
        %add3A_128 = vector.broadcast %add3A_127 : i32 to vector<16xi32>
        %add3A_129 = arith.addi %sub3A_126, %add3A_128 : vector<16xi32>
        tpu.vector_store_idx %arg6[%and3A_120], %add3A_129 masked %unique3A : memref<2048xi32, #tpu.memory_space<vmem>>[vector<16xi32>], vector<16xi32>, vector<16xi1>
        %mul3A_130 = arith.constant 16 : i32
        %mul3A_131 = arith.muli %scan3A_105, %mul3A_130 : i32
        %add3A_132 = arith.addi %add3A_48, %mul3A_131 : i32
        %add3A_133 = vector.broadcast %add3A_132 : i32 to vector<16xi32>
        %add3A_134 = arith.addi %add3A_133, %iota3A : vector<16xi32>
        %mul3A_135 = arith.constant 16 : i32
        %mul3A_136 = arith.muli %scan3A_105, %mul3A_135 : i32
        %swap3A = arith.index_cast %mul3A_136 : i32 to index
        %swap3A_137 = tpu.vector_load %arg8[%swap3A] {strides = array<i32>} : memref<8192xi32, #tpu.memory_space<vmem>>, vector<16xi32>,
        tpu.vector_store %arg8[%swap3A], %add3A_134 {strides = array<i32>} : memref<8192xi32, #tpu.memory_space<vmem>>, vector<16xi32>,
        %mul3A_138 = arith.constant 16 : i32
        %mul3A_139 = arith.muli %scan3A_105, %mul3A_138 : i32
        %swap3A_140 = arith.index_cast %mul3A_139 : i32 to index
        %swap3A_141 = tpu.vector_load %arg12[%swap3A_140] {strides = array<i32>} : memref<8192xi32, #tpu.memory_space<vmem>>, vector<16xi32>,
        tpu.vector_store %arg12[%swap3A_140], %sub3A_126 {strides = array<i32>} : memref<8192xi32, #tpu.memory_space<vmem>>, vector<16xi32>,
        %scan3A_142 = arith.constant 0 : i32
        scf.yield %scan3A_142 : i32
      }
      %scan3A_55 = arith.constant 512 : i32
      %dma_start3A_56 = arith.constant 0 : i32
      %dma_start3A_57 = tpu.memref_slice %arg4[%dma_start3A_56] : memref<25165824xi32, #tpu.memory_space<hbm>> -> memref<25165824xi32, #tpu.memory_space<hbm>>
      tpu.enqueue_indirect_dma source(%arg8 : memref<8192xi32, #tpu.memory_space<vmem>>) target(%dma_start3A_57 : memref<25165824xi32, #tpu.memory_space<hbm>>) offsets(%arg12 : memref<8192xi32, #tpu.memory_space<vmem>>) semaphore(%arg16 : memref<!tpu.dma_semaphore, #tpu.memory_space<semaphore_mem>>)
      %mul3A_58 = arith.constant 4 : i32
      %mul3A_59 = arith.muli %scan3A_14, %mul3A_58 : i32
      %add3A_60 = arith.constant 2 : i32
      %add3A_61 = arith.addi %mul3A_59, %add3A_60 : i32
      %gt3A_62 = arith.constant 0 : i32
      %gt3A_63 = arith.cmpi sgt, %scan3A_14, %gt3A_62 : i32
      %convert_element_type3A_64 = arith.extui %gt3A_63 : i1 to i32
      %cond3A_65 = arith.constant 0 : i32
      %cond3A_66 = arith.cmpi ne, %convert_element_type3A_64, %cond3A_65 : i32
      scf.if %cond3A_66 {
        %dma_wait3A_105 = arith.constant 0 : i32
        %dma_wait3A_106 = tpu.memref_slice %arg4[%dma_wait3A_105] : memref<25165824xi32, #tpu.memory_space<hbm>> -> memref<25165824xi32, #tpu.memory_space<hbm>>
        tpu.wait_indirect_dma semaphore(%arg17 : memref<!tpu.dma_semaphore, #tpu.memory_space<semaphore_mem>>) src(%arg9 : memref<8192xi32, #tpu.memory_space<vmem>>) dst(%dma_wait3A_106 : memref<25165824xi32, #tpu.memory_space<hbm>>)
      } else {
      }
      "tpu.region"() ({
        %run_scoped3A = tpu.sem_alloc : memref<!tpu.dma_semaphore, #tpu.memory_space<semaphore_mem>>
        %dma_start3A_105 = arith.constant 0 : i32
        %dma_start3A_106 = tpu.memref_slice %arg2[%add3A, %add3A_61, %dma_start3A_105] : memref<32x96x8192xf32, #tpu.memory_space<hbm>> -> memref<1x1x8192xf32, #tpu.memory_space<hbm>>
        %dma_start3A_107 = tpu.memref_squeeze %dma_start3A_106 : memref<1x1x8192xf32, #tpu.memory_space<hbm>> -> memref<8192xf32, #tpu.memory_space<hbm>>
        %dma_start3A_108 = arith.constant 0 : i32
        %dma_start3A_109 = tpu.memref_slice %arg2[%add3A, %add3A_61, %dma_start3A_108] : memref<32x96x8192xf32, #tpu.memory_space<hbm>> -> memref<1x1x8192xf32, #tpu.memory_space<hbm>>
        %dma_start3A_110 = tpu.memref_squeeze %dma_start3A_109 : memref<1x1x8192xf32, #tpu.memory_space<hbm>> -> memref<8192xf32, #tpu.memory_space<hbm>>
        tpu.enqueue_dma source(%dma_start3A_110 : memref<8192xf32, #tpu.memory_space<hbm>>) target(%arg5 : memref<8192xf32, #tpu.memory_space<vmem>>) target_semaphore(%run_scoped3A : memref<!tpu.dma_semaphore, #tpu.memory_space<semaphore_mem>>)
        %dma_wait3A_111 = arith.constant 0 : i32
        %dma_wait3A_112 = tpu.memref_slice %arg2[%add3A, %add3A_61, %dma_wait3A_111] : memref<32x96x8192xf32, #tpu.memory_space<hbm>> -> memref<1x1x8192xf32, #tpu.memory_space<hbm>>
        %dma_wait3A_113 = tpu.memref_squeeze %dma_wait3A_112 : memref<1x1x8192xf32, #tpu.memory_space<hbm>> -> memref<8192xf32, #tpu.memory_space<hbm>>
        %dma_wait3A_114 = arith.constant 0 : i32
        %dma_wait3A_115 = tpu.memref_slice %arg2[%add3A, %add3A_61, %dma_wait3A_114] : memref<32x96x8192xf32, #tpu.memory_space<hbm>> -> memref<1x1x8192xf32, #tpu.memory_space<hbm>>
        %dma_wait3A_116 = tpu.memref_squeeze %dma_wait3A_115 : memref<1x1x8192xf32, #tpu.memory_space<hbm>> -> memref<8192xf32, #tpu.memory_space<hbm>>
        tpu.wait_dma2 semaphore(%run_scoped3A : memref<!tpu.dma_semaphore, #tpu.memory_space<semaphore_mem>>) src(%dma_wait3A_116 : memref<8192xf32, #tpu.memory_space<hbm>>) dst(%arg5 : memref<8192xf32, #tpu.memory_space<vmem>>)
        tpu.yield
      }) : () -> ()
      %mul3A_67 = arith.constant 786432 : i32
      %mul3A_68 = arith.muli %add3A, %mul3A_67 : i32
      %mul3A_69 = arith.constant 8192 : i32
      %mul3A_70 = arith.muli %add3A_61, %mul3A_69 : i32
      %add3A_71 = arith.addi %mul3A_68, %mul3A_70 : i32
      %scan3A_72 = arith.constant 0 : i32
      %scan3A_73 = arith.constant 0 : i32
      %scan3A_74 = arith.constant 512 : i32
      %scan3A_75 = arith.addi %scan3A_73, %scan3A_74 : i32
      %scan3A_76 = arith.constant 1 : i32
      %scan3A_77 = scf.for %scan3A_105 = %scan3A_73 to %scan3A_75 step %scan3A_76 iter_args(%scan3A_106 = %scan3A_72) -> (i32)  : i32 {
        %mul3A_107 = arith.constant 16 : i32
        %mul3A_108 = arith.muli %scan3A_105, %mul3A_107 : i32
        %get3A = arith.index_cast %mul3A_108 : i32 to index
        %get3A_109 = tpu.vector_load %arg5[%get3A] {strides = array<i32>} : memref<8192xf32, #tpu.memory_space<vmem>>, vector<16xf32>,
        %sub3A = arith.constant 5.000000e-01 : f32
        %sub3A_110 = vector.broadcast %sub3A : f32 to vector<16xf32>
        %sub3A_111 = arith.subf %get3A_109, %sub3A_110 : vector<16xf32>
        %abs3A = math.absf %sub3A_111 : vector<16xf32>
        %mul3A_112 = arith.constant 0x4B000000 : f32
        %mul3A_113 = vector.broadcast %mul3A_112 : f32 to vector<16xf32>
        %mul3A_114 = arith.mulf %abs3A, %mul3A_113 : vector<16xf32>
        %convert_element_type3A_115 = arith.fptosi %mul3A_114 : vector<16xf32> to vector<16xi32>
        %sub3A_116 = arith.constant 4194304 : i32
        %sub3A_117 = vector.broadcast %sub3A_116 : i32 to vector<16xi32>
        %sub3A_118 = arith.subi %sub3A_117, %convert_element_type3A_115 : vector<16xi32>
        %and3A = arith.constant 2047 : i32
        %and3A_119 = vector.broadcast %and3A : i32 to vector<16xi32>
        %and3A_120 = arith.andi %sub3A_118, %and3A_119 : vector<16xi32>
        %broadcast_in_dim3A = arith.constant true
        %broadcast_in_dim3A_121 = vector.broadcast %broadcast_in_dim3A : i1 to vector<16xi1>
        %unique3A, %unique3A_122 = tpu.scan_count mask(%broadcast_in_dim3A_121 : vector<16xi1>) value(%and3A_120 : vector<16xi32>) : vector<16xi1>, vector<16xi32>
        %gather3A = tpu.vector_load_idx %arg6[%and3A_120] : memref<2048xi32, #tpu.memory_space<vmem>>[vector<16xi32>], vector<16xi32>,
        %add3A_123 = arith.addi %gather3A, %unique3A_122 : vector<16xi32>
        %sub3A_124 = arith.constant 1 : i32
        %sub3A_125 = vector.broadcast %sub3A_124 : i32 to vector<16xi32>
        %sub3A_126 = arith.subi %add3A_123, %sub3A_125 : vector<16xi32>
        %add3A_127 = arith.constant 1 : i32
        %add3A_128 = vector.broadcast %add3A_127 : i32 to vector<16xi32>
        %add3A_129 = arith.addi %sub3A_126, %add3A_128 : vector<16xi32>
        tpu.vector_store_idx %arg6[%and3A_120], %add3A_129 masked %unique3A : memref<2048xi32, #tpu.memory_space<vmem>>[vector<16xi32>], vector<16xi32>, vector<16xi1>
        %mul3A_130 = arith.constant 16 : i32
        %mul3A_131 = arith.muli %scan3A_105, %mul3A_130 : i32
        %add3A_132 = arith.addi %add3A_71, %mul3A_131 : i32
        %add3A_133 = vector.broadcast %add3A_132 : i32 to vector<16xi32>
        %add3A_134 = arith.addi %add3A_133, %iota3A : vector<16xi32>
        %mul3A_135 = arith.constant 16 : i32
        %mul3A_136 = arith.muli %scan3A_105, %mul3A_135 : i32
        %swap3A = arith.index_cast %mul3A_136 : i32 to index
        %swap3A_137 = tpu.vector_load %arg9[%swap3A] {strides = array<i32>} : memref<8192xi32, #tpu.memory_space<vmem>>, vector<16xi32>,
        tpu.vector_store %arg9[%swap3A], %add3A_134 {strides = array<i32>} : memref<8192xi32, #tpu.memory_space<vmem>>, vector<16xi32>,
        %mul3A_138 = arith.constant 16 : i32
        %mul3A_139 = arith.muli %scan3A_105, %mul3A_138 : i32
        %swap3A_140 = arith.index_cast %mul3A_139 : i32 to index
        %swap3A_141 = tpu.vector_load %arg13[%swap3A_140] {strides = array<i32>} : memref<8192xi32, #tpu.memory_space<vmem>>, vector<16xi32>,
        tpu.vector_store %arg13[%swap3A_140], %sub3A_126 {strides = array<i32>} : memref<8192xi32, #tpu.memory_space<vmem>>, vector<16xi32>,
        %scan3A_142 = arith.constant 0 : i32
        scf.yield %scan3A_142 : i32
      }
      %scan3A_78 = arith.constant 512 : i32
      %dma_start3A_79 = arith.constant 0 : i32
      %dma_start3A_80 = tpu.memref_slice %arg4[%dma_start3A_79] : memref<25165824xi32, #tpu.memory_space<hbm>> -> memref<25165824xi32, #tpu.memory_space<hbm>>
      tpu.enqueue_indirect_dma source(%arg9 : memref<8192xi32, #tpu.memory_space<vmem>>) target(%dma_start3A_80 : memref<25165824xi32, #tpu.memory_space<hbm>>) offsets(%arg13 : memref<8192xi32, #tpu.memory_space<vmem>>) semaphore(%arg17 : memref<!tpu.dma_semaphore, #tpu.memory_space<semaphore_mem>>)
      %mul3A_81 = arith.constant 4 : i32
      %mul3A_82 = arith.muli %scan3A_14, %mul3A_81 : i32
      %add3A_83 = arith.constant 3 : i32
      %add3A_84 = arith.addi %mul3A_82, %add3A_83 : i32
      %gt3A_85 = arith.constant 0 : i32
      %gt3A_86 = arith.cmpi sgt, %scan3A_14, %gt3A_85 : i32
      %convert_element_type3A_87 = arith.extui %gt3A_86 : i1 to i32
      %cond3A_88 = arith.constant 0 : i32
      %cond3A_89 = arith.cmpi ne, %convert_element_type3A_87, %cond3A_88 : i32
      scf.if %cond3A_89 {
        %dma_wait3A_105 = arith.constant 0 : i32
        %dma_wait3A_106 = tpu.memref_slice %arg4[%dma_wait3A_105] : memref<25165824xi32, #tpu.memory_space<hbm>> -> memref<25165824xi32, #tpu.memory_space<hbm>>
        tpu.wait_indirect_dma semaphore(%arg18 : memref<!tpu.dma_semaphore, #tpu.memory_space<semaphore_mem>>) src(%arg10 : memref<8192xi32, #tpu.memory_space<vmem>>) dst(%dma_wait3A_106 : memref<25165824xi32, #tpu.memory_space<hbm>>)
      } else {
      }
      "tpu.region"() ({
        %run_scoped3A = tpu.sem_alloc : memref<!tpu.dma_semaphore, #tpu.memory_space<semaphore_mem>>
        %dma_start3A_105 = arith.constant 0 : i32
        %dma_start3A_106 = tpu.memref_slice %arg2[%add3A, %add3A_84, %dma_start3A_105] : memref<32x96x8192xf32, #tpu.memory_space<hbm>> -> memref<1x1x8192xf32, #tpu.memory_space<hbm>>
        %dma_start3A_107 = tpu.memref_squeeze %dma_start3A_106 : memref<1x1x8192xf32, #tpu.memory_space<hbm>> -> memref<8192xf32, #tpu.memory_space<hbm>>
        %dma_start3A_108 = arith.constant 0 : i32
        %dma_start3A_109 = tpu.memref_slice %arg2[%add3A, %add3A_84, %dma_start3A_108] : memref<32x96x8192xf32, #tpu.memory_space<hbm>> -> memref<1x1x8192xf32, #tpu.memory_space<hbm>>
        %dma_start3A_110 = tpu.memref_squeeze %dma_start3A_109 : memref<1x1x8192xf32, #tpu.memory_space<hbm>> -> memref<8192xf32, #tpu.memory_space<hbm>>
        tpu.enqueue_dma source(%dma_start3A_110 : memref<8192xf32, #tpu.memory_space<hbm>>) target(%arg5 : memref<8192xf32, #tpu.memory_space<vmem>>) target_semaphore(%run_scoped3A : memref<!tpu.dma_semaphore, #tpu.memory_space<semaphore_mem>>)
        %dma_wait3A_111 = arith.constant 0 : i32
        %dma_wait3A_112 = tpu.memref_slice %arg2[%add3A, %add3A_84, %dma_wait3A_111] : memref<32x96x8192xf32, #tpu.memory_space<hbm>> -> memref<1x1x8192xf32, #tpu.memory_space<hbm>>
        %dma_wait3A_113 = tpu.memref_squeeze %dma_wait3A_112 : memref<1x1x8192xf32, #tpu.memory_space<hbm>> -> memref<8192xf32, #tpu.memory_space<hbm>>
        %dma_wait3A_114 = arith.constant 0 : i32
        %dma_wait3A_115 = tpu.memref_slice %arg2[%add3A, %add3A_84, %dma_wait3A_114] : memref<32x96x8192xf32, #tpu.memory_space<hbm>> -> memref<1x1x8192xf32, #tpu.memory_space<hbm>>
        %dma_wait3A_116 = tpu.memref_squeeze %dma_wait3A_115 : memref<1x1x8192xf32, #tpu.memory_space<hbm>> -> memref<8192xf32, #tpu.memory_space<hbm>>
        tpu.wait_dma2 semaphore(%run_scoped3A : memref<!tpu.dma_semaphore, #tpu.memory_space<semaphore_mem>>) src(%dma_wait3A_116 : memref<8192xf32, #tpu.memory_space<hbm>>) dst(%arg5 : memref<8192xf32, #tpu.memory_space<vmem>>)
        tpu.yield
      }) : () -> ()
      %mul3A_90 = arith.constant 786432 : i32
      %mul3A_91 = arith.muli %add3A, %mul3A_90 : i32
      %mul3A_92 = arith.constant 8192 : i32
      %mul3A_93 = arith.muli %add3A_84, %mul3A_92 : i32
      %add3A_94 = arith.addi %mul3A_91, %mul3A_93 : i32
      %scan3A_95 = arith.constant 0 : i32
      %scan3A_96 = arith.constant 0 : i32
      %scan3A_97 = arith.constant 512 : i32
      %scan3A_98 = arith.addi %scan3A_96, %scan3A_97 : i32
      %scan3A_99 = arith.constant 1 : i32
      %scan3A_100 = scf.for %scan3A_105 = %scan3A_96 to %scan3A_98 step %scan3A_99 iter_args(%scan3A_106 = %scan3A_95) -> (i32)  : i32 {
        %mul3A_107 = arith.constant 16 : i32
        %mul3A_108 = arith.muli %scan3A_105, %mul3A_107 : i32
        %get3A = arith.index_cast %mul3A_108 : i32 to index
        %get3A_109 = tpu.vector_load %arg5[%get3A] {strides = array<i32>} : memref<8192xf32, #tpu.memory_space<vmem>>, vector<16xf32>,
        %sub3A = arith.constant 5.000000e-01 : f32
        %sub3A_110 = vector.broadcast %sub3A : f32 to vector<16xf32>
        %sub3A_111 = arith.subf %get3A_109, %sub3A_110 : vector<16xf32>
        %abs3A = math.absf %sub3A_111 : vector<16xf32>
        %mul3A_112 = arith.constant 0x4B000000 : f32
        %mul3A_113 = vector.broadcast %mul3A_112 : f32 to vector<16xf32>
        %mul3A_114 = arith.mulf %abs3A, %mul3A_113 : vector<16xf32>
        %convert_element_type3A_115 = arith.fptosi %mul3A_114 : vector<16xf32> to vector<16xi32>
        %sub3A_116 = arith.constant 4194304 : i32
        %sub3A_117 = vector.broadcast %sub3A_116 : i32 to vector<16xi32>
        %sub3A_118 = arith.subi %sub3A_117, %convert_element_type3A_115 : vector<16xi32>
        %and3A = arith.constant 2047 : i32
        %and3A_119 = vector.broadcast %and3A : i32 to vector<16xi32>
        %and3A_120 = arith.andi %sub3A_118, %and3A_119 : vector<16xi32>
        %broadcast_in_dim3A = arith.constant true
        %broadcast_in_dim3A_121 = vector.broadcast %broadcast_in_dim3A : i1 to vector<16xi1>
        %unique3A, %unique3A_122 = tpu.scan_count mask(%broadcast_in_dim3A_121 : vector<16xi1>) value(%and3A_120 : vector<16xi32>) : vector<16xi1>, vector<16xi32>
        %gather3A = tpu.vector_load_idx %arg6[%and3A_120] : memref<2048xi32, #tpu.memory_space<vmem>>[vector<16xi32>], vector<16xi32>,
        %add3A_123 = arith.addi %gather3A, %unique3A_122 : vector<16xi32>
        %sub3A_124 = arith.constant 1 : i32
        %sub3A_125 = vector.broadcast %sub3A_124 : i32 to vector<16xi32>
        %sub3A_126 = arith.subi %add3A_123, %sub3A_125 : vector<16xi32>
        %add3A_127 = arith.constant 1 : i32
        %add3A_128 = vector.broadcast %add3A_127 : i32 to vector<16xi32>
        %add3A_129 = arith.addi %sub3A_126, %add3A_128 : vector<16xi32>
        tpu.vector_store_idx %arg6[%and3A_120], %add3A_129 masked %unique3A : memref<2048xi32, #tpu.memory_space<vmem>>[vector<16xi32>], vector<16xi32>, vector<16xi1>
        %mul3A_130 = arith.constant 16 : i32
        %mul3A_131 = arith.muli %scan3A_105, %mul3A_130 : i32
        %add3A_132 = arith.addi %add3A_94, %mul3A_131 : i32
        %add3A_133 = vector.broadcast %add3A_132 : i32 to vector<16xi32>
        %add3A_134 = arith.addi %add3A_133, %iota3A : vector<16xi32>
        %mul3A_135 = arith.constant 16 : i32
        %mul3A_136 = arith.muli %scan3A_105, %mul3A_135 : i32
        %swap3A = arith.index_cast %mul3A_136 : i32 to index
        %swap3A_137 = tpu.vector_load %arg10[%swap3A] {strides = array<i32>} : memref<8192xi32, #tpu.memory_space<vmem>>, vector<16xi32>,
        tpu.vector_store %arg10[%swap3A], %add3A_134 {strides = array<i32>} : memref<8192xi32, #tpu.memory_space<vmem>>, vector<16xi32>,
        %mul3A_138 = arith.constant 16 : i32
        %mul3A_139 = arith.muli %scan3A_105, %mul3A_138 : i32
        %swap3A_140 = arith.index_cast %mul3A_139 : i32 to index
        %swap3A_141 = tpu.vector_load %arg14[%swap3A_140] {strides = array<i32>} : memref<8192xi32, #tpu.memory_space<vmem>>, vector<16xi32>,
        tpu.vector_store %arg14[%swap3A_140], %sub3A_126 {strides = array<i32>} : memref<8192xi32, #tpu.memory_space<vmem>>, vector<16xi32>,
        %scan3A_142 = arith.constant 0 : i32
        scf.yield %scan3A_142 : i32
      }
      %scan3A_101 = arith.constant 512 : i32
      %dma_start3A_102 = arith.constant 0 : i32
      %dma_start3A_103 = tpu.memref_slice %arg4[%dma_start3A_102] : memref<25165824xi32, #tpu.memory_space<hbm>> -> memref<25165824xi32, #tpu.memory_space<hbm>>
      tpu.enqueue_indirect_dma source(%arg10 : memref<8192xi32, #tpu.memory_space<vmem>>) target(%dma_start3A_103 : memref<25165824xi32, #tpu.memory_space<hbm>>) offsets(%arg14 : memref<8192xi32, #tpu.memory_space<vmem>>) semaphore(%arg18 : memref<!tpu.dma_semaphore, #tpu.memory_space<semaphore_mem>>)
      %scan3A_104 = arith.constant 0 : i32
      scf.yield %scan3A_104 : i32
    }
    %scan3A_6 = arith.constant 24 : i32
    %dma_wait3A = arith.constant 0 : i32
    %dma_wait3A_7 = tpu.memref_slice %arg4[%dma_wait3A] : memref<25165824xi32, #tpu.memory_space<hbm>> -> memref<25165824xi32, #tpu.memory_space<hbm>>
    tpu.wait_indirect_dma semaphore(%arg15 : memref<!tpu.dma_semaphore, #tpu.memory_space<semaphore_mem>>) src(%arg7 : memref<8192xi32, #tpu.memory_space<vmem>>) dst(%dma_wait3A_7 : memref<25165824xi32, #tpu.memory_space<hbm>>)
    %dma_wait3A_8 = arith.constant 0 : i32
    %dma_wait3A_9 = tpu.memref_slice %arg4[%dma_wait3A_8] : memref<25165824xi32, #tpu.memory_space<hbm>> -> memref<25165824xi32, #tpu.memory_space<hbm>>
    tpu.wait_indirect_dma semaphore(%arg16 : memref<!tpu.dma_semaphore, #tpu.memory_space<semaphore_mem>>) src(%arg8 : memref<8192xi32, #tpu.memory_space<vmem>>) dst(%dma_wait3A_9 : memref<25165824xi32, #tpu.memory_space<hbm>>)
    %dma_wait3A_10 = arith.constant 0 : i32
    %dma_wait3A_11 = tpu.memref_slice %arg4[%dma_wait3A_10] : memref<25165824xi32, #tpu.memory_space<hbm>> -> memref<25165824xi32, #tpu.memory_space<hbm>>
    tpu.wait_indirect_dma semaphore(%arg17 : memref<!tpu.dma_semaphore, #tpu.memory_space<semaphore_mem>>) src(%arg9 : memref<8192xi32, #tpu.memory_space<vmem>>) dst(%dma_wait3A_11 : memref<25165824xi32, #tpu.memory_space<hbm>>)
    %dma_wait3A_12 = arith.constant 0 : i32
    %dma_wait3A_13 = tpu.memref_slice %arg4[%dma_wait3A_12] : memref<25165824xi32, #tpu.memory_space<hbm>> -> memref<25165824xi32, #tpu.memory_space<hbm>>
    tpu.wait_indirect_dma semaphore(%arg18 : memref<!tpu.dma_semaphore, #tpu.memory_space<semaphore_mem>>) src(%arg10 : memref<8192xi32, #tpu.memory_space<vmem>>) dst(%dma_wait3A_13 : memref<25165824xi32, #tpu.memory_space<hbm>>)
    return
  }
}

#map = affine_map<(d0, d1) -> (0, 0, 0)>
#map1 = affine_map<(d0, d1) -> (0)>
#map2 = affine_map<(d0, d1) -> (0, 0)>
module attributes {stable_mosaic.version = 14 : i64} {
  func.func @_hist2_kernel(%arg0: i32, %arg1: i32, %arg2: memref<32x96x8192xi32, #tpu.memory_space<hbm>>, %arg3: memref<25165824xf32, #tpu.memory_space<hbm>>, %arg4: memref<32x2064xi32, #tpu.memory_space<hbm>>, %arg5: memref<8192xi32, #tpu.memory_space<vmem>>, %arg6: memref<8192xf32, #tpu.memory_space<vmem>>, %arg7: memref<2064xi32, #tpu.memory_space<vmem>>, %arg8: memref<!tpu.dma_semaphore, #tpu.memory_space<semaphore_mem>>) attributes {dimension_semantics = [#tpu.dimension_semantics<core_parallel>, #tpu.dimension_semantics<subcore_parallel>], iteration_bounds = array<i64: 2, 16>, scalar_prefetch = 0 : i64, scratch_operands = 4 : i64, tpu.core_type = #tpu.core_type<sc_vector_subcore>, window_params = [{transform_indices = #map}, {transform_indices = #map1}, {transform_indices = #map2}]} {
    %mul3A = arith.constant 2 : i32
    %mul3A_0 = arith.muli %arg1, %mul3A : i32
    %add3A = arith.addi %mul3A_0, %arg0 : i32
    %broadcast_in_dim3A = arith.constant 0 : i32
    %broadcast_in_dim3A_1 = vector.broadcast %broadcast_in_dim3A : i32 to vector<16xi32>
    %scan3A = arith.constant 0 : i32
    %scan3A_2 = arith.constant 0 : i32
    %scan3A_3 = arith.constant 129 : i32
    %scan3A_4 = arith.addi %scan3A_2, %scan3A_3 : i32
    %scan3A_5 = arith.constant 1 : i32
    %scan3A_6 = scf.for %scan3A_15 = %scan3A_2 to %scan3A_4 step %scan3A_5 iter_args(%scan3A_16 = %scan3A) -> (i32)  : i32 {
      %mul3A_17 = arith.constant 16 : i32
      %mul3A_18 = arith.muli %scan3A_15, %mul3A_17 : i32
      %swap3A = arith.index_cast %mul3A_18 : i32 to index
      %swap3A_19 = tpu.vector_load %arg7[%swap3A] {strides = array<i32>} : memref<2064xi32, #tpu.memory_space<vmem>>, vector<16xi32>,
      tpu.vector_store %arg7[%swap3A], %broadcast_in_dim3A_1 {strides = array<i32>} : memref<2064xi32, #tpu.memory_space<vmem>>, vector<16xi32>,
      %scan3A_20 = arith.constant 0 : i32
      scf.yield %scan3A_20 : i32
    }
    %scan3A_7 = arith.constant 129 : i32
    %scan3A_8 = arith.constant 0 : i32
    %scan3A_9 = arith.constant 0 : i32
    %scan3A_10 = arith.constant 96 : i32
    %scan3A_11 = arith.addi %scan3A_9, %scan3A_10 : i32
    %scan3A_12 = arith.constant 1 : i32
    %scan3A_13 = scf.for %scan3A_15 = %scan3A_9 to %scan3A_11 step %scan3A_12 iter_args(%scan3A_16 = %scan3A_8) -> (i32)  : i32 {
      "tpu.region"() ({
        %run_scoped3A = tpu.sem_alloc : memref<!tpu.dma_semaphore, #tpu.memory_space<semaphore_mem>>
        %dma_start3A_27 = arith.constant 0 : i32
        %dma_start3A_28 = tpu.memref_slice %arg2[%add3A, %scan3A_15, %dma_start3A_27] : memref<32x96x8192xi32, #tpu.memory_space<hbm>> -> memref<1x1x8192xi32, #tpu.memory_space<hbm>>
        %dma_start3A_29 = tpu.memref_squeeze %dma_start3A_28 : memref<1x1x8192xi32, #tpu.memory_space<hbm>> -> memref<8192xi32, #tpu.memory_space<hbm>>
        %dma_start3A_30 = arith.constant 0 : i32
        %dma_start3A_31 = tpu.memref_slice %arg2[%add3A, %scan3A_15, %dma_start3A_30] : memref<32x96x8192xi32, #tpu.memory_space<hbm>> -> memref<1x1x8192xi32, #tpu.memory_space<hbm>>
        %dma_start3A_32 = tpu.memref_squeeze %dma_start3A_31 : memref<1x1x8192xi32, #tpu.memory_space<hbm>> -> memref<8192xi32, #tpu.memory_space<hbm>>
        tpu.enqueue_dma source(%dma_start3A_32 : memref<8192xi32, #tpu.memory_space<hbm>>) target(%arg5 : memref<8192xi32, #tpu.memory_space<vmem>>) target_semaphore(%run_scoped3A : memref<!tpu.dma_semaphore, #tpu.memory_space<semaphore_mem>>)
        %dma_wait3A_33 = arith.constant 0 : i32
        %dma_wait3A_34 = tpu.memref_slice %arg2[%add3A, %scan3A_15, %dma_wait3A_33] : memref<32x96x8192xi32, #tpu.memory_space<hbm>> -> memref<1x1x8192xi32, #tpu.memory_space<hbm>>
        %dma_wait3A_35 = tpu.memref_squeeze %dma_wait3A_34 : memref<1x1x8192xi32, #tpu.memory_space<hbm>> -> memref<8192xi32, #tpu.memory_space<hbm>>
        %dma_wait3A_36 = arith.constant 0 : i32
        %dma_wait3A_37 = tpu.memref_slice %arg2[%add3A, %scan3A_15, %dma_wait3A_36] : memref<32x96x8192xi32, #tpu.memory_space<hbm>> -> memref<1x1x8192xi32, #tpu.memory_space<hbm>>
        %dma_wait3A_38 = tpu.memref_squeeze %dma_wait3A_37 : memref<1x1x8192xi32, #tpu.memory_space<hbm>> -> memref<8192xi32, #tpu.memory_space<hbm>>
        tpu.wait_dma2 semaphore(%run_scoped3A : memref<!tpu.dma_semaphore, #tpu.memory_space<semaphore_mem>>) src(%dma_wait3A_38 : memref<8192xi32, #tpu.memory_space<hbm>>) dst(%arg5 : memref<8192xi32, #tpu.memory_space<vmem>>)
        tpu.yield
      }) : () -> ()
      %dma_start3A = arith.constant 0 : i32
      %dma_start3A_17 = tpu.memref_slice %arg3[%dma_start3A] : memref<25165824xf32, #tpu.memory_space<hbm>> -> memref<25165824xf32, #tpu.memory_space<hbm>>
      tpu.enqueue_indirect_dma source(%dma_start3A_17 : memref<25165824xf32, #tpu.memory_space<hbm>>) target(%arg6 : memref<8192xf32, #tpu.memory_space<vmem>>) offsets(%arg5 : memref<8192xi32, #tpu.memory_space<vmem>>) semaphore(%arg8 : memref<!tpu.dma_semaphore, #tpu.memory_space<semaphore_mem>>)
      %dma_wait3A = arith.constant 0 : i32
      %dma_wait3A_18 = tpu.memref_slice %arg3[%dma_wait3A] : memref<25165824xf32, #tpu.memory_space<hbm>> -> memref<25165824xf32, #tpu.memory_space<hbm>>
      tpu.wait_indirect_dma semaphore(%arg8 : memref<!tpu.dma_semaphore, #tpu.memory_space<semaphore_mem>>) src(%dma_wait3A_18 : memref<25165824xf32, #tpu.memory_space<hbm>>) dst(%arg6 : memref<8192xf32, #tpu.memory_space<vmem>>)
      %scan3A_19 = arith.constant 0 : i32
      %scan3A_20 = arith.constant 0 : i32
      %scan3A_21 = arith.constant 512 : i32
      %scan3A_22 = arith.addi %scan3A_20, %scan3A_21 : i32
      %scan3A_23 = arith.constant 1 : i32
      %scan3A_24 = scf.for %scan3A_27 = %scan3A_20 to %scan3A_22 step %scan3A_23 iter_args(%scan3A_28 = %scan3A_19) -> (i32)  : i32 {
        %mul3A_29 = arith.constant 16 : i32
        %mul3A_30 = arith.muli %scan3A_27, %mul3A_29 : i32
        %get3A = arith.index_cast %mul3A_30 : i32 to index
        %get3A_31 = tpu.vector_load %arg6[%get3A] {strides = array<i32>} : memref<8192xf32, #tpu.memory_space<vmem>>, vector<16xf32>,
        %sub3A = arith.constant 5.000000e-01 : f32
        %sub3A_32 = vector.broadcast %sub3A : f32 to vector<16xf32>
        %sub3A_33 = arith.subf %get3A_31, %sub3A_32 : vector<16xf32>
        %abs3A = math.absf %sub3A_33 : vector<16xf32>
        %mul3A_34 = arith.constant 0x4B000000 : f32
        %mul3A_35 = vector.broadcast %mul3A_34 : f32 to vector<16xf32>
        %mul3A_36 = arith.mulf %abs3A, %mul3A_35 : vector<16xf32>
        %convert_element_type3A = arith.fptosi %mul3A_36 : vector<16xf32> to vector<16xi32>
        %sub3A_37 = arith.constant 4194304 : i32
        %sub3A_38 = vector.broadcast %sub3A_37 : i32 to vector<16xi32>
        %sub3A_39 = arith.subi %sub3A_38, %convert_element_type3A : vector<16xi32>
        %shift_right_logical3A = arith.constant 11 : i32
        %shift_right_logical3A_40 = vector.broadcast %shift_right_logical3A : i32 to vector<16xi32>
        %shift_right_logical3A_41 = arith.shrui %sub3A_39, %shift_right_logical3A_40 : vector<16xi32>
        %broadcast_in_dim3A_42 = arith.constant true
        %broadcast_in_dim3A_43 = vector.broadcast %broadcast_in_dim3A_42 : i1 to vector<16xi1>
        %unique3A, %unique3A_44 = tpu.scan_count mask(%broadcast_in_dim3A_43 : vector<16xi1>) value(%shift_right_logical3A_41 : vector<16xi32>) : vector<16xi1>, vector<16xi32>
        %gather3A = tpu.vector_load_idx %arg7[%shift_right_logical3A_41] : memref<2064xi32, #tpu.memory_space<vmem>>[vector<16xi32>], vector<16xi32>,
        %add3A_45 = arith.addi %gather3A, %unique3A_44 : vector<16xi32>
        tpu.vector_store_idx %arg7[%shift_right_logical3A_41], %add3A_45 masked %unique3A : memref<2064xi32, #tpu.memory_space<vmem>>[vector<16xi32>], vector<16xi32>, vector<16xi1>
        %scan3A_46 = arith.constant 0 : i32
        scf.yield %scan3A_46 : i32
      }
      %scan3A_25 = arith.constant 512 : i32
      %scan3A_26 = arith.constant 0 : i32
      scf.yield %scan3A_26 : i32
    }
    %scan3A_14 = arith.constant 96 : i32
    "tpu.region"() ({
      %run_scoped3A = tpu.sem_alloc : memref<!tpu.dma_semaphore, #tpu.memory_space<semaphore_mem>>
      %dma_start3A = arith.constant 0 : i32
      %dma_start3A_15 = tpu.memref_slice %arg4[%add3A, %dma_start3A] : memref<32x2064xi32, #tpu.memory_space<hbm>> -> memref<1x2064xi32, #tpu.memory_space<hbm>>
      %dma_start3A_16 = tpu.memref_squeeze %dma_start3A_15 : memref<1x2064xi32, #tpu.memory_space<hbm>> -> memref<2064xi32, #tpu.memory_space<hbm>>
      %dma_start3A_17 = arith.constant 0 : i32
      %dma_start3A_18 = tpu.memref_slice %arg4[%add3A, %dma_start3A_17] : memref<32x2064xi32, #tpu.memory_space<hbm>> -> memref<1x2064xi32, #tpu.memory_space<hbm>>
      %dma_start3A_19 = tpu.memref_squeeze %dma_start3A_18 : memref<1x2064xi32, #tpu.memory_space<hbm>> -> memref<2064xi32, #tpu.memory_space<hbm>>
      tpu.enqueue_dma source(%arg7 : memref<2064xi32, #tpu.memory_space<vmem>>) target(%dma_start3A_19 : memref<2064xi32, #tpu.memory_space<hbm>>) target_semaphore(%run_scoped3A : memref<!tpu.dma_semaphore, #tpu.memory_space<semaphore_mem>>)
      %dma_wait3A = arith.constant 0 : i32
      %dma_wait3A_20 = tpu.memref_slice %arg4[%add3A, %dma_wait3A] : memref<32x2064xi32, #tpu.memory_space<hbm>> -> memref<1x2064xi32, #tpu.memory_space<hbm>>
      %dma_wait3A_21 = tpu.memref_squeeze %dma_wait3A_20 : memref<1x2064xi32, #tpu.memory_space<hbm>> -> memref<2064xi32, #tpu.memory_space<hbm>>
      %dma_wait3A_22 = arith.constant 0 : i32
      %dma_wait3A_23 = tpu.memref_slice %arg4[%add3A, %dma_wait3A_22] : memref<32x2064xi32, #tpu.memory_space<hbm>> -> memref<1x2064xi32, #tpu.memory_space<hbm>>
      %dma_wait3A_24 = tpu.memref_squeeze %dma_wait3A_23 : memref<1x2064xi32, #tpu.memory_space<hbm>> -> memref<2064xi32, #tpu.memory_space<hbm>>
      tpu.wait_dma2 semaphore(%run_scoped3A : memref<!tpu.dma_semaphore, #tpu.memory_space<semaphore_mem>>) src(%arg7 : memref<2064xi32, #tpu.memory_space<vmem>>) dst(%dma_wait3A_24 : memref<2064xi32, #tpu.memory_space<hbm>>)
      tpu.yield
    }) : () -> ()
    return
  }
}

#map = affine_map<(d0, d1) -> (0, 0, 0)>
#map1 = affine_map<(d0, d1) -> (0)>
#map2 = affine_map<(d0, d1) -> (0, 0)>
module attributes {stable_mosaic.version = 14 : i64} {
  func.func @_permute2_kernel(%arg0: i32, %arg1: i32, %arg2: memref<32x96x8192xi32, #tpu.memory_space<hbm>>, %arg3: memref<25165824xf32, #tpu.memory_space<hbm>>, %arg4: memref<32x2064xi32, #tpu.memory_space<hbm>>, %arg5: memref<25165824xi32, #tpu.memory_space<hbm>>, %arg6: memref<8192xf32, #tpu.memory_space<vmem>>, %arg7: memref<2064xi32, #tpu.memory_space<vmem>>, %arg8: memref<8192xi32, #tpu.memory_space<vmem>>, %arg9: memref<8192xi32, #tpu.memory_space<vmem>>, %arg10: memref<8192xi32, #tpu.memory_space<vmem>>, %arg11: memref<8192xi32, #tpu.memory_space<vmem>>, %arg12: memref<8192xi32, #tpu.memory_space<vmem>>, %arg13: memref<8192xi32, #tpu.memory_space<vmem>>, %arg14: memref<8192xi32, #tpu.memory_space<vmem>>, %arg15: memref<8192xi32, #tpu.memory_space<vmem>>, %arg16: memref<!tpu.dma_semaphore, #tpu.memory_space<semaphore_mem>>, %arg17: memref<!tpu.dma_semaphore, #tpu.memory_space<semaphore_mem>>, %arg18: memref<!tpu.dma_semaphore, #tpu.memory_space<semaphore_mem>>, %arg19: memref<!tpu.dma_semaphore, #tpu.memory_space<semaphore_mem>>, %arg20: memref<!tpu.dma_semaphore, #tpu.memory_space<semaphore_mem>>) attributes {dimension_semantics = [#tpu.dimension_semantics<core_parallel>, #tpu.dimension_semantics<subcore_parallel>], iteration_bounds = array<i64: 2, 16>, scalar_prefetch = 0 : i64, scratch_operands = 15 : i64, tpu.core_type = #tpu.core_type<sc_vector_subcore>, window_params = [{transform_indices = #map}, {transform_indices = #map1}, {transform_indices = #map2}, {transform_indices = #map1}]} {
    %mul3A = arith.constant 2 : i32
    %mul3A_0 = arith.muli %arg1, %mul3A : i32
    %add3A = arith.addi %mul3A_0, %arg0 : i32
    "tpu.region"() ({
      %run_scoped3A = tpu.sem_alloc : memref<!tpu.dma_semaphore, #tpu.memory_space<semaphore_mem>>
      %dma_start3A = arith.constant 0 : i32
      %dma_start3A_14 = tpu.memref_slice %arg4[%add3A, %dma_start3A] : memref<32x2064xi32, #tpu.memory_space<hbm>> -> memref<1x2064xi32, #tpu.memory_space<hbm>>
      %dma_start3A_15 = tpu.memref_squeeze %dma_start3A_14 : memref<1x2064xi32, #tpu.memory_space<hbm>> -> memref<2064xi32, #tpu.memory_space<hbm>>
      %dma_start3A_16 = arith.constant 0 : i32
      %dma_start3A_17 = tpu.memref_slice %arg4[%add3A, %dma_start3A_16] : memref<32x2064xi32, #tpu.memory_space<hbm>> -> memref<1x2064xi32, #tpu.memory_space<hbm>>
      %dma_start3A_18 = tpu.memref_squeeze %dma_start3A_17 : memref<1x2064xi32, #tpu.memory_space<hbm>> -> memref<2064xi32, #tpu.memory_space<hbm>>
      tpu.enqueue_dma source(%dma_start3A_18 : memref<2064xi32, #tpu.memory_space<hbm>>) target(%arg7 : memref<2064xi32, #tpu.memory_space<vmem>>) target_semaphore(%run_scoped3A : memref<!tpu.dma_semaphore, #tpu.memory_space<semaphore_mem>>)
      %dma_wait3A_19 = arith.constant 0 : i32
      %dma_wait3A_20 = tpu.memref_slice %arg4[%add3A, %dma_wait3A_19] : memref<32x2064xi32, #tpu.memory_space<hbm>> -> memref<1x2064xi32, #tpu.memory_space<hbm>>
      %dma_wait3A_21 = tpu.memref_squeeze %dma_wait3A_20 : memref<1x2064xi32, #tpu.memory_space<hbm>> -> memref<2064xi32, #tpu.memory_space<hbm>>
      %dma_wait3A_22 = arith.constant 0 : i32
      %dma_wait3A_23 = tpu.memref_slice %arg4[%add3A, %dma_wait3A_22] : memref<32x2064xi32, #tpu.memory_space<hbm>> -> memref<1x2064xi32, #tpu.memory_space<hbm>>
      %dma_wait3A_24 = tpu.memref_squeeze %dma_wait3A_23 : memref<1x2064xi32, #tpu.memory_space<hbm>> -> memref<2064xi32, #tpu.memory_space<hbm>>
      tpu.wait_dma2 semaphore(%run_scoped3A : memref<!tpu.dma_semaphore, #tpu.memory_space<semaphore_mem>>) src(%dma_wait3A_24 : memref<2064xi32, #tpu.memory_space<hbm>>) dst(%arg7 : memref<2064xi32, #tpu.memory_space<vmem>>)
      tpu.yield
    }) : () -> ()
    %scan3A = arith.constant 0 : i32
    %scan3A_1 = arith.constant 0 : i32
    %scan3A_2 = arith.constant 24 : i32
    %scan3A_3 = arith.addi %scan3A_1, %scan3A_2 : i32
    %scan3A_4 = arith.constant 1 : i32
    %scan3A_5 = scf.for %scan3A_14 = %scan3A_1 to %scan3A_3 step %scan3A_4 iter_args(%scan3A_15 = %scan3A) -> (i32)  : i32 {
      %mul3A_16 = arith.constant 4 : i32
      %mul3A_17 = arith.muli %scan3A_14, %mul3A_16 : i32
      %add3A_18 = arith.constant 0 : i32
      %add3A_19 = arith.addi %mul3A_17, %add3A_18 : i32
      %gt3A = arith.constant 0 : i32
      %gt3A_20 = arith.cmpi sgt, %scan3A_14, %gt3A : i32
      %convert_element_type3A = arith.extui %gt3A_20 : i1 to i32
      %cond3A = arith.constant 0 : i32
      %cond3A_21 = arith.cmpi ne, %convert_element_type3A, %cond3A : i32
      scf.if %cond3A_21 {
        %dma_wait3A_101 = arith.constant 0 : i32
        %dma_wait3A_102 = tpu.memref_slice %arg5[%dma_wait3A_101] : memref<25165824xi32, #tpu.memory_space<hbm>> -> memref<25165824xi32, #tpu.memory_space<hbm>>
        tpu.wait_indirect_dma semaphore(%arg16 : memref<!tpu.dma_semaphore, #tpu.memory_space<semaphore_mem>>) src(%arg8 : memref<8192xi32, #tpu.memory_space<vmem>>) dst(%dma_wait3A_102 : memref<25165824xi32, #tpu.memory_space<hbm>>)
      } else {
      }
      "tpu.region"() ({
        %run_scoped3A = tpu.sem_alloc : memref<!tpu.dma_semaphore, #tpu.memory_space<semaphore_mem>>
        %dma_start3A_101 = arith.constant 0 : i32
        %dma_start3A_102 = tpu.memref_slice %arg2[%add3A, %add3A_19, %dma_start3A_101] : memref<32x96x8192xi32, #tpu.memory_space<hbm>> -> memref<1x1x8192xi32, #tpu.memory_space<hbm>>
        %dma_start3A_103 = tpu.memref_squeeze %dma_start3A_102 : memref<1x1x8192xi32, #tpu.memory_space<hbm>> -> memref<8192xi32, #tpu.memory_space<hbm>>
        %dma_start3A_104 = arith.constant 0 : i32
        %dma_start3A_105 = tpu.memref_slice %arg2[%add3A, %add3A_19, %dma_start3A_104] : memref<32x96x8192xi32, #tpu.memory_space<hbm>> -> memref<1x1x8192xi32, #tpu.memory_space<hbm>>
        %dma_start3A_106 = tpu.memref_squeeze %dma_start3A_105 : memref<1x1x8192xi32, #tpu.memory_space<hbm>> -> memref<8192xi32, #tpu.memory_space<hbm>>
        tpu.enqueue_dma source(%dma_start3A_106 : memref<8192xi32, #tpu.memory_space<hbm>>) target(%arg8 : memref<8192xi32, #tpu.memory_space<vmem>>) target_semaphore(%run_scoped3A : memref<!tpu.dma_semaphore, #tpu.memory_space<semaphore_mem>>)
        %dma_wait3A_107 = arith.constant 0 : i32
        %dma_wait3A_108 = tpu.memref_slice %arg2[%add3A, %add3A_19, %dma_wait3A_107] : memref<32x96x8192xi32, #tpu.memory_space<hbm>> -> memref<1x1x8192xi32, #tpu.memory_space<hbm>>
        %dma_wait3A_109 = tpu.memref_squeeze %dma_wait3A_108 : memref<1x1x8192xi32, #tpu.memory_space<hbm>> -> memref<8192xi32, #tpu.memory_space<hbm>>
        %dma_wait3A_110 = arith.constant 0 : i32
        %dma_wait3A_111 = tpu.memref_slice %arg2[%add3A, %add3A_19, %dma_wait3A_110] : memref<32x96x8192xi32, #tpu.memory_space<hbm>> -> memref<1x1x8192xi32, #tpu.memory_space<hbm>>
        %dma_wait3A_112 = tpu.memref_squeeze %dma_wait3A_111 : memref<1x1x8192xi32, #tpu.memory_space<hbm>> -> memref<8192xi32, #tpu.memory_space<hbm>>
        tpu.wait_dma2 semaphore(%run_scoped3A : memref<!tpu.dma_semaphore, #tpu.memory_space<semaphore_mem>>) src(%dma_wait3A_112 : memref<8192xi32, #tpu.memory_space<hbm>>) dst(%arg8 : memref<8192xi32, #tpu.memory_space<vmem>>)
        tpu.yield
      }) : () -> ()
      %dma_start3A = arith.constant 0 : i32
      %dma_start3A_22 = tpu.memref_slice %arg3[%dma_start3A] : memref<25165824xf32, #tpu.memory_space<hbm>> -> memref<25165824xf32, #tpu.memory_space<hbm>>
      tpu.enqueue_indirect_dma source(%dma_start3A_22 : memref<25165824xf32, #tpu.memory_space<hbm>>) target(%arg6 : memref<8192xf32, #tpu.memory_space<vmem>>) offsets(%arg8 : memref<8192xi32, #tpu.memory_space<vmem>>) semaphore(%arg20 : memref<!tpu.dma_semaphore, #tpu.memory_space<semaphore_mem>>)
      %dma_wait3A_23 = arith.constant 0 : i32
      %dma_wait3A_24 = tpu.memref_slice %arg3[%dma_wait3A_23] : memref<25165824xf32, #tpu.memory_space<hbm>> -> memref<25165824xf32, #tpu.memory_space<hbm>>
      tpu.wait_indirect_dma semaphore(%arg20 : memref<!tpu.dma_semaphore, #tpu.memory_space<semaphore_mem>>) src(%dma_wait3A_24 : memref<25165824xf32, #tpu.memory_space<hbm>>) dst(%arg6 : memref<8192xf32, #tpu.memory_space<vmem>>)
      %scan3A_25 = arith.constant 0 : i32
      %scan3A_26 = arith.constant 0 : i32
      %scan3A_27 = arith.constant 512 : i32
      %scan3A_28 = arith.addi %scan3A_26, %scan3A_27 : i32
      %scan3A_29 = arith.constant 1 : i32
      %scan3A_30 = scf.for %scan3A_101 = %scan3A_26 to %scan3A_28 step %scan3A_29 iter_args(%scan3A_102 = %scan3A_25) -> (i32)  : i32 {
        %mul3A_103 = arith.constant 16 : i32
        %mul3A_104 = arith.muli %scan3A_101, %mul3A_103 : i32
        %get3A = arith.index_cast %mul3A_104 : i32 to index
        %get3A_105 = tpu.vector_load %arg6[%get3A] {strides = array<i32>} : memref<8192xf32, #tpu.memory_space<vmem>>, vector<16xf32>,
        %sub3A = arith.constant 5.000000e-01 : f32
        %sub3A_106 = vector.broadcast %sub3A : f32 to vector<16xf32>
        %sub3A_107 = arith.subf %get3A_105, %sub3A_106 : vector<16xf32>
        %abs3A = math.absf %sub3A_107 : vector<16xf32>
        %mul3A_108 = arith.constant 0x4B000000 : f32
        %mul3A_109 = vector.broadcast %mul3A_108 : f32 to vector<16xf32>
        %mul3A_110 = arith.mulf %abs3A, %mul3A_109 : vector<16xf32>
        %convert_element_type3A_111 = arith.fptosi %mul3A_110 : vector<16xf32> to vector<16xi32>
        %sub3A_112 = arith.constant 4194304 : i32
        %sub3A_113 = vector.broadcast %sub3A_112 : i32 to vector<16xi32>
        %sub3A_114 = arith.subi %sub3A_113, %convert_element_type3A_111 : vector<16xi32>
        %shift_right_logical3A = arith.constant 11 : i32
        %shift_right_logical3A_115 = vector.broadcast %shift_right_logical3A : i32 to vector<16xi32>
        %shift_right_logical3A_116 = arith.shrui %sub3A_114, %shift_right_logical3A_115 : vector<16xi32>
        %broadcast_in_dim3A = arith.constant true
        %broadcast_in_dim3A_117 = vector.broadcast %broadcast_in_dim3A : i1 to vector<16xi1>
        %unique3A, %unique3A_118 = tpu.scan_count mask(%broadcast_in_dim3A_117 : vector<16xi1>) value(%shift_right_logical3A_116 : vector<16xi32>) : vector<16xi1>, vector<16xi32>
        %gather3A = tpu.vector_load_idx %arg7[%shift_right_logical3A_116] : memref<2064xi32, #tpu.memory_space<vmem>>[vector<16xi32>], vector<16xi32>,
        %add3A_119 = arith.addi %gather3A, %unique3A_118 : vector<16xi32>
        %sub3A_120 = arith.constant 1 : i32
        %sub3A_121 = vector.broadcast %sub3A_120 : i32 to vector<16xi32>
        %sub3A_122 = arith.subi %add3A_119, %sub3A_121 : vector<16xi32>
        %add3A_123 = arith.constant 1 : i32
        %add3A_124 = vector.broadcast %add3A_123 : i32 to vector<16xi32>
        %add3A_125 = arith.addi %sub3A_122, %add3A_124 : vector<16xi32>
        tpu.vector_store_idx %arg7[%shift_right_logical3A_116], %add3A_125 masked %unique3A : memref<2064xi32, #tpu.memory_space<vmem>>[vector<16xi32>], vector<16xi32>, vector<16xi1>
        %mul3A_126 = arith.constant 786432 : i32
        %mul3A_127 = arith.muli %add3A, %mul3A_126 : i32
        %mul3A_128 = arith.constant 8192 : i32
        %mul3A_129 = arith.muli %add3A_19, %mul3A_128 : i32
        %add3A_130 = arith.addi %mul3A_127, %mul3A_129 : i32
        %mul3A_131 = arith.constant 16 : i32
        %mul3A_132 = arith.muli %scan3A_101, %mul3A_131 : i32
        %add3A_133 = arith.addi %add3A_130, %mul3A_132 : i32
        %iota3A = tpu.iota {dimensions = array<i32: 0>} : vector<16xi32>
        %add3A_134 = vector.broadcast %add3A_133 : i32 to vector<16xi32>
        %add3A_135 = arith.addi %add3A_134, %iota3A : vector<16xi32>
        %mul3A_136 = arith.constant 16 : i32
        %mul3A_137 = arith.muli %scan3A_101, %mul3A_136 : i32
        %swap3A = arith.index_cast %mul3A_137 : i32 to index
        %swap3A_138 = tpu.vector_load %arg12[%swap3A] {strides = array<i32>} : memref<8192xi32, #tpu.memory_space<vmem>>, vector<16xi32>,
        tpu.vector_store %arg12[%swap3A], %add3A_135 {strides = array<i32>} : memref<8192xi32, #tpu.memory_space<vmem>>, vector<16xi32>,
        %scan3A_139 = arith.constant 0 : i32
        scf.yield %scan3A_139 : i32
      }
      %scan3A_31 = arith.constant 512 : i32
      %dma_start3A_32 = arith.constant 0 : i32
      %dma_start3A_33 = tpu.memref_slice %arg5[%dma_start3A_32] : memref<25165824xi32, #tpu.memory_space<hbm>> -> memref<25165824xi32, #tpu.memory_space<hbm>>
      tpu.enqueue_indirect_dma source(%arg8 : memref<8192xi32, #tpu.memory_space<vmem>>) target(%dma_start3A_33 : memref<25165824xi32, #tpu.memory_space<hbm>>) offsets(%arg12 : memref<8192xi32, #tpu.memory_space<vmem>>) semaphore(%arg16 : memref<!tpu.dma_semaphore, #tpu.memory_space<semaphore_mem>>)
      %mul3A_34 = arith.constant 4 : i32
      %mul3A_35 = arith.muli %scan3A_14, %mul3A_34 : i32
      %add3A_36 = arith.constant 1 : i32
      %add3A_37 = arith.addi %mul3A_35, %add3A_36 : i32
      %gt3A_38 = arith.constant 0 : i32
      %gt3A_39 = arith.cmpi sgt, %scan3A_14, %gt3A_38 : i32
      %convert_element_type3A_40 = arith.extui %gt3A_39 : i1 to i32
      %cond3A_41 = arith.constant 0 : i32
      %cond3A_42 = arith.cmpi ne, %convert_element_type3A_40, %cond3A_41 : i32
      scf.if %cond3A_42 {
        %dma_wait3A_101 = arith.constant 0 : i32
        %dma_wait3A_102 = tpu.memref_slice %arg5[%dma_wait3A_101] : memref<25165824xi32, #tpu.memory_space<hbm>> -> memref<25165824xi32, #tpu.memory_space<hbm>>
        tpu.wait_indirect_dma semaphore(%arg17 : memref<!tpu.dma_semaphore, #tpu.memory_space<semaphore_mem>>) src(%arg9 : memref<8192xi32, #tpu.memory_space<vmem>>) dst(%dma_wait3A_102 : memref<25165824xi32, #tpu.memory_space<hbm>>)
      } else {
      }
      "tpu.region"() ({
        %run_scoped3A = tpu.sem_alloc : memref<!tpu.dma_semaphore, #tpu.memory_space<semaphore_mem>>
        %dma_start3A_101 = arith.constant 0 : i32
        %dma_start3A_102 = tpu.memref_slice %arg2[%add3A, %add3A_37, %dma_start3A_101] : memref<32x96x8192xi32, #tpu.memory_space<hbm>> -> memref<1x1x8192xi32, #tpu.memory_space<hbm>>
        %dma_start3A_103 = tpu.memref_squeeze %dma_start3A_102 : memref<1x1x8192xi32, #tpu.memory_space<hbm>> -> memref<8192xi32, #tpu.memory_space<hbm>>
        %dma_start3A_104 = arith.constant 0 : i32
        %dma_start3A_105 = tpu.memref_slice %arg2[%add3A, %add3A_37, %dma_start3A_104] : memref<32x96x8192xi32, #tpu.memory_space<hbm>> -> memref<1x1x8192xi32, #tpu.memory_space<hbm>>
        %dma_start3A_106 = tpu.memref_squeeze %dma_start3A_105 : memref<1x1x8192xi32, #tpu.memory_space<hbm>> -> memref<8192xi32, #tpu.memory_space<hbm>>
        tpu.enqueue_dma source(%dma_start3A_106 : memref<8192xi32, #tpu.memory_space<hbm>>) target(%arg9 : memref<8192xi32, #tpu.memory_space<vmem>>) target_semaphore(%run_scoped3A : memref<!tpu.dma_semaphore, #tpu.memory_space<semaphore_mem>>)
        %dma_wait3A_107 = arith.constant 0 : i32
        %dma_wait3A_108 = tpu.memref_slice %arg2[%add3A, %add3A_37, %dma_wait3A_107] : memref<32x96x8192xi32, #tpu.memory_space<hbm>> -> memref<1x1x8192xi32, #tpu.memory_space<hbm>>
        %dma_wait3A_109 = tpu.memref_squeeze %dma_wait3A_108 : memref<1x1x8192xi32, #tpu.memory_space<hbm>> -> memref<8192xi32, #tpu.memory_space<hbm>>
        %dma_wait3A_110 = arith.constant 0 : i32
        %dma_wait3A_111 = tpu.memref_slice %arg2[%add3A, %add3A_37, %dma_wait3A_110] : memref<32x96x8192xi32, #tpu.memory_space<hbm>> -> memref<1x1x8192xi32, #tpu.memory_space<hbm>>
        %dma_wait3A_112 = tpu.memref_squeeze %dma_wait3A_111 : memref<1x1x8192xi32, #tpu.memory_space<hbm>> -> memref<8192xi32, #tpu.memory_space<hbm>>
        tpu.wait_dma2 semaphore(%run_scoped3A : memref<!tpu.dma_semaphore, #tpu.memory_space<semaphore_mem>>) src(%dma_wait3A_112 : memref<8192xi32, #tpu.memory_space<hbm>>) dst(%arg9 : memref<8192xi32, #tpu.memory_space<vmem>>)
        tpu.yield
      }) : () -> ()
      %dma_start3A_43 = arith.constant 0 : i32
      %dma_start3A_44 = tpu.memref_slice %arg3[%dma_start3A_43] : memref<25165824xf32, #tpu.memory_space<hbm>> -> memref<25165824xf32, #tpu.memory_space<hbm>>
      tpu.enqueue_indirect_dma source(%dma_start3A_44 : memref<25165824xf32, #tpu.memory_space<hbm>>) target(%arg6 : memref<8192xf32, #tpu.memory_space<vmem>>) offsets(%arg9 : memref<8192xi32, #tpu.memory_space<vmem>>) semaphore(%arg20 : memref<!tpu.dma_semaphore, #tpu.memory_space<semaphore_mem>>)
      %dma_wait3A_45 = arith.constant 0 : i32
      %dma_wait3A_46 = tpu.memref_slice %arg3[%dma_wait3A_45] : memref<25165824xf32, #tpu.memory_space<hbm>> -> memref<25165824xf32, #tpu.memory_space<hbm>>
      tpu.wait_indirect_dma semaphore(%arg20 : memref<!tpu.dma_semaphore, #tpu.memory_space<semaphore_mem>>) src(%dma_wait3A_46 : memref<25165824xf32, #tpu.memory_space<hbm>>) dst(%arg6 : memref<8192xf32, #tpu.memory_space<vmem>>)
      %scan3A_47 = arith.constant 0 : i32
      %scan3A_48 = arith.constant 0 : i32
      %scan3A_49 = arith.constant 512 : i32
      %scan3A_50 = arith.addi %scan3A_48, %scan3A_49 : i32
      %scan3A_51 = arith.constant 1 : i32
      %scan3A_52 = scf.for %scan3A_101 = %scan3A_48 to %scan3A_50 step %scan3A_51 iter_args(%scan3A_102 = %scan3A_47) -> (i32)  : i32 {
        %mul3A_103 = arith.constant 16 : i32
        %mul3A_104 = arith.muli %scan3A_101, %mul3A_103 : i32
        %get3A = arith.index_cast %mul3A_104 : i32 to index
        %get3A_105 = tpu.vector_load %arg6[%get3A] {strides = array<i32>} : memref<8192xf32, #tpu.memory_space<vmem>>, vector<16xf32>,
        %sub3A = arith.constant 5.000000e-01 : f32
        %sub3A_106 = vector.broadcast %sub3A : f32 to vector<16xf32>
        %sub3A_107 = arith.subf %get3A_105, %sub3A_106 : vector<16xf32>
        %abs3A = math.absf %sub3A_107 : vector<16xf32>
        %mul3A_108 = arith.constant 0x4B000000 : f32
        %mul3A_109 = vector.broadcast %mul3A_108 : f32 to vector<16xf32>
        %mul3A_110 = arith.mulf %abs3A, %mul3A_109 : vector<16xf32>
        %convert_element_type3A_111 = arith.fptosi %mul3A_110 : vector<16xf32> to vector<16xi32>
        %sub3A_112 = arith.constant 4194304 : i32
        %sub3A_113 = vector.broadcast %sub3A_112 : i32 to vector<16xi32>
        %sub3A_114 = arith.subi %sub3A_113, %convert_element_type3A_111 : vector<16xi32>
        %shift_right_logical3A = arith.constant 11 : i32
        %shift_right_logical3A_115 = vector.broadcast %shift_right_logical3A : i32 to vector<16xi32>
        %shift_right_logical3A_116 = arith.shrui %sub3A_114, %shift_right_logical3A_115 : vector<16xi32>
        %broadcast_in_dim3A = arith.constant true
        %broadcast_in_dim3A_117 = vector.broadcast %broadcast_in_dim3A : i1 to vector<16xi1>
        %unique3A, %unique3A_118 = tpu.scan_count mask(%broadcast_in_dim3A_117 : vector<16xi1>) value(%shift_right_logical3A_116 : vector<16xi32>) : vector<16xi1>, vector<16xi32>
        %gather3A = tpu.vector_load_idx %arg7[%shift_right_logical3A_116] : memref<2064xi32, #tpu.memory_space<vmem>>[vector<16xi32>], vector<16xi32>,
        %add3A_119 = arith.addi %gather3A, %unique3A_118 : vector<16xi32>
        %sub3A_120 = arith.constant 1 : i32
        %sub3A_121 = vector.broadcast %sub3A_120 : i32 to vector<16xi32>
        %sub3A_122 = arith.subi %add3A_119, %sub3A_121 : vector<16xi32>
        %add3A_123 = arith.constant 1 : i32
        %add3A_124 = vector.broadcast %add3A_123 : i32 to vector<16xi32>
        %add3A_125 = arith.addi %sub3A_122, %add3A_124 : vector<16xi32>
        tpu.vector_store_idx %arg7[%shift_right_logical3A_116], %add3A_125 masked %unique3A : memref<2064xi32, #tpu.memory_space<vmem>>[vector<16xi32>], vector<16xi32>, vector<16xi1>
        %mul3A_126 = arith.constant 786432 : i32
        %mul3A_127 = arith.muli %add3A, %mul3A_126 : i32
        %mul3A_128 = arith.constant 8192 : i32
        %mul3A_129 = arith.muli %add3A_37, %mul3A_128 : i32
        %add3A_130 = arith.addi %mul3A_127, %mul3A_129 : i32
        %mul3A_131 = arith.constant 16 : i32
        %mul3A_132 = arith.muli %scan3A_101, %mul3A_131 : i32
        %add3A_133 = arith.addi %add3A_130, %mul3A_132 : i32
        %iota3A = tpu.iota {dimensions = array<i32: 0>} : vector<16xi32>
        %add3A_134 = vector.broadcast %add3A_133 : i32 to vector<16xi32>
        %add3A_135 = arith.addi %add3A_134, %iota3A : vector<16xi32>
        %mul3A_136 = arith.constant 16 : i32
        %mul3A_137 = arith.muli %scan3A_101, %mul3A_136 : i32
        %swap3A = arith.index_cast %mul3A_137 : i32 to index
        %swap3A_138 = tpu.vector_load %arg13[%swap3A] {strides = array<i32>} : memref<8192xi32, #tpu.memory_space<vmem>>, vector<16xi32>,
        tpu.vector_store %arg13[%swap3A], %add3A_135 {strides = array<i32>} : memref<8192xi32, #tpu.memory_space<vmem>>, vector<16xi32>,
        %scan3A_139 = arith.constant 0 : i32
        scf.yield %scan3A_139 : i32
      }
      %scan3A_53 = arith.constant 512 : i32
      %dma_start3A_54 = arith.constant 0 : i32
      %dma_start3A_55 = tpu.memref_slice %arg5[%dma_start3A_54] : memref<25165824xi32, #tpu.memory_space<hbm>> -> memref<25165824xi32, #tpu.memory_space<hbm>>
      tpu.enqueue_indirect_dma source(%arg9 : memref<8192xi32, #tpu.memory_space<vmem>>) target(%dma_start3A_55 : memref<25165824xi32, #tpu.memory_space<hbm>>) offsets(%arg13 : memref<8192xi32, #tpu.memory_space<vmem>>) semaphore(%arg17 : memref<!tpu.dma_semaphore, #tpu.memory_space<semaphore_mem>>)
      %mul3A_56 = arith.constant 4 : i32
      %mul3A_57 = arith.muli %scan3A_14, %mul3A_56 : i32
      %add3A_58 = arith.constant 2 : i32
      %add3A_59 = arith.addi %mul3A_57, %add3A_58 : i32
      %gt3A_60 = arith.constant 0 : i32
      %gt3A_61 = arith.cmpi sgt, %scan3A_14, %gt3A_60 : i32
      %convert_element_type3A_62 = arith.extui %gt3A_61 : i1 to i32
      %cond3A_63 = arith.constant 0 : i32
      %cond3A_64 = arith.cmpi ne, %convert_element_type3A_62, %cond3A_63 : i32
      scf.if %cond3A_64 {
        %dma_wait3A_101 = arith.constant 0 : i32
        %dma_wait3A_102 = tpu.memref_slice %arg5[%dma_wait3A_101] : memref<25165824xi32, #tpu.memory_space<hbm>> -> memref<25165824xi32, #tpu.memory_space<hbm>>
        tpu.wait_indirect_dma semaphore(%arg18 : memref<!tpu.dma_semaphore, #tpu.memory_space<semaphore_mem>>) src(%arg10 : memref<8192xi32, #tpu.memory_space<vmem>>) dst(%dma_wait3A_102 : memref<25165824xi32, #tpu.memory_space<hbm>>)
      } else {
      }
      "tpu.region"() ({
        %run_scoped3A = tpu.sem_alloc : memref<!tpu.dma_semaphore, #tpu.memory_space<semaphore_mem>>
        %dma_start3A_101 = arith.constant 0 : i32
        %dma_start3A_102 = tpu.memref_slice %arg2[%add3A, %add3A_59, %dma_start3A_101] : memref<32x96x8192xi32, #tpu.memory_space<hbm>> -> memref<1x1x8192xi32, #tpu.memory_space<hbm>>
        %dma_start3A_103 = tpu.memref_squeeze %dma_start3A_102 : memref<1x1x8192xi32, #tpu.memory_space<hbm>> -> memref<8192xi32, #tpu.memory_space<hbm>>
        %dma_start3A_104 = arith.constant 0 : i32
        %dma_start3A_105 = tpu.memref_slice %arg2[%add3A, %add3A_59, %dma_start3A_104] : memref<32x96x8192xi32, #tpu.memory_space<hbm>> -> memref<1x1x8192xi32, #tpu.memory_space<hbm>>
        %dma_start3A_106 = tpu.memref_squeeze %dma_start3A_105 : memref<1x1x8192xi32, #tpu.memory_space<hbm>> -> memref<8192xi32, #tpu.memory_space<hbm>>
        tpu.enqueue_dma source(%dma_start3A_106 : memref<8192xi32, #tpu.memory_space<hbm>>) target(%arg10 : memref<8192xi32, #tpu.memory_space<vmem>>) target_semaphore(%run_scoped3A : memref<!tpu.dma_semaphore, #tpu.memory_space<semaphore_mem>>)
        %dma_wait3A_107 = arith.constant 0 : i32
        %dma_wait3A_108 = tpu.memref_slice %arg2[%add3A, %add3A_59, %dma_wait3A_107] : memref<32x96x8192xi32, #tpu.memory_space<hbm>> -> memref<1x1x8192xi32, #tpu.memory_space<hbm>>
        %dma_wait3A_109 = tpu.memref_squeeze %dma_wait3A_108 : memref<1x1x8192xi32, #tpu.memory_space<hbm>> -> memref<8192xi32, #tpu.memory_space<hbm>>
        %dma_wait3A_110 = arith.constant 0 : i32
        %dma_wait3A_111 = tpu.memref_slice %arg2[%add3A, %add3A_59, %dma_wait3A_110] : memref<32x96x8192xi32, #tpu.memory_space<hbm>> -> memref<1x1x8192xi32, #tpu.memory_space<hbm>>
        %dma_wait3A_112 = tpu.memref_squeeze %dma_wait3A_111 : memref<1x1x8192xi32, #tpu.memory_space<hbm>> -> memref<8192xi32, #tpu.memory_space<hbm>>
        tpu.wait_dma2 semaphore(%run_scoped3A : memref<!tpu.dma_semaphore, #tpu.memory_space<semaphore_mem>>) src(%dma_wait3A_112 : memref<8192xi32, #tpu.memory_space<hbm>>) dst(%arg10 : memref<8192xi32, #tpu.memory_space<vmem>>)
        tpu.yield
      }) : () -> ()
      %dma_start3A_65 = arith.constant 0 : i32
      %dma_start3A_66 = tpu.memref_slice %arg3[%dma_start3A_65] : memref<25165824xf32, #tpu.memory_space<hbm>> -> memref<25165824xf32, #tpu.memory_space<hbm>>
      tpu.enqueue_indirect_dma source(%dma_start3A_66 : memref<25165824xf32, #tpu.memory_space<hbm>>) target(%arg6 : memref<8192xf32, #tpu.memory_space<vmem>>) offsets(%arg10 : memref<8192xi32, #tpu.memory_space<vmem>>) semaphore(%arg20 : memref<!tpu.dma_semaphore, #tpu.memory_space<semaphore_mem>>)
      %dma_wait3A_67 = arith.constant 0 : i32
      %dma_wait3A_68 = tpu.memref_slice %arg3[%dma_wait3A_67] : memref<25165824xf32, #tpu.memory_space<hbm>> -> memref<25165824xf32, #tpu.memory_space<hbm>>
      tpu.wait_indirect_dma semaphore(%arg20 : memref<!tpu.dma_semaphore, #tpu.memory_space<semaphore_mem>>) src(%dma_wait3A_68 : memref<25165824xf32, #tpu.memory_space<hbm>>) dst(%arg6 : memref<8192xf32, #tpu.memory_space<vmem>>)
      %scan3A_69 = arith.constant 0 : i32
      %scan3A_70 = arith.constant 0 : i32
      %scan3A_71 = arith.constant 512 : i32
      %scan3A_72 = arith.addi %scan3A_70, %scan3A_71 : i32
      %scan3A_73 = arith.constant 1 : i32
      %scan3A_74 = scf.for %scan3A_101 = %scan3A_70 to %scan3A_72 step %scan3A_73 iter_args(%scan3A_102 = %scan3A_69) -> (i32)  : i32 {
        %mul3A_103 = arith.constant 16 : i32
        %mul3A_104 = arith.muli %scan3A_101, %mul3A_103 : i32
        %get3A = arith.index_cast %mul3A_104 : i32 to index
        %get3A_105 = tpu.vector_load %arg6[%get3A] {strides = array<i32>} : memref<8192xf32, #tpu.memory_space<vmem>>, vector<16xf32>,
        %sub3A = arith.constant 5.000000e-01 : f32
        %sub3A_106 = vector.broadcast %sub3A : f32 to vector<16xf32>
        %sub3A_107 = arith.subf %get3A_105, %sub3A_106 : vector<16xf32>
        %abs3A = math.absf %sub3A_107 : vector<16xf32>
        %mul3A_108 = arith.constant 0x4B000000 : f32
        %mul3A_109 = vector.broadcast %mul3A_108 : f32 to vector<16xf32>
        %mul3A_110 = arith.mulf %abs3A, %mul3A_109 : vector<16xf32>
        %convert_element_type3A_111 = arith.fptosi %mul3A_110 : vector<16xf32> to vector<16xi32>
        %sub3A_112 = arith.constant 4194304 : i32
        %sub3A_113 = vector.broadcast %sub3A_112 : i32 to vector<16xi32>
        %sub3A_114 = arith.subi %sub3A_113, %convert_element_type3A_111 : vector<16xi32>
        %shift_right_logical3A = arith.constant 11 : i32
        %shift_right_logical3A_115 = vector.broadcast %shift_right_logical3A : i32 to vector<16xi32>
        %shift_right_logical3A_116 = arith.shrui %sub3A_114, %shift_right_logical3A_115 : vector<16xi32>
        %broadcast_in_dim3A = arith.constant true
        %broadcast_in_dim3A_117 = vector.broadcast %broadcast_in_dim3A : i1 to vector<16xi1>
        %unique3A, %unique3A_118 = tpu.scan_count mask(%broadcast_in_dim3A_117 : vector<16xi1>) value(%shift_right_logical3A_116 : vector<16xi32>) : vector<16xi1>, vector<16xi32>
        %gather3A = tpu.vector_load_idx %arg7[%shift_right_logical3A_116] : memref<2064xi32, #tpu.memory_space<vmem>>[vector<16xi32>], vector<16xi32>,
        %add3A_119 = arith.addi %gather3A, %unique3A_118 : vector<16xi32>
        %sub3A_120 = arith.constant 1 : i32
        %sub3A_121 = vector.broadcast %sub3A_120 : i32 to vector<16xi32>
        %sub3A_122 = arith.subi %add3A_119, %sub3A_121 : vector<16xi32>
        %add3A_123 = arith.constant 1 : i32
        %add3A_124 = vector.broadcast %add3A_123 : i32 to vector<16xi32>
        %add3A_125 = arith.addi %sub3A_122, %add3A_124 : vector<16xi32>
        tpu.vector_store_idx %arg7[%shift_right_logical3A_116], %add3A_125 masked %unique3A : memref<2064xi32, #tpu.memory_space<vmem>>[vector<16xi32>], vector<16xi32>, vector<16xi1>
        %mul3A_126 = arith.constant 786432 : i32
        %mul3A_127 = arith.muli %add3A, %mul3A_126 : i32
        %mul3A_128 = arith.constant 8192 : i32
        %mul3A_129 = arith.muli %add3A_59, %mul3A_128 : i32
        %add3A_130 = arith.addi %mul3A_127, %mul3A_129 : i32
        %mul3A_131 = arith.constant 16 : i32
        %mul3A_132 = arith.muli %scan3A_101, %mul3A_131 : i32
        %add3A_133 = arith.addi %add3A_130, %mul3A_132 : i32
        %iota3A = tpu.iota {dimensions = array<i32: 0>} : vector<16xi32>
        %add3A_134 = vector.broadcast %add3A_133 : i32 to vector<16xi32>
        %add3A_135 = arith.addi %add3A_134, %iota3A : vector<16xi32>
        %mul3A_136 = arith.constant 16 : i32
        %mul3A_137 = arith.muli %scan3A_101, %mul3A_136 : i32
        %swap3A = arith.index_cast %mul3A_137 : i32 to index
        %swap3A_138 = tpu.vector_load %arg14[%swap3A] {strides = array<i32>} : memref<8192xi32, #tpu.memory_space<vmem>>, vector<16xi32>,
        tpu.vector_store %arg14[%swap3A], %add3A_135 {strides = array<i32>} : memref<8192xi32, #tpu.memory_space<vmem>>, vector<16xi32>,
        %scan3A_139 = arith.constant 0 : i32
        scf.yield %scan3A_139 : i32
      }
      %scan3A_75 = arith.constant 512 : i32
      %dma_start3A_76 = arith.constant 0 : i32
      %dma_start3A_77 = tpu.memref_slice %arg5[%dma_start3A_76] : memref<25165824xi32, #tpu.memory_space<hbm>> -> memref<25165824xi32, #tpu.memory_space<hbm>>
      tpu.enqueue_indirect_dma source(%arg10 : memref<8192xi32, #tpu.memory_space<vmem>>) target(%dma_start3A_77 : memref<25165824xi32, #tpu.memory_space<hbm>>) offsets(%arg14 : memref<8192xi32, #tpu.memory_space<vmem>>) semaphore(%arg18 : memref<!tpu.dma_semaphore, #tpu.memory_space<semaphore_mem>>)
      %mul3A_78 = arith.constant 4 : i32
      %mul3A_79 = arith.muli %scan3A_14, %mul3A_78 : i32
      %add3A_80 = arith.constant 3 : i32
      %add3A_81 = arith.addi %mul3A_79, %add3A_80 : i32
      %gt3A_82 = arith.constant 0 : i32
      %gt3A_83 = arith.cmpi sgt, %scan3A_14, %gt3A_82 : i32
      %convert_element_type3A_84 = arith.extui %gt3A_83 : i1 to i32
      %cond3A_85 = arith.constant 0 : i32
      %cond3A_86 = arith.cmpi ne, %convert_element_type3A_84, %cond3A_85 : i32
      scf.if %cond3A_86 {
        %dma_wait3A_101 = arith.constant 0 : i32
        %dma_wait3A_102 = tpu.memref_slice %arg5[%dma_wait3A_101] : memref<25165824xi32, #tpu.memory_space<hbm>> -> memref<25165824xi32, #tpu.memory_space<hbm>>
        tpu.wait_indirect_dma semaphore(%arg19 : memref<!tpu.dma_semaphore, #tpu.memory_space<semaphore_mem>>) src(%arg11 : memref<8192xi32, #tpu.memory_space<vmem>>) dst(%dma_wait3A_102 : memref<25165824xi32, #tpu.memory_space<hbm>>)
      } else {
      }
      "tpu.region"() ({
        %run_scoped3A = tpu.sem_alloc : memref<!tpu.dma_semaphore, #tpu.memory_space<semaphore_mem>>
        %dma_start3A_101 = arith.constant 0 : i32
        %dma_start3A_102 = tpu.memref_slice %arg2[%add3A, %add3A_81, %dma_start3A_101] : memref<32x96x8192xi32, #tpu.memory_space<hbm>> -> memref<1x1x8192xi32, #tpu.memory_space<hbm>>
        %dma_start3A_103 = tpu.memref_squeeze %dma_start3A_102 : memref<1x1x8192xi32, #tpu.memory_space<hbm>> -> memref<8192xi32, #tpu.memory_space<hbm>>
        %dma_start3A_104 = arith.constant 0 : i32
        %dma_start3A_105 = tpu.memref_slice %arg2[%add3A, %add3A_81, %dma_start3A_104] : memref<32x96x8192xi32, #tpu.memory_space<hbm>> -> memref<1x1x8192xi32, #tpu.memory_space<hbm>>
        %dma_start3A_106 = tpu.memref_squeeze %dma_start3A_105 : memref<1x1x8192xi32, #tpu.memory_space<hbm>> -> memref<8192xi32, #tpu.memory_space<hbm>>
        tpu.enqueue_dma source(%dma_start3A_106 : memref<8192xi32, #tpu.memory_space<hbm>>) target(%arg11 : memref<8192xi32, #tpu.memory_space<vmem>>) target_semaphore(%run_scoped3A : memref<!tpu.dma_semaphore, #tpu.memory_space<semaphore_mem>>)
        %dma_wait3A_107 = arith.constant 0 : i32
        %dma_wait3A_108 = tpu.memref_slice %arg2[%add3A, %add3A_81, %dma_wait3A_107] : memref<32x96x8192xi32, #tpu.memory_space<hbm>> -> memref<1x1x8192xi32, #tpu.memory_space<hbm>>
        %dma_wait3A_109 = tpu.memref_squeeze %dma_wait3A_108 : memref<1x1x8192xi32, #tpu.memory_space<hbm>> -> memref<8192xi32, #tpu.memory_space<hbm>>
        %dma_wait3A_110 = arith.constant 0 : i32
        %dma_wait3A_111 = tpu.memref_slice %arg2[%add3A, %add3A_81, %dma_wait3A_110] : memref<32x96x8192xi32, #tpu.memory_space<hbm>> -> memref<1x1x8192xi32, #tpu.memory_space<hbm>>
        %dma_wait3A_112 = tpu.memref_squeeze %dma_wait3A_111 : memref<1x1x8192xi32, #tpu.memory_space<hbm>> -> memref<8192xi32, #tpu.memory_space<hbm>>
        tpu.wait_dma2 semaphore(%run_scoped3A : memref<!tpu.dma_semaphore, #tpu.memory_space<semaphore_mem>>) src(%dma_wait3A_112 : memref<8192xi32, #tpu.memory_space<hbm>>) dst(%arg11 : memref<8192xi32, #tpu.memory_space<vmem>>)
        tpu.yield
      }) : () -> ()
      %dma_start3A_87 = arith.constant 0 : i32
      %dma_start3A_88 = tpu.memref_slice %arg3[%dma_start3A_87] : memref<25165824xf32, #tpu.memory_space<hbm>> -> memref<25165824xf32, #tpu.memory_space<hbm>>
      tpu.enqueue_indirect_dma source(%dma_start3A_88 : memref<25165824xf32, #tpu.memory_space<hbm>>) target(%arg6 : memref<8192xf32, #tpu.memory_space<vmem>>) offsets(%arg11 : memref<8192xi32, #tpu.memory_space<vmem>>) semaphore(%arg20 : memref<!tpu.dma_semaphore, #tpu.memory_space<semaphore_mem>>)
      %dma_wait3A_89 = arith.constant 0 : i32
      %dma_wait3A_90 = tpu.memref_slice %arg3[%dma_wait3A_89] : memref<25165824xf32, #tpu.memory_space<hbm>> -> memref<25165824xf32, #tpu.memory_space<hbm>>
      tpu.wait_indirect_dma semaphore(%arg20 : memref<!tpu.dma_semaphore, #tpu.memory_space<semaphore_mem>>) src(%dma_wait3A_90 : memref<25165824xf32, #tpu.memory_space<hbm>>) dst(%arg6 : memref<8192xf32, #tpu.memory_space<vmem>>)
      %scan3A_91 = arith.constant 0 : i32
      %scan3A_92 = arith.constant 0 : i32
      %scan3A_93 = arith.constant 512 : i32
      %scan3A_94 = arith.addi %scan3A_92, %scan3A_93 : i32
      %scan3A_95 = arith.constant 1 : i32
      %scan3A_96 = scf.for %scan3A_101 = %scan3A_92 to %scan3A_94 step %scan3A_95 iter_args(%scan3A_102 = %scan3A_91) -> (i32)  : i32 {
        %mul3A_103 = arith.constant 16 : i32
        %mul3A_104 = arith.muli %scan3A_101, %mul3A_103 : i32
        %get3A = arith.index_cast %mul3A_104 : i32 to index
        %get3A_105 = tpu.vector_load %arg6[%get3A] {strides = array<i32>} : memref<8192xf32, #tpu.memory_space<vmem>>, vector<16xf32>,
        %sub3A = arith.constant 5.000000e-01 : f32
        %sub3A_106 = vector.broadcast %sub3A : f32 to vector<16xf32>
        %sub3A_107 = arith.subf %get3A_105, %sub3A_106 : vector<16xf32>
        %abs3A = math.absf %sub3A_107 : vector<16xf32>
        %mul3A_108 = arith.constant 0x4B000000 : f32
        %mul3A_109 = vector.broadcast %mul3A_108 : f32 to vector<16xf32>
        %mul3A_110 = arith.mulf %abs3A, %mul3A_109 : vector<16xf32>
        %convert_element_type3A_111 = arith.fptosi %mul3A_110 : vector<16xf32> to vector<16xi32>
        %sub3A_112 = arith.constant 4194304 : i32
        %sub3A_113 = vector.broadcast %sub3A_112 : i32 to vector<16xi32>
        %sub3A_114 = arith.subi %sub3A_113, %convert_element_type3A_111 : vector<16xi32>
        %shift_right_logical3A = arith.constant 11 : i32
        %shift_right_logical3A_115 = vector.broadcast %shift_right_logical3A : i32 to vector<16xi32>
        %shift_right_logical3A_116 = arith.shrui %sub3A_114, %shift_right_logical3A_115 : vector<16xi32>
        %broadcast_in_dim3A = arith.constant true
        %broadcast_in_dim3A_117 = vector.broadcast %broadcast_in_dim3A : i1 to vector<16xi1>
        %unique3A, %unique3A_118 = tpu.scan_count mask(%broadcast_in_dim3A_117 : vector<16xi1>) value(%shift_right_logical3A_116 : vector<16xi32>) : vector<16xi1>, vector<16xi32>
        %gather3A = tpu.vector_load_idx %arg7[%shift_right_logical3A_116] : memref<2064xi32, #tpu.memory_space<vmem>>[vector<16xi32>], vector<16xi32>,
        %add3A_119 = arith.addi %gather3A, %unique3A_118 : vector<16xi32>
        %sub3A_120 = arith.constant 1 : i32
        %sub3A_121 = vector.broadcast %sub3A_120 : i32 to vector<16xi32>
        %sub3A_122 = arith.subi %add3A_119, %sub3A_121 : vector<16xi32>
        %add3A_123 = arith.constant 1 : i32
        %add3A_124 = vector.broadcast %add3A_123 : i32 to vector<16xi32>
        %add3A_125 = arith.addi %sub3A_122, %add3A_124 : vector<16xi32>
        tpu.vector_store_idx %arg7[%shift_right_logical3A_116], %add3A_125 masked %unique3A : memref<2064xi32, #tpu.memory_space<vmem>>[vector<16xi32>], vector<16xi32>, vector<16xi1>
        %mul3A_126 = arith.constant 786432 : i32
        %mul3A_127 = arith.muli %add3A, %mul3A_126 : i32
        %mul3A_128 = arith.constant 8192 : i32
        %mul3A_129 = arith.muli %add3A_81, %mul3A_128 : i32
        %add3A_130 = arith.addi %mul3A_127, %mul3A_129 : i32
        %mul3A_131 = arith.constant 16 : i32
        %mul3A_132 = arith.muli %scan3A_101, %mul3A_131 : i32
        %add3A_133 = arith.addi %add3A_130, %mul3A_132 : i32
        %iota3A = tpu.iota {dimensions = array<i32: 0>} : vector<16xi32>
        %add3A_134 = vector.broadcast %add3A_133 : i32 to vector<16xi32>
        %add3A_135 = arith.addi %add3A_134, %iota3A : vector<16xi32>
        %mul3A_136 = arith.constant 16 : i32
        %mul3A_137 = arith.muli %scan3A_101, %mul3A_136 : i32
        %swap3A = arith.index_cast %mul3A_137 : i32 to index
        %swap3A_138 = tpu.vector_load %arg15[%swap3A] {strides = array<i32>} : memref<8192xi32, #tpu.memory_space<vmem>>, vector<16xi32>,
        tpu.vector_store %arg15[%swap3A], %add3A_135 {strides = array<i32>} : memref<8192xi32, #tpu.memory_space<vmem>>, vector<16xi32>,
        %scan3A_139 = arith.constant 0 : i32
        scf.yield %scan3A_139 : i32
      }
      %scan3A_97 = arith.constant 512 : i32
      %dma_start3A_98 = arith.constant 0 : i32
      %dma_start3A_99 = tpu.memref_slice %arg5[%dma_start3A_98] : memref<25165824xi32, #tpu.memory_space<hbm>> -> memref<25165824xi32, #tpu.memory_space<hbm>>
      tpu.enqueue_indirect_dma source(%arg11 : memref<8192xi32, #tpu.memory_space<vmem>>) target(%dma_start3A_99 : memref<25165824xi32, #tpu.memory_space<hbm>>) offsets(%arg15 : memref<8192xi32, #tpu.memory_space<vmem>>) semaphore(%arg19 : memref<!tpu.dma_semaphore, #tpu.memory_space<semaphore_mem>>)
      %scan3A_100 = arith.constant 0 : i32
      scf.yield %scan3A_100 : i32
    }
    %scan3A_6 = arith.constant 24 : i32
    %dma_wait3A = arith.constant 0 : i32
    %dma_wait3A_7 = tpu.memref_slice %arg5[%dma_wait3A] : memref<25165824xi32, #tpu.memory_space<hbm>> -> memref<25165824xi32, #tpu.memory_space<hbm>>
    tpu.wait_indirect_dma semaphore(%arg16 : memref<!tpu.dma_semaphore, #tpu.memory_space<semaphore_mem>>) src(%arg8 : memref<8192xi32, #tpu.memory_space<vmem>>) dst(%dma_wait3A_7 : memref<25165824xi32, #tpu.memory_space<hbm>>)
    %dma_wait3A_8 = arith.constant 0 : i32
    %dma_wait3A_9 = tpu.memref_slice %arg5[%dma_wait3A_8] : memref<25165824xi32, #tpu.memory_space<hbm>> -> memref<25165824xi32, #tpu.memory_space<hbm>>
    tpu.wait_indirect_dma semaphore(%arg17 : memref<!tpu.dma_semaphore, #tpu.memory_space<semaphore_mem>>) src(%arg9 : memref<8192xi32, #tpu.memory_space<vmem>>) dst(%dma_wait3A_9 : memref<25165824xi32, #tpu.memory_space<hbm>>)
    %dma_wait3A_10 = arith.constant 0 : i32
    %dma_wait3A_11 = tpu.memref_slice %arg5[%dma_wait3A_10] : memref<25165824xi32, #tpu.memory_space<hbm>> -> memref<25165824xi32, #tpu.memory_space<hbm>>
    tpu.wait_indirect_dma semaphore(%arg18 : memref<!tpu.dma_semaphore, #tpu.memory_space<semaphore_mem>>) src(%arg10 : memref<8192xi32, #tpu.memory_space<vmem>>) dst(%dma_wait3A_11 : memref<25165824xi32, #tpu.memory_space<hbm>>)
    %dma_wait3A_12 = arith.constant 0 : i32
    %dma_wait3A_13 = tpu.memref_slice %arg5[%dma_wait3A_12] : memref<25165824xi32, #tpu.memory_space<hbm>> -> memref<25165824xi32, #tpu.memory_space<hbm>>
    tpu.wait_indirect_dma semaphore(%arg19 : memref<!tpu.dma_semaphore, #tpu.memory_space<semaphore_mem>>) src(%arg11 : memref<8192xi32, #tpu.memory_space<vmem>>) dst(%dma_wait3A_13 : memref<25165824xi32, #tpu.memory_space<hbm>>)
    return
  }
}

#map = affine_map<(d0, d1) -> (0)>
module attributes {stable_mosaic.version = 14 : i64} {
  func.func @_scan_kernel(%arg0: i32, %arg1: i32, %arg2: memref<66048xi32, #tpu.memory_space<hbm>>, %arg3: memref<66048xi32, #tpu.memory_space<hbm>>, %arg4: memref<66048xi32, #tpu.memory_space<vmem>>) attributes {dimension_semantics = [#tpu.dimension_semantics<core_parallel>, #tpu.dimension_semantics<subcore_parallel>], iteration_bounds = array<i64: 2, 16>, scalar_prefetch = 0 : i64, scratch_operands = 1 : i64, tpu.core_type = #tpu.core_type<sc_vector_subcore>, window_params = [{transform_indices = #map}, {transform_indices = #map}]} {
    %mul3A = arith.constant 2 : i32
    %mul3A_0 = arith.muli %arg1, %mul3A : i32
    %add3A = arith.addi %mul3A_0, %arg0 : i32
    %eq3A = arith.constant 0 : i32
    %eq3A_1 = arith.cmpi eq, %add3A, %eq3A : i32
    %convert_element_type3A = arith.extui %eq3A_1 : i1 to i32
    %cond3A = arith.constant 0 : i32
    %cond3A_2 = arith.cmpi ne, %convert_element_type3A, %cond3A : i32
    scf.if %cond3A_2 {
      "tpu.region"() ({
        %run_scoped3A = tpu.sem_alloc : memref<!tpu.dma_semaphore, #tpu.memory_space<semaphore_mem>>
        tpu.enqueue_dma source(%arg2 : memref<66048xi32, #tpu.memory_space<hbm>>) target(%arg4 : memref<66048xi32, #tpu.memory_space<vmem>>) target_semaphore(%run_scoped3A : memref<!tpu.dma_semaphore, #tpu.memory_space<semaphore_mem>>)
        tpu.wait_dma2 semaphore(%run_scoped3A : memref<!tpu.dma_semaphore, #tpu.memory_space<semaphore_mem>>) src(%arg2 : memref<66048xi32, #tpu.memory_space<hbm>>) dst(%arg4 : memref<66048xi32, #tpu.memory_space<vmem>>)
        tpu.yield
      }) : () -> ()
      %iota3A = tpu.iota {dimensions = array<i32: 0>} : vector<16xi32>
      %mul3A_3 = arith.constant 2064 : i32
      %mul3A_4 = vector.broadcast %mul3A_3 : i32 to vector<16xi32>
      %mul3A_5 = arith.muli %iota3A, %mul3A_4 : vector<16xi32>
      %add3A_6 = arith.constant 33024 : i32
      %add3A_7 = vector.broadcast %add3A_6 : i32 to vector<16xi32>
      %add3A_8 = arith.addi %mul3A_5, %add3A_7 : vector<16xi32>
      %scan3A = arith.constant 0 : i32
      %scan3A_9 = arith.constant 0 : i32
      %scan3A_10 = arith.constant 2064 : i32
      %scan3A_11 = arith.addi %scan3A_9, %scan3A_10 : i32
      %scan3A_12 = arith.constant 1 : i32
      %scan3A_13 = scf.for %scan3A_15 = %scan3A_9 to %scan3A_11 step %scan3A_12 iter_args(%scan3A_16 = %scan3A) -> (i32)  : i32 {
        %add3A_17 = vector.broadcast %scan3A_15 : i32 to vector<16xi32>
        %add3A_18 = arith.addi %mul3A_5, %add3A_17 : vector<16xi32>
        %add3A_19 = vector.broadcast %scan3A_15 : i32 to vector<16xi32>
        %add3A_20 = arith.addi %add3A_8, %add3A_19 : vector<16xi32>
        %gather3A = tpu.vector_load_idx %arg4[%add3A_18] : memref<66048xi32, #tpu.memory_space<vmem>>[vector<16xi32>], vector<16xi32>,
        %gather3A_21 = tpu.vector_load_idx %arg4[%add3A_20] : memref<66048xi32, #tpu.memory_space<vmem>>[vector<16xi32>], vector<16xi32>,
        %reduce_sum3A = arith.constant true
        %reduce_sum3A_22 = vector.broadcast %reduce_sum3A : i1 to vector<16xi1>
        %reduce_sum3A_23 = tpu.scan <sum>, %gather3A masked %reduce_sum3A_22 : vector<16xi32>, vector<16xi1> -> vector<16xi32>
        %reduce_sum3A_24 = vector.extract %reduce_sum3A_23[15] : i32 from vector<16xi32>
        %broadcast_in_dim3A = arith.constant true
        %broadcast_in_dim3A_25 = vector.broadcast %broadcast_in_dim3A : i1 to vector<16xi1>
        %masked_cumsum3A = tpu.scan <sum>, %gather3A masked %broadcast_in_dim3A_25 : vector<16xi32>, vector<16xi1> -> vector<16xi32>
        %sub3A = arith.subi %masked_cumsum3A, %gather3A : vector<16xi32>
        %add3A_26 = vector.broadcast %scan3A_16 : i32 to vector<16xi32>
        %add3A_27 = arith.addi %sub3A, %add3A_26 : vector<16xi32>
        %broadcast_in_dim3A_28 = arith.constant true
        %broadcast_in_dim3A_29 = vector.broadcast %broadcast_in_dim3A_28 : i1 to vector<16xi1>
        %masked_cumsum3A_30 = tpu.scan <sum>, %gather3A_21 masked %broadcast_in_dim3A_29 : vector<16xi32>, vector<16xi1> -> vector<16xi32>
        %sub3A_31 = arith.subi %masked_cumsum3A_30, %gather3A_21 : vector<16xi32>
        %add3A_32 = arith.addi %scan3A_16, %reduce_sum3A_24 : i32
        %add3A_33 = vector.broadcast %add3A_32 : i32 to vector<16xi32>
        %add3A_34 = arith.addi %sub3A_31, %add3A_33 : vector<16xi32>
        tpu.vector_store_idx %arg4[%add3A_18], %add3A_27 : memref<66048xi32, #tpu.memory_space<vmem>>[vector<16xi32>], vector<16xi32>,
        tpu.vector_store_idx %arg4[%add3A_20], %add3A_34 : memref<66048xi32, #tpu.memory_space<vmem>>[vector<16xi32>], vector<16xi32>,
        %add3A_35 = arith.addi %scan3A_16, %reduce_sum3A_24 : i32
        %reduce_sum3A_36 = arith.constant true
        %reduce_sum3A_37 = vector.broadcast %reduce_sum3A_36 : i1 to vector<16xi1>
        %reduce_sum3A_38 = tpu.scan <sum>, %gather3A_21 masked %reduce_sum3A_37 : vector<16xi32>, vector<16xi1> -> vector<16xi32>
        %reduce_sum3A_39 = vector.extract %reduce_sum3A_38[15] : i32 from vector<16xi32>
        %add3A_40 = arith.addi %add3A_35, %reduce_sum3A_39 : i32
        scf.yield %add3A_40 : i32
      }
      %scan3A_14 = arith.constant 2064 : i32
      "tpu.region"() ({
        %run_scoped3A = tpu.sem_alloc : memref<!tpu.dma_semaphore, #tpu.memory_space<semaphore_mem>>
        tpu.enqueue_dma source(%arg4 : memref<66048xi32, #tpu.memory_space<vmem>>) target(%arg3 : memref<66048xi32, #tpu.memory_space<hbm>>) target_semaphore(%run_scoped3A : memref<!tpu.dma_semaphore, #tpu.memory_space<semaphore_mem>>)
        tpu.wait_dma2 semaphore(%run_scoped3A : memref<!tpu.dma_semaphore, #tpu.memory_space<semaphore_mem>>) src(%arg4 : memref<66048xi32, #tpu.memory_space<vmem>>) dst(%arg3 : memref<66048xi32, #tpu.memory_space<hbm>>)
        tpu.yield
      }) : () -> ()
    } else {
    }
    return
  }
}

#map = affine_map<(d0, d1) -> (0, 0, 0)>
#map1 = affine_map<(d0, d1) -> (0)>
module attributes {stable_mosaic.version = 14 : i64} {
  func.func @_gather_vals_kernel(%arg0: i32, %arg1: i32, %arg2: memref<32x64x8192xi32, #tpu.memory_space<hbm>>, %arg3: memref<25165824xf32, #tpu.memory_space<hbm>>, %arg4: memref<32x64x8192xf32, #tpu.memory_space<hbm>>, %arg5: memref<8192xi32, #tpu.memory_space<vmem>>, %arg6: memref<8192xf32, #tpu.memory_space<vmem>>, %arg7: memref<!tpu.dma_semaphore, #tpu.memory_space<semaphore_mem>>) attributes {dimension_semantics = [#tpu.dimension_semantics<core_parallel>, #tpu.dimension_semantics<subcore_parallel>], iteration_bounds = array<i64: 2, 16>, scalar_prefetch = 0 : i64, scratch_operands = 3 : i64, tpu.core_type = #tpu.core_type<sc_vector_subcore>, window_params = [{transform_indices = #map}, {transform_indices = #map1}, {transform_indices = #map}]} {
    %mul3A = arith.constant 2 : i32
    %mul3A_0 = arith.muli %arg1, %mul3A : i32
    %add3A = arith.addi %mul3A_0, %arg0 : i32
    %scan3A = arith.constant 0 : i32
    %scan3A_1 = arith.constant 0 : i32
    %scan3A_2 = arith.constant 64 : i32
    %scan3A_3 = arith.addi %scan3A_1, %scan3A_2 : i32
    %scan3A_4 = arith.constant 1 : i32
    %scan3A_5 = scf.for %scan3A_7 = %scan3A_1 to %scan3A_3 step %scan3A_4 iter_args(%scan3A_8 = %scan3A) -> (i32)  : i32 {
      "tpu.region"() ({
        %run_scoped3A = tpu.sem_alloc : memref<!tpu.dma_semaphore, #tpu.memory_space<semaphore_mem>>
        %dma_start3A_12 = arith.constant 0 : i32
        %dma_start3A_13 = tpu.memref_slice %arg2[%add3A, %scan3A_7, %dma_start3A_12] : memref<32x64x8192xi32, #tpu.memory_space<hbm>> -> memref<1x1x8192xi32, #tpu.memory_space<hbm>>
        %dma_start3A_14 = tpu.memref_squeeze %dma_start3A_13 : memref<1x1x8192xi32, #tpu.memory_space<hbm>> -> memref<8192xi32, #tpu.memory_space<hbm>>
        %dma_start3A_15 = arith.constant 0 : i32
        %dma_start3A_16 = tpu.memref_slice %arg2[%add3A, %scan3A_7, %dma_start3A_15] : memref<32x64x8192xi32, #tpu.memory_space<hbm>> -> memref<1x1x8192xi32, #tpu.memory_space<hbm>>
        %dma_start3A_17 = tpu.memref_squeeze %dma_start3A_16 : memref<1x1x8192xi32, #tpu.memory_space<hbm>> -> memref<8192xi32, #tpu.memory_space<hbm>>
        tpu.enqueue_dma source(%dma_start3A_17 : memref<8192xi32, #tpu.memory_space<hbm>>) target(%arg5 : memref<8192xi32, #tpu.memory_space<vmem>>) target_semaphore(%run_scoped3A : memref<!tpu.dma_semaphore, #tpu.memory_space<semaphore_mem>>)
        %dma_wait3A_18 = arith.constant 0 : i32
        %dma_wait3A_19 = tpu.memref_slice %arg2[%add3A, %scan3A_7, %dma_wait3A_18] : memref<32x64x8192xi32, #tpu.memory_space<hbm>> -> memref<1x1x8192xi32, #tpu.memory_space<hbm>>
        %dma_wait3A_20 = tpu.memref_squeeze %dma_wait3A_19 : memref<1x1x8192xi32, #tpu.memory_space<hbm>> -> memref<8192xi32, #tpu.memory_space<hbm>>
        %dma_wait3A_21 = arith.constant 0 : i32
        %dma_wait3A_22 = tpu.memref_slice %arg2[%add3A, %scan3A_7, %dma_wait3A_21] : memref<32x64x8192xi32, #tpu.memory_space<hbm>> -> memref<1x1x8192xi32, #tpu.memory_space<hbm>>
        %dma_wait3A_23 = tpu.memref_squeeze %dma_wait3A_22 : memref<1x1x8192xi32, #tpu.memory_space<hbm>> -> memref<8192xi32, #tpu.memory_space<hbm>>
        tpu.wait_dma2 semaphore(%run_scoped3A : memref<!tpu.dma_semaphore, #tpu.memory_space<semaphore_mem>>) src(%dma_wait3A_23 : memref<8192xi32, #tpu.memory_space<hbm>>) dst(%arg5 : memref<8192xi32, #tpu.memory_space<vmem>>)
        tpu.yield
      }) : () -> ()
      %dma_start3A = arith.constant 0 : i32
      %dma_start3A_9 = tpu.memref_slice %arg3[%dma_start3A] : memref<25165824xf32, #tpu.memory_space<hbm>> -> memref<25165824xf32, #tpu.memory_space<hbm>>
      tpu.enqueue_indirect_dma source(%dma_start3A_9 : memref<25165824xf32, #tpu.memory_space<hbm>>) target(%arg6 : memref<8192xf32, #tpu.memory_space<vmem>>) offsets(%arg5 : memref<8192xi32, #tpu.memory_space<vmem>>) semaphore(%arg7 : memref<!tpu.dma_semaphore, #tpu.memory_space<semaphore_mem>>)
      %dma_wait3A = arith.constant 0 : i32
      %dma_wait3A_10 = tpu.memref_slice %arg3[%dma_wait3A] : memref<25165824xf32, #tpu.memory_space<hbm>> -> memref<25165824xf32, #tpu.memory_space<hbm>>
      tpu.wait_indirect_dma semaphore(%arg7 : memref<!tpu.dma_semaphore, #tpu.memory_space<semaphore_mem>>) src(%dma_wait3A_10 : memref<25165824xf32, #tpu.memory_space<hbm>>) dst(%arg6 : memref<8192xf32, #tpu.memory_space<vmem>>)
      "tpu.region"() ({
        %run_scoped3A = tpu.sem_alloc : memref<!tpu.dma_semaphore, #tpu.memory_space<semaphore_mem>>
        %dma_start3A_12 = arith.constant 0 : i32
        %dma_start3A_13 = tpu.memref_slice %arg4[%add3A, %scan3A_7, %dma_start3A_12] : memref<32x64x8192xf32, #tpu.memory_space<hbm>> -> memref<1x1x8192xf32, #tpu.memory_space<hbm>>
        %dma_start3A_14 = tpu.memref_squeeze %dma_start3A_13 : memref<1x1x8192xf32, #tpu.memory_space<hbm>> -> memref<8192xf32, #tpu.memory_space<hbm>>
        %dma_start3A_15 = arith.constant 0 : i32
        %dma_start3A_16 = tpu.memref_slice %arg4[%add3A, %scan3A_7, %dma_start3A_15] : memref<32x64x8192xf32, #tpu.memory_space<hbm>> -> memref<1x1x8192xf32, #tpu.memory_space<hbm>>
        %dma_start3A_17 = tpu.memref_squeeze %dma_start3A_16 : memref<1x1x8192xf32, #tpu.memory_space<hbm>> -> memref<8192xf32, #tpu.memory_space<hbm>>
        tpu.enqueue_dma source(%arg6 : memref<8192xf32, #tpu.memory_space<vmem>>) target(%dma_start3A_17 : memref<8192xf32, #tpu.memory_space<hbm>>) target_semaphore(%run_scoped3A : memref<!tpu.dma_semaphore, #tpu.memory_space<semaphore_mem>>)
        %dma_wait3A_18 = arith.constant 0 : i32
        %dma_wait3A_19 = tpu.memref_slice %arg4[%add3A, %scan3A_7, %dma_wait3A_18] : memref<32x64x8192xf32, #tpu.memory_space<hbm>> -> memref<1x1x8192xf32, #tpu.memory_space<hbm>>
        %dma_wait3A_20 = tpu.memref_squeeze %dma_wait3A_19 : memref<1x1x8192xf32, #tpu.memory_space<hbm>> -> memref<8192xf32, #tpu.memory_space<hbm>>
        %dma_wait3A_21 = arith.constant 0 : i32
        %dma_wait3A_22 = tpu.memref_slice %arg4[%add3A, %scan3A_7, %dma_wait3A_21] : memref<32x64x8192xf32, #tpu.memory_space<hbm>> -> memref<1x1x8192xf32, #tpu.memory_space<hbm>>
        %dma_wait3A_23 = tpu.memref_squeeze %dma_wait3A_22 : memref<1x1x8192xf32, #tpu.memory_space<hbm>> -> memref<8192xf32, #tpu.memory_space<hbm>>
        tpu.wait_dma2 semaphore(%run_scoped3A : memref<!tpu.dma_semaphore, #tpu.memory_space<semaphore_mem>>) src(%arg6 : memref<8192xf32, #tpu.memory_space<vmem>>) dst(%dma_wait3A_23 : memref<8192xf32, #tpu.memory_space<hbm>>)
        tpu.yield
      }) : () -> ()
      %scan3A_11 = arith.constant 0 : i32
      scf.yield %scan3A_11 : i32
    }
    %scan3A_6 = arith.constant 64 : i32
    return
  }
}

</mosaic_0001>

<sc_bundles>
// kernel: kernel.12.cloned.1.call-start
scs
__scs_entry_jumppad:
0x0: {  	(pc) =	sbr.rel $0x88, $3  }
0x1: {  	(tag) =	ssettag $0x0;
	lr =	simm.s32 $0x1  }
0x2: {  	[smem:$0x3FA0] =	sst lr;
	_ =	strace $0xD0000000  }
0x3: {  	_ = 	snop  }
0x4: {  	_ = 	snop  }
0x5: {  	_ = 	snop  }
0x6: {  	_ = 	snop  }
0x7: {  	_ = 	snop  }
__scs_overlays_trampoline_lowered:
0x8: {  	[smem:$0x3FAF] =	sst s0  }
0x9: {  	[smem:$0x3FB0] =	sst s1  }
0xa: {  	[smem:$0x3FB1] =	sst s2  }
0xb: {  	[smem:$0x3FB2] =	sst s3  }
0xc: {  	[smem:$0x3FB3] =	sst s4  }
0xd: {  	[smem:$0x3FB4] =	sst s5  }
0xe: {  	[smem:$0x3FB5] =	sst s6  }
0xf: {  	[smem:$0x3FB6] =	sst s7  }
0x10: {  	[smem:$0x3FB7] =	sst s8  }
0x11: {  	[smem:$0x3FB8] =	sst s9;
	s0 =	simm.s32 @!p0 $0x0  }
0x12: {  	s1 =	sld [smem:$0x3F9E];
	s0 =	simm.s32 @p0 $0x1  }
0x13: {  	[smem:$0x3FB9] =	sst s0;
	s0 =	simm.s32 @!p1 $0x0  }
0x14: {  	s2 =	sld [smem:$0x3F9D];
	s0 =	simm.s32 @p1 $0x1  }
0x15: {  	[smem:$0x3FBA] =	sst s0;
	s0 =	simm.s32 @!p2 $0x0  }
0x16: {  	s3 =	sld [smem:$0x3FDB];
	s0 =	simm.s32 @p2 $0x1  }
0x17: {  	s4 =	simm.s32 $0x1BF5;
	[smem:$0x3FBC] =	sst s0  }
0x18: {  	s0 =	sld [smem:$0x3F9F];
	_ =	swait.ge [sflag:s4], $0x0  }
0x19: {  	s7 =	sld [smem:$0x3FA0]  }
0x1a: {  	s8 =	sadd.s32 $0xFFFFE003, lr  }
0x1b: {  	s9 =	sadd.s32 $0xFFFFFEF7, lr;
	s5 =	simm.s32 $0xFFFFFFFF;
	p2 =	slt.u32 s8, $0xFFFFF086  }
0x1c: {  	p1 =	slt.u32 s9, $0xF7A;
	s5 =	simm.s32 @!p2 $0x0  }
0x1d: {  	s5 =	simm.s32 @p1 $0x1;
	p0 =	seq.s32 s7, s2  }
0x1e: {  	s7 =	smul.u32 @!p0 $0xF7A, s2;
	p2 =	seq.s32 @!p0 s5, $0x0  }
0x1f: {  	s9 =	smul.u32 $0xF7A, s1;
	s8 =	simm.s32 @!p0 $0x1BF5;
	p2 =	por !p2, p0  }
0x20: {  	[sflag:s8] =	ssyncset.s32 @!p0 $0xFFFFF086;
	s6 =	sadd.s32 @!p0 s3, s7;
	s7 =	simm.s32 @!p0 $0x108  }
0x21: {  	s3 =	sadd.s32 s3, s9;
	s6 =	sadd.s32 @!p0 $0x88, s6;
	s7 =	simm.s32 @p2 $0x1082  }
0x22: {  	[simem:s7], [sflag:s8] =	dma.local @!p0 [hbm:s6], $0xF7A  }
0x23: {  	s9 =	sor.u32 $0xD0000000, s2;
	s6 =	simm.s32 $0x108;
	_ =	swait.ge @!p0 [sflag:s8], $0x0  }
0x24: {  	s3 =	sadd.s32 $0x88, s3;
	s6 =	simm.s32 @!p1 $0x1082;
	[sflag:s4] =	ssyncset.s32 $0xFFFFF086  }
0x25: {  	[simem:s6], [sflag:s4] =	dma.local [hbm:s3], $0xF7A  }
0x26: {  	[smem:$0x3FA0] =	sst s1;
	(tag) =	ssettag s2;
	_ =	strace s9  }
0x27: {  	s1 =	sld [smem:$0x3FB0]  }
0x28: {  	s2 =	sld [smem:$0x3FB1]  }
0x29: {  	s4 =	sld [smem:$0x3FB3]  }
0x2a: {  	p0 =	seq.s32 s5, $0x0;
	s5 =	sld [smem:$0x3FB4]  }
0x2b: {  	s6 =	sld [smem:$0x3FB5]  }
0x2c: {  	s7 =	sld [smem:$0x3FB6]  }
0x2d: {  	s3 =	simm.s32 $0x108;
	s8 =	sld [smem:$0x3FB7]  }
0x2e: {  	s3 =	simm.s32 @!p0 $0x1082;
	s9 =	sld [smem:$0x3FB8]  }
0x2f: {  	lr =	sadd.s32 s0, s3;
	s0 =	sld [smem:$0x3FAF]  }
0x30: {  	s3 =	sld [smem:$0x3FB2]  }
0x31: {  	[smem:$0x3FBB] =	sst s10  }
0x32: {  	s10 =	sld [smem:$0x3FB9];
	_ =	sdelay $0x3  }
0x33: {  	p0 =	seq.s32 s10, $0x1;
	s10 =	sld [smem:$0x3FBB];
	_ =	sdelay $0x3  }
0x34: {  	[smem:$0x3FBB] =	sst s10  }
0x35: {  	s10 =	sld [smem:$0x3FBA];
	_ =	sdelay $0x3  }
0x36: {  	p1 =	seq.s32 s10, $0x1;
	s10 =	sld [smem:$0x3FBB];
	_ =	sdelay $0x3  }
0x37: {  	[smem:$0x3FBB] =	sst s10  }
0x38: {  	s10 =	sld [smem:$0x3FBC]  }
0x39: {  	_ = 	snop;
	(pc) =	sbr.ind lr, $3  }
0x3a: {  	_ = 	snop  }
0x3b: {  	_ = 	snop  }
0x3c: {  	p2 =	seq.s32 s10, $0x1;
	s10 =	sld [smem:$0x3FBB]  }
0x3d: {  	_ =	shalt  }
0x3e: {  	_ =	shalt  }
0x3f: {  	_ =	shalt  }
0x40: {  	_ =	shalt  }
0x41: {  	_ =	shalt  }
0x42: {  	_ =	shalt  }
0x43: {  	_ =	shalt  }
0x44: {  	_ =	shalt  }
0x45: {  	_ =	shalt  }
0x46: {  	_ =	shalt  }
0x47: {  	_ =	shalt  }
0x48: {  	_ =	shalt  }
0x49: {  	_ =	shalt  }
0x4a: {  	_ =	shalt  }
0x4b: {  	_ =	shalt  }
0x4c: {  	_ =	shalt  }
0x4d: {  	_ =	shalt  }
0x4e: {  	_ =	shalt  }
0x4f: {  	_ =	shalt  }
0x50: {  	_ =	shalt  }
0x51: {  	_ =	shalt  }
0x52: {  	_ =	shalt  }
0x53: {  	_ =	shalt  }
0x54: {  	_ =	shalt  }
0x55: {  	_ =	shalt  }
0x56: {  	_ =	shalt  }
0x57: {  	_ =	shalt  }
0x58: {  	_ =	shalt  }
0x59: {  	_ =	shalt  }
0x5a: {  	_ =	shalt  }
0x5b: {  	_ =	shalt  }
0x5c: {  	_ =	shalt  }
0x5d: {  	_ =	shalt  }
0x5e: {  	_ =	shalt  }
0x5f: {  	_ =	shalt  }
0x60: {  	_ =	shalt  }
0x61: {  	_ =	shalt  }
0x62: {  	_ =	shalt  }
0x63: {  	_ =	shalt  }
0x64: {  	_ =	shalt  }
0x65: {  	_ =	shalt  }
0x66: {  	_ =	shalt  }
0x67: {  	_ =	shalt  }
0x68: {  	_ =	shalt  }
0x69: {  	_ =	shalt  }
0x6a: {  	_ =	shalt  }
0x6b: {  	_ =	shalt  }
0x6c: {  	_ =	shalt  }
0x6d: {  	_ =	shalt  }
0x6e: {  	_ =	shalt  }
0x6f: {  	_ =	shalt  }
0x70: {  	_ =	shalt  }
0x71: {  	_ =	shalt  }
0x72: {  	_ =	shalt  }
0x73: {  	_ =	shalt  }
0x74: {  	_ =	shalt  }
0x75: {  	_ =	shalt  }
0x76: {  	_ =	shalt  }
0x77: {  	_ =	shalt  }
0x78: {  	_ =	shalt  }
0x79: {  	_ =	shalt  }
0x7a: {  	_ =	shalt  }
0x7b: {  	_ =	shalt  }
0x7c: {  	_ =	shalt  }
0x7d: {  	_ =	shalt  }
0x7e: {  	_ =	shalt  }
0x7f: {  	_ =	shalt  }
0x80: {  	_ =	shalt  }
0x81: {  	_ =	shalt  }
0x82: {  	_ =	shalt  }
0x83: {  	_ =	shalt  }
0x84: {  	_ =	shalt  }
0x85: {  	_ =	shalt  }
0x86: {  	_ =	shalt  }
0x87: {  	_ =	shalt  }
.Lfunc_end0:
.L_simem_size_0:
called_computation.1_lowered:
.L_overlay_start_0:
0x88: {  	s2 =	sld [smem:$0x3FD9]  }
0x89: {  	s3 =	sld [smem:$0x3FFE];
	_ =	sdelay $0x1  }
0x8a: {  	s1 =	srdreg.scid  }
0x8b: {  	s0 =	sand.u32 $0x1, s1  }
0x8c: {  	s15 =	sshll.u32 s0, $0xA;
	s2 =	sadd.s32 s3, s2  }
0x8d: {  	s2 =	sadd.s32 s2, s15  }
0x8e: {  	[smem:$0x3FC7] =	sst s2  }
0x8f: {  	_ = 	snop  }
0x90: {  	s2 =	sld [smem:$0x3FD0];
	_ =	sdelay $0x2  }
0x91: {  	s16 =	simm.s32 $0xA;
	s4 =	simm.s32 $0x10  }
0x92: {  	[smem:s4], [sflag:s16] =	dma.local [hbm:s2], $0x1  }
0x93: {  	_ =	swait.eq [sflag:s16], $0x1  }
0x94: {  	[sflag:s16] =	ssyncset.done $0x0  }
0x95: {  	s17 =	sld [smem:$0x10];
	[sflag:s16] =	ssyncadd.s32 $0xFFFFFFFF  }
0x96: {  	s18 =	sld [smem:$0x11];
	(tm) =	ssettm $0x1  }
0x97: {  	s19 =	sld [smem:$0x3FFB];
	_ =	sdelay $0x3  }
0x98: {  	_ =	strace s19  }
0x99: {  	s4 =	sld [smem:$0x3FFC];
	_ =	sdelay $0x3  }
0x9a: {  	_ =	strace s4  }
0x9b: {  	s4 =	sld [smem:$0x3FFD];
	_ =	sdelay $0x3  }
0x9c: {  	_ =	strace s4  }
0x9d: {  	_ =	strace $0x8FFFFFFF  }
0x9e: {  	s20 =	sld [smem:$0x3FDB];
	_ =	sdelay $0x1  }
0x9f: {  	s5 =	simm.s32 $_scs_section_size  }
0xa0: {  	s6 =	simm.s32 $_size__tile_overlayer_lowered;
	s7 =	simm.s32 $_tile_overlayer_lowered  }
0xa1: {  	s23 =	simm.s32 $0x1BFF;
	s22 =	sshll.u32 s7, $0x1;
	s4 =	sadd.s32 s5, s20  }
0xa2: {  	s8 =	simm.s32 $0x0;
	s21 =	sshll.u32 s6, $0x1;
	s6 =	sadd.s32 s22, s4  }
0xa3: {  	[timem:s8], [sflag:s23] =	dma.local [hbm:s6], s21  }
0xa4: {  	_ =	swait.ge [sflag:s23], s21  }
0xa5: {  	s5 =	ssub.s32 $0x0, s21;
	[sflag:s23] =	ssyncset.done $0x0  }
0xa6: {  	[sflag:s23] =	ssyncadd.s32 s5;
	_ =	sdelay $0x1  }
0xa7: {  	s24 =	simm.s32 $0x1B8B  }
0xa8: {  	_ =	swait.ge [sflag:s24], $0x1  }
0xa9: {  	[sflag:s24] =	ssyncset.done $0x0  }
0xaa: {  	s25 =	simm.s32 $0x1B8E;
	[sflag:s24] =	ssyncadd.s32 $0xFFFFFFFF  }
0xab: {  	s26 =	simm.s32 $execute0_lowered;
	[smem:$0x3FD2] =	sst s25  }
0xac: {  	s5 =	sshll.u32 s26, $0x1;
	_ =	strace $0x80000049;
	[dreg:$0x1] =	wrdreg $0xFFFFFFFF  }
0xad: {  	s28 =	simm.s32 $_size_execute0_lowered;
	s4 =	sadd.s32 s4, s5;
	[dreg:$0x0] =	wrdreg $0x0  }
0xae: {  	s5 =	sshll.u32 s28, $0x1;
	[dreg:$0x2] =	wrdreg s4  }
0xaf: {  	[dreg:$0x3] =	wrdreg s5  }
0xb0: {  	[dreg:$0x4] =	wrdreg $0xC0  }
0xb1: {  	_ =	task [dreg:s8], $0x5FFFF  }
0xb2: {  	[dreg:$0x1] =	wrdreg $0xFFFFFFFF  }
0xb3: {  	[dreg:$0x0] =	wrdreg $0x60  }
0xb4: {  	[dreg:$0x2] =	wrdreg s18  }
0xb5: {  	[dreg:$0x3] =	wrdreg s17  }
0xb6: {  	[dreg:$0x4] =	wrdreg $0x9  }
0xb7: {  	_ =	task.clear_ibuf [dreg:s8], $0x5FFFF;
	_ =	strace $0x90000049  }
0xb8: {  	s29 =	simm.s32 $0x9;
	_ =	strace $0x8000004B  }
0xb9: {  	_ =	swait.ge [sflag:s29], $0x1  }
0xba: {  	[sflag:s29] =	ssyncadd.s32 $0xFFFFFFFF  }
0xbb: {  	_ =	strace $0x9000004B  }
0xbc: {  	_ =	sfence  }
0xbd: {  	s30 =	sld [smem:$0x0];
	_ =	sdelay $0x2  }
0xbe: {  	s31 =	sshll.u32 s1, $0xD;
	s1 =	sshrl.u32 s1, $0x2  }
0xbf: {  	s3 =	sand.u32 $0x4000, s31;
	s1 =	sadd.s32 s1, s30  }
0xc0: {  	s0 =	sor.u32 s3, s0;
	s1 =	sshll.u32 s1, $0x11  }
0xc1: {  	s0 =	sor.u32 s1, s0  }
0xc2: {  	s0 =	sadd.s32 $0x8F2B, s0  }
0xc3: {  	[sflag:s0] =	ssyncadd.remote.s32 $0x1  }
0xc4: {  	_ =	sfence.sel $0xFFFF  }
0xc5: {  	[dreg:$0x0] =	wrdreg $0xFFFFFFFF;
	(pc) =	sbr.abs _section_cstart, $3  }
0xc6: {  	[dreg:$0x1] =	wrdreg $0xFFFFFFFF  }
0xc7: {  	_ =	task.clear_ibuf [dreg:s8], $0x2FFFF;
	_ =	strace $0x9FFFFFFF  }
0xc8: {  	(tm) =	ssettm $0x7FFFFFFF  }
0xc9: {  	_ =	shalt  }
tec
execute0_lowered:
.L_overlay_start_1:
0x0: {  	(tag) =	ssettag $0x1  }
0x1: {  	s0 =	srdreg.scid  }
0x2: {  	s4 =	sand.u32 $0x1, s0;
	s0 =	stileid.u32  }
0x3: {  	s5 =	sshll.u32 s0, $0x1;
	s6 =	ssub.s32 $0x0, s4  }
0x4: {  	p0 =	sne.s32 s5, s6  }
.Ltmp0:
0x5: {  	_ = 	snop;
	(pc) =	sbr.rel @p0 .LBB2_5-.Ltmp0, $4  }
0x6: {  	_ = 	snop  }
0x7: {  	s2 =	rddreg [dreg:$0x0]  }
0x8: {  	s3 =	rddreg [dreg:$0x1]  }
0x9: {  	s1 =	rddreg [dreg:$0x2];
	_ =	strace $0x8000004A  }
0xa: {  	s4 =	ssub.s32 $0x2, s4;
	v0 =	vlaneseq.u32  }
0xb: {  	s5 =	sshrl.u32 s4, $0x1;
	v0 =	vmul.u32 $0x800, v0  }
0xc: {  	s6 =	simm.s32 $0x1;
	s4 =	ssub.s32 s4, s5  }
0xd: {  	s7 =	simm.s32 $0x0;
	s5 =	simm.s32 $0x0;
	s4 =	smax.u32 s4, $0x1;
	v1 =	vor.u32 $0x8000, v0  }
.LBB2_2:
0xe: {  	v3 =	vor.u32 s5, v0  }
0xf: {  	[tilespmem:s5], [sflag:$0x1] =	stream.linear.gather [hbm4b:s2+s5], $0x10000, $0x38;
	v2 =	vor.u32 s5, v1;
	[tilespmem:$0x10000] =	vst v63  }
0x10: {  	_ =	swait.ge [sflag:s6], $0x10000  }
0x11: {  	[sflag:s6] =	ssyncset.done $0x0  }
0x12: {  	[sflag:s6] =	ssyncadd.s32 $0xFFFF0000  }
0x13: {  	v4 =	vld.idx.msk [tilespmem:v3+s5+$0x0], $0xffff  }
0x14: {  	v5 =	vld.idx.msk [tilespmem:v2+s5+$0x0], $0xffff;
	_ =	sdelay $0x3  }
0x15: {  	(xrf0) =	vadd.scan.msk.s32 $0xffff, v4  }
0x16: {  	(xrf0) =	vadd.scan.msk.s32 $0xffff, v5;
	_ =	sdelay $0x4  }
0x17: {  	v6, _, _ =	vpop (xrf0)  }
0x18: {  	(v2sf) =	vpush v6, $0xF;
	v7, _, _ =	vpop (xrf0)  }
0x19: {  	(v2sf) =	vpush v7, $0xF;
	_ =	sdelay $0xa  }
0x1a: {  	v4 =	vsub.s32 s5, v4  }
0x1b: {  	s9 =	simm.s32 $0x1;
	v4 =	vadd.s32 v6, v4  }
0x1c: {  	[tilespmem:v3+s5+$0x0] =	vst.idx.msk $0xffff, v4;
	v3 =	vor.u32 s9, v0  }
0x1d: {  	s8 =	spop (v2sf)  }
0x1e: {  	v5 =	vsub.s32 v7, v5;
	s8 =	sadd.s32 $0x0, s8;
	s10 =	spop (v2sf)  }
0x1f: {  	v4 =	vor.u32 s9, v1;
	s9 =	simm.s32 $0x2;
	v5 =	vadd.s32 s8, v5;
	s8 =	sadd.s32 s10, s8  }
.LBB2_3:
0x20: {  	p0 =	sne.s32 s9, $0x7FF;
	[tilespmem:v2+s5+$0x0] =	vst.idx.msk $0xffff, v5;
	v2 =	vmov v4;
	s10 =	smov.u32 s9;
	s9 =	sadd.s32 $0x1, s9  }
0x21: {  	v5 =	vld.idx.msk [tilespmem:v3+s5+$0x0], $0xffff  }
0x22: {  	v4 =	vld.idx.msk [tilespmem:v4+s5+$0x0], $0xffff;
	_ =	sdelay $0x4  }
0x23: {  	(xrf0) =	vadd.scan.msk.s32 $0xffff, v5  }
0x24: {  	(xrf0) =	vadd.scan.msk.s32 $0xffff, v4;
	_ =	sdelay $0x4  }
0x25: {  	v5 =	vsub.s32 s8, v5;
	v6, _, _ =	vpop (xrf0)  }
0x26: {  	v5 =	vadd.s32 v6, v5;
	(v2sf) =	vpush v6, $0xF;
	v6, _, _ =	vpop (xrf0)  }
0x27: {  	v7 =	vsub.s32 v6, v4;
	[tilespmem:v3+s5+$0x0] =	vst.idx.msk $0xffff, v5;
	(v2sf) =	vpush v6, $0xF;
	_ =	sdelay $0xb  }
.Ltmp1:
0x28: {  	(pc) =	sbr.rel @p0 .LBB2_3-.Ltmp1, $4  }
0x29: {  	v3 =	vor.u32 s10, v0  }
0x2a: {  	v4 =	vor.u32 s10, v1;
	s10 =	spop (v2sf)  }
0x2b: {  	s8 =	sadd.s32 s8, s10;
	s10 =	spop (v2sf)  }
0x2c: {  	v5 =	vadd.s32 s8, v7;
	s8 =	sadd.s32 s10, s8  }
0x2d: {  	_ =	sdelay $0x3  }
0x2e: {  	[tilespmem:v2+s5+$0x0] =	vst.idx.msk $0xffff, v5  }
0x2f: {  	v2 =	vld.idx.msk [tilespmem:v3+s5+$0x0], $0xffff;
	_ =	sdelay $0x2  }
0x30: {  	v5 =	vld.idx.msk [tilespmem:v4+s5+$0x0], $0xffff;
	_ =	sdelay $0x1  }
0x31: {  	(xrf0) =	vadd.scan.msk.s32 $0xffff, v2;
	_ =	sdelay $0x2  }
0x32: {  	(xrf0) =	vadd.scan.msk.s32 $0xffff, v5;
	_ =	sdelay $0x2  }
0x33: {  	v6, _, _ =	vpop (xrf0)  }
0x34: {  	(v2sf) =	vpush v6, $0xF;
	_ =	sdelay $0x1  }
0x35: {  	v7, _, _ =	vpop (xrf0)  }
0x36: {  	(v2sf) =	vpush v7, $0xF;
	_ =	sdelay $0xb  }
0x37: {  	v2 =	vsub.s32 s8, v2;
	s9 =	spop (v2sf)  }
0x38: {  	s7 =	sadd.s32 $0x1, s7;
	v2 =	vadd.s32 v6, v2;
	v5 =	vsub.s32 v7, v5;
	s30 =	sadd.s32 s8, s9  }
0x39: {  	p0 =	sne.s32 s7, s4;
	[tilespmem:v3+s5+$0x0] =	vst.idx.msk $0xffff, v2;
	v2 =	vadd.s32 s30, v5  }
.Ltmp2:
0x3a: {  	s31 =	spop (v2sf);
	[tilespmem:v4+s5+$0x0] =	vst.idx.msk $0xffff, v2;
	(pc) =	sbr.rel @p0 .LBB2_2-.Ltmp2, $4  }
0x3b: {  	[hbm4b:s3+s5] =	stream.linear.scatter [tilespmem:s5], [sflag:$0x1], $0x10000, $0x38;
	[tilespmem:$0x10000] =	vst v63  }
0x3c: {  	_ =	swait.ge [sflag:s6], $0x10000  }
0x3d: {  	[sflag:s6] =	ssyncset.done $0x0  }
0x3e: {  	[sflag:s6] =	ssyncadd.s32 $0xFFFF0000  }
.LBB2_5:
0x3f: {  	_ =	sfence.sel $0x180000  }
0x40: {  	[bflag:$0x0] =	sbarrier.arrive $0xFFFF  }
0x41: {  	p0 =	sne.s32 s0, $0x0;
	_ =	strace $0x9000004A  }
0x42: {  	s0 =	sadd.s32 @!p0 $0x100000, s1;
	[bflag:$0x2] =	sbarrier.arrive $0xFFFF  }
0x43: {  	[sflag:s0] =	ssyncadd.tile.s32 @!p0 $0x1;
	_ =	shalt  }
.Lfunc_end2:
_tile_overlayer_lowered:
.L_overlay_start_2:
0x44: {  	(tag) =	ssettag $0x2  }
0x45: {  	s0 =	rddreg [dreg:$0x0];
	s2 =	stileid.u32  }
0x46: {  	s1 =	rddreg [dreg:$0x1];
	p0 =	sne.s32 s2, $0x0  }
0x47: {  	s3 =	rddreg [dreg:$0x2];
	[bflag:$0x3] =	sbarrier.arrive $0xFFFF;
	s2 =	simm.s32 @!p0 $0x1C01  }
0x48: {  	[timem:s3], [sflag:s2] =	dma.local @!p0 [hbm:s0], s1  }
0x49: {  	s0 =	simm.s32 @!p0 $0x1  }
0x4a: {  	_ =	swait.ge @!p0 [sflag:s0], s1  }
0x4b: {  	s1 =	ssub.s32 @!p0 $0x0, s1;
	[sflag:s0] =	ssyncset.done @!p0 $0x0  }
0x4c: {  	[sflag:s0] =	ssyncadd.s32 @!p0 s1  }
0x4d: {  	[bflag:$0x3] =	sbarrier.arrive $0xFFFF  }
0x4e: {  	_ =	shalt  }

// kernel: kernel.15.cloned.1.call-start
scs
__scs_entry_jumppad:
0x0: {  	(pc) =	sbr.rel $0x88, $3  }
0x1: {  	(tag) =	ssettag $0x0;
	lr =	simm.s32 $0x1  }
0x2: {  	[smem:$0x3FA0] =	sst lr;
	_ =	strace $0xD0000000  }
0x3: {  	_ = 	snop  }
0x4: {  	_ = 	snop  }
0x5: {  	_ = 	snop  }
0x6: {  	_ = 	snop  }
0x7: {  	_ = 	snop  }
__scs_overlays_trampoline_lowered:
0x8: {  	[smem:$0x3FAF] =	sst s0  }
0x9: {  	[smem:$0x3FB0] =	sst s1  }
0xa: {  	[smem:$0x3FB1] =	sst s2  }
0xb: {  	[smem:$0x3FB2] =	sst s3  }
0xc: {  	[smem:$0x3FB3] =	sst s4  }
0xd: {  	[smem:$0x3FB4] =	sst s5  }
0xe: {  	[smem:$0x3FB5] =	sst s6  }
0xf: {  	[smem:$0x3FB6] =	sst s7  }
0x10: {  	[smem:$0x3FB7] =	sst s8  }
0x11: {  	[smem:$0x3FB8] =	sst s9;
	s0 =	simm.s32 @!p0 $0x0  }
0x12: {  	s1 =	sld [smem:$0x3F9E];
	s0 =	simm.s32 @p0 $0x1  }
0x13: {  	[smem:$0x3FB9] =	sst s0;
	s0 =	simm.s32 @!p1 $0x0  }
0x14: {  	s2 =	sld [smem:$0x3F9D];
	s0 =	simm.s32 @p1 $0x1  }
0x15: {  	[smem:$0x3FBA] =	sst s0;
	s0 =	simm.s32 @!p2 $0x0  }
0x16: {  	s3 =	sld [smem:$0x3FDB];
	s0 =	simm.s32 @p2 $0x1  }
0x17: {  	s4 =	simm.s32 $0x1BF5;
	[smem:$0x3FBC] =	sst s0  }
0x18: {  	s0 =	sld [smem:$0x3F9F];
	_ =	swait.ge [sflag:s4], $0x0  }
0x19: {  	s7 =	sld [smem:$0x3FA0]  }
0x1a: {  	s8 =	sadd.s32 $0xFFFFE003, lr  }
0x1b: {  	s9 =	sadd.s32 $0xFFFFFEF7, lr;
	s5 =	simm.s32 $0xFFFFFFFF;
	p2 =	slt.u32 s8, $0xFFFFF086  }
0x1c: {  	p1 =	slt.u32 s9, $0xF7A;
	s5 =	simm.s32 @!p2 $0x0  }
0x1d: {  	s5 =	simm.s32 @p1 $0x1;
	p0 =	seq.s32 s7, s2  }
0x1e: {  	s7 =	smul.u32 @!p0 $0xF7A, s2;
	p2 =	seq.s32 @!p0 s5, $0x0  }
0x1f: {  	s9 =	smul.u32 $0xF7A, s1;
	s8 =	simm.s32 @!p0 $0x1BF5;
	p2 =	por !p2, p0  }
0x20: {  	[sflag:s8] =	ssyncset.s32 @!p0 $0xFFFFF086;
	s6 =	sadd.s32 @!p0 s3, s7;
	s7 =	simm.s32 @!p0 $0x108  }
0x21: {  	s3 =	sadd.s32 s3, s9;
	s6 =	sadd.s32 @!p0 $0x88, s6;
	s7 =	simm.s32 @p2 $0x1082  }
0x22: {  	[simem:s7], [sflag:s8] =	dma.local @!p0 [hbm:s6], $0xF7A  }
0x23: {  	s9 =	sor.u32 $0xD0000000, s2;
	s6 =	simm.s32 $0x108;
	_ =	swait.ge @!p0 [sflag:s8], $0x0  }
0x24: {  	s3 =	sadd.s32 $0x88, s3;
	s6 =	simm.s32 @!p1 $0x1082;
	[sflag:s4] =	ssyncset.s32 $0xFFFFF086  }
0x25: {  	[simem:s6], [sflag:s4] =	dma.local [hbm:s3], $0xF7A  }
0x26: {  	[smem:$0x3FA0] =	sst s1;
	(tag) =	ssettag s2;
	_ =	strace s9  }
0x27: {  	s1 =	sld [smem:$0x3FB0]  }
0x28: {  	s2 =	sld [smem:$0x3FB1]  }
0x29: {  	s4 =	sld [smem:$0x3FB3]  }
0x2a: {  	p0 =	seq.s32 s5, $0x0;
	s5 =	sld [smem:$0x3FB4]  }
0x2b: {  	s6 =	sld [smem:$0x3FB5]  }
0x2c: {  	s7 =	sld [smem:$0x3FB6]  }
0x2d: {  	s3 =	simm.s32 $0x108;
	s8 =	sld [smem:$0x3FB7]  }
0x2e: {  	s3 =	simm.s32 @!p0 $0x1082;
	s9 =	sld [smem:$0x3FB8]  }
0x2f: {  	lr =	sadd.s32 s0, s3;
	s0 =	sld [smem:$0x3FAF]  }
0x30: {  	s3 =	sld [smem:$0x3FB2]  }
0x31: {  	[smem:$0x3FBB] =	sst s10  }
0x32: {  	s10 =	sld [smem:$0x3FB9];
	_ =	sdelay $0x3  }
0x33: {  	p0 =	seq.s32 s10, $0x1;
	s10 =	sld [smem:$0x3FBB];
	_ =	sdelay $0x3  }
0x34: {  	[smem:$0x3FBB] =	sst s10  }
0x35: {  	s10 =	sld [smem:$0x3FBA];
	_ =	sdelay $0x3  }
0x36: {  	p1 =	seq.s32 s10, $0x1;
	s10 =	sld [smem:$0x3FBB];
	_ =	sdelay $0x3  }
0x37: {  	[smem:$0x3FBB] =	sst s10  }
0x38: {  	s10 =	sld [smem:$0x3FBC]  }
0x39: {  	_ = 	snop;
	(pc) =	sbr.ind lr, $3  }
0x3a: {  	_ = 	snop  }
0x3b: {  	_ = 	snop  }
0x3c: {  	p2 =	seq.s32 s10, $0x1;
	s10 =	sld [smem:$0x3FBB]  }
0x3d: {  	_ =	shalt  }
0x3e: {  	_ =	shalt  }
0x3f: {  	_ =	shalt  }
0x40: {  	_ =	shalt  }
0x41: {  	_ =	shalt  }
0x42: {  	_ =	shalt  }
0x43: {  	_ =	shalt  }
0x44: {  	_ =	shalt  }
0x45: {  	_ =	shalt  }
0x46: {  	_ =	shalt  }
0x47: {  	_ =	shalt  }
0x48: {  	_ =	shalt  }
0x49: {  	_ =	shalt  }
0x4a: {  	_ =	shalt  }
0x4b: {  	_ =	shalt  }
0x4c: {  	_ =	shalt  }
0x4d: {  	_ =	shalt  }
0x4e: {  	_ =	shalt  }
0x4f: {  	_ =	shalt  }
0x50: {  	_ =	shalt  }
0x51: {  	_ =	shalt  }
0x52: {  	_ =	shalt  }
0x53: {  	_ =	shalt  }
0x54: {  	_ =	shalt  }
0x55: {  	_ =	shalt  }
0x56: {  	_ =	shalt  }
0x57: {  	_ =	shalt  }
0x58: {  	_ =	shalt  }
0x59: {  	_ =	shalt  }
0x5a: {  	_ =	shalt  }
0x5b: {  	_ =	shalt  }
0x5c: {  	_ =	shalt  }
0x5d: {  	_ =	shalt  }
0x5e: {  	_ =	shalt  }
0x5f: {  	_ =	shalt  }
0x60: {  	_ =	shalt  }
0x61: {  	_ =	shalt  }
0x62: {  	_ =	shalt  }
0x63: {  	_ =	shalt  }
0x64: {  	_ =	shalt  }
0x65: {  	_ =	shalt  }
0x66: {  	_ =	shalt  }
0x67: {  	_ =	shalt  }
0x68: {  	_ =	shalt  }
0x69: {  	_ =	shalt  }
0x6a: {  	_ =	shalt  }
0x6b: {  	_ =	shalt  }
0x6c: {  	_ =	shalt  }
0x6d: {  	_ =	shalt  }
0x6e: {  	_ =	shalt  }
0x6f: {  	_ =	shalt  }
0x70: {  	_ =	shalt  }
0x71: {  	_ =	shalt  }
0x72: {  	_ =	shalt  }
0x73: {  	_ =	shalt  }
0x74: {  	_ =	shalt  }
0x75: {  	_ =	shalt  }
0x76: {  	_ =	shalt  }
0x77: {  	_ =	shalt  }
0x78: {  	_ =	shalt  }
0x79: {  	_ =	shalt  }
0x7a: {  	_ =	shalt  }
0x7b: {  	_ =	shalt  }
0x7c: {  	_ =	shalt  }
0x7d: {  	_ =	shalt  }
0x7e: {  	_ =	shalt  }
0x7f: {  	_ =	shalt  }
0x80: {  	_ =	shalt  }
0x81: {  	_ =	shalt  }
0x82: {  	_ =	shalt  }
0x83: {  	_ =	shalt  }
0x84: {  	_ =	shalt  }
0x85: {  	_ =	shalt  }
0x86: {  	_ =	shalt  }
0x87: {  	_ =	shalt  }
.Lfunc_end0:
.L_simem_size_0:
called_computation.2_lowered:
.L_overlay_start_0:
0x88: {  	s2 =	sld [smem:$0x3FD9]  }
0x89: {  	s3 =	sld [smem:$0x3FFE];
	_ =	sdelay $0x1  }
0x8a: {  	s1 =	srdreg.scid  }
0x8b: {  	s0 =	sand.u32 $0x1, s1  }
0x8c: {  	s14 =	sshll.u32 s0, $0xA;
	s2 =	sadd.s32 s3, s2  }
0x8d: {  	s2 =	sadd.s32 s2, s14  }
0x8e: {  	[smem:$0x3FC7] =	sst s2  }
0x8f: {  	_ = 	snop  }
0x90: {  	s2 =	sld [smem:$0x3FD0];
	_ =	sdelay $0x2  }
0x91: {  	s15 =	simm.s32 $0xA;
	s4 =	simm.s32 $0x10  }
0x92: {  	[smem:s4], [sflag:s15] =	dma.local [hbm:s2], $0x1  }
0x93: {  	_ =	swait.eq [sflag:s15], $0x1  }
0x94: {  	[sflag:s15] =	ssyncset.done $0x0  }
0x95: {  	[sflag:s15] =	ssyncadd.s32 $0xFFFFFFFF  }
0x96: {  	s16 =	sld [smem:$0x11];
	(tm) =	ssettm $0x1  }
0x97: {  	s17 =	sld [smem:$0x3FFB];
	_ =	sdelay $0x3  }
0x98: {  	_ =	strace s17  }
0x99: {  	s3 =	sld [smem:$0x3FFC];
	_ =	sdelay $0x3  }
0x9a: {  	_ =	strace s3  }
0x9b: {  	s3 =	sld [smem:$0x3FFD];
	_ =	sdelay $0x3  }
0x9c: {  	_ =	strace s3  }
0x9d: {  	_ =	strace $0x8FFFFFFF  }
0x9e: {  	s18 =	sld [smem:$0x3FDB];
	_ =	sdelay $0x1  }
0x9f: {  	s19 =	simm.s32 $_scs_section_size  }
0xa0: {  	s5 =	simm.s32 $_size__tile_overlayer_lowered;
	s6 =	simm.s32 $_tile_overlayer_lowered  }
0xa1: {  	s22 =	simm.s32 $0x1BFF;
	s21 =	sshll.u32 s6, $0x1;
	s3 =	sadd.s32 s19, s18  }
0xa2: {  	s7 =	simm.s32 $0x0;
	s20 =	sshll.u32 s5, $0x1;
	s5 =	sadd.s32 s21, s3  }
0xa3: {  	[timem:s7], [sflag:s22] =	dma.local [hbm:s5], s20  }
0xa4: {  	_ =	swait.ge [sflag:s22], s20  }
0xa5: {  	s4 =	ssub.s32 $0x0, s20;
	[sflag:s22] =	ssyncset.done $0x0  }
0xa6: {  	[sflag:s22] =	ssyncadd.s32 s4;
	_ =	sdelay $0x1  }
0xa7: {  	s23 =	simm.s32 $0x1B8B  }
0xa8: {  	_ =	swait.ge [sflag:s23], $0x1  }
0xa9: {  	[sflag:s23] =	ssyncset.done $0x0  }
0xaa: {  	s25 =	simm.s32 $0x1B8E;
	s24 =	sld [smem:$0x3FFE];
	[sflag:s23] =	ssyncadd.s32 $0xFFFFFFFF  }
0xab: {  	s26 =	simm.s32 $execute0_lowered;
	[smem:$0x3FD2] =	sst s25  }
0xac: {  	s5 =	sshll.u32 s26, $0x1;
	_ =	strace $0x8000004C;
	[dreg:$0x1] =	wrdreg $0xFFFFFFFF  }
0xad: {  	s28 =	simm.s32 $_size_execute0_lowered;
	s3 =	sadd.s32 s3, s5;
	[dreg:$0x0] =	wrdreg $0x0  }
0xae: {  	s5 =	sshll.u32 s28, $0x1;
	[dreg:$0x2] =	wrdreg s3  }
0xaf: {  	[dreg:$0x3] =	wrdreg s5  }
0xb0: {  	[dreg:$0x4] =	wrdreg $0xC0  }
0xb1: {  	_ =	task [dreg:s7], $0x5FFFF  }
0xb2: {  	[dreg:$0x1] =	wrdreg $0xFFFFFFFF  }
0xb3: {  	[dreg:$0x0] =	wrdreg $0x60  }
0xb4: {  	[dreg:$0x2] =	wrdreg s24  }
0xb5: {  	[dreg:$0x3] =	wrdreg s16  }
0xb6: {  	[dreg:$0x4] =	wrdreg $0x9  }
0xb7: {  	_ =	task.clear_ibuf [dreg:s7], $0x5FFFF;
	_ =	strace $0x9000004C  }
0xb8: {  	s29 =	simm.s32 $0x9;
	_ =	strace $0x8000004E  }
0xb9: {  	_ =	swait.ge [sflag:s29], $0x1  }
0xba: {  	[sflag:s29] =	ssyncadd.s32 $0xFFFFFFFF  }
0xbb: {  	_ =	strace $0x9000004E  }
0xbc: {  	_ =	sfence  }
0xbd: {  	s30 =	sld [smem:$0x0];
	_ =	sdelay $0x2  }
0xbe: {  	s31 =	sshll.u32 s1, $0xD;
	s1 =	sshrl.u32 s1, $0x2  }
0xbf: {  	s3 =	sand.u32 $0x4000, s31;
	s1 =	sadd.s32 s1, s30  }
0xc0: {  	s0 =	sor.u32 s3, s0;
	s1 =	sshll.u32 s1, $0x11  }
0xc1: {  	s0 =	sor.u32 s1, s0  }
0xc2: {  	s0 =	sadd.s32 $0x8F2B, s0  }
0xc3: {  	[sflag:s0] =	ssyncadd.remote.s32 $0x1  }
0xc4: {  	_ =	sfence.sel $0xFFFF  }
0xc5: {  	[dreg:$0x0] =	wrdreg $0xFFFFFFFF;
	(pc) =	sbr.abs _section_cstart, $3  }
0xc6: {  	[dreg:$0x1] =	wrdreg $0xFFFFFFFF  }
0xc7: {  	_ =	task.clear_ibuf [dreg:s7], $0x2FFFF;
	_ =	strace $0x9FFFFFFF  }
0xc8: {  	(tm) =	ssettm $0x7FFFFFFF  }
0xc9: {  	_ =	shalt  }
tec
execute0_lowered:
.L_overlay_start_1:
0x0: {  	(tag) =	ssettag $0x1  }
0x1: {  	s0 =	rddreg [dreg:$0x0]  }
0x2: {  	s2 =	rddreg [dreg:$0x1]  }
0x3: {  	s1 =	simm.s32 $0x0;
	s4 =	srdreg.scid;
	s8 =	stileid.u32  }
0x4: {  	s12 =	simm.s32 $0x80;
	s13 =	simm.s32 $0x400;
	s14 =	simm.s32 $0x2000  }
0x5: {  	s15 =	simm.s32 $0x5;
	s16 =	simm.s32 $0xA800;
	s17 =	simm.s32 $0x2800  }
0x6: {  	s18 =	simm.s32 $0xC800;
	s19 =	simm.s32 $0x4800;
	s20 =	simm.s32 $0xE800  }
0x7: {  	s21 =	simm.s32 $0x6800;
	[smem:$0x7FF] =	sst s1;
	s3 =	sadd.s32 $0x801C00, s0  }
0x8: {  	s5 =	sand.u32 $0x1, s4;
	s4 =	sadd.s32 $0xB01C00, s0;
	s6 =	sshll.u32 s8, $0x1  }
0x9: {  	s7 =	sshll.u32 s8, $0x9;
	s8 =	smul.u32 $0x180000, s8;
	_ =	strace $0x8000004D  }
0xa: {  	s25 =	ssub.s32 $0x2, s5;
	s6 =	sor.u32 s5, s6;
	s5 =	smul.u32 $0xC0000, s5  }
0xb: {  	s7 =	sand.u32 $0x1800, s7;
	s9 =	sshll.u32 s6, $0x4;
	s10 =	sshrl.u32 s25, $0x1  }
0xc: {  	s2 =	sadd.s32 s2, s7;
	s9 =	sand.u32 $0x70, s9;
	s26 =	sadd.s32 s5, s8  }
0xd: {  	s0 =	ssub.s32 s25, s10;
	s2 =	sadd.s32 s9, s2;
	[dreg:$0x4] =	wrdreg s26  }
0xe: {  	s22 =	simm.s32 $0x10800;
	s0 =	smax.u32 s0, $0x1;
	[dreg:$0x3] =	wrdreg s2  }
0xf: {  	s23 =	simm.s32 $0x8800;
	s29 =	sor.u32 $0x2000, s26;
	[dreg:$0x5] =	wrdreg s0  }
0x10: {  	s28 =	simm.s32 $0x4;
	s30 =	sor.u32 $0x4000, s26;
	[dreg:$0x6] =	wrdreg s29  }
0x11: {  	s7 =	smul.u32 $0xC0000, s6;
	s31 =	sor.u32 $0x6000, s26;
	[dreg:$0x7] =	wrdreg s30  }
0x12: {  	v0 =	vlaneseq.u32;
	s25 =	simm.s32 $0x2;
	s26 =	simm.s32 $0x3;
	[dreg:$0x8] =	wrdreg s31  }
.LBB2_1:
0x13: {  	s0 =	rddreg [dreg:$0x3]  }
0x14: {  	[tilespmem:s14], [sflag:$0x5] =	stream.strided.gather [hbm4b:s0+s12], $0x800, s13, s12, $0x38;
	[tilespmem:$0x12800] =	vst v63  }
0x15: {  	_ =	swait.ge [sflag:s15], $0x800  }
0x16: {  	s29 =	rddreg [dreg:$0x8]  }
0x17: {  	s30 =	rddreg [dreg:$0x7]  }
0x18: {  	[sflag:s15] =	ssyncset.done $0x0;
	s31 =	rddreg [dreg:$0x6]  }
0x19: {  	s2 =	simm.s32 $0x0;
	s0 =	rddreg [dreg:$0x4];
	[sflag:s15] =	ssyncadd.s32 $0xFFFFF800  }
.LBB2_2:
0x1a: {  	s5 =	sshll.u32 s2, $0xF  }
0x1b: {  	p0 =	seq.s32 s2, $0x0;
	s6 =	sshll.u32 s2, $0x9;
	s5 =	sand.u32 $0xF0000, s5  }
0x1c: {  	s8 =	simm.s32 @!p0 $0x1;
	s6 =	sand.u32 $0x200, s6;
	s5 =	sadd.s32 s7, s5  }
0x1d: {  	_ =	swait.ge @!p0 [sflag:s8], $0x2000;
	s6 =	sor.u32 s6, s5  }
0x1e: {  	[sflag:s8] =	ssyncset.done @!p0 $0x0;
	s6 =	sshrl.u32 s6, $0x3  }
0x1f: {  	s24 =	simm.s32 $0x0;
	[sflag:s8] =	ssyncadd.s32 @!p0 $0xFFFFE000;
	s6 =	sadd.s32 s3, s6  }
0x20: {  	[tilespmem:s24], [sflag:$0x5] =	stream.strided.gather [hbm4b:s6+s12], $0x2000, s13, s12, $0x38;
	[tilespmem:$0x12800] =	vst v63  }
0x21: {  	_ =	swait.ge [sflag:s15], $0x2000  }
0x22: {  	[sflag:s15] =	ssyncset.done $0x0  }
0x23: {  	s9 =	simm.s32 $0x0;
	[sflag:s15] =	ssyncadd.s32 $0xFFFFE000  }
0x24: {  	v1 =	vld [tilespmem:s9+$0x0];
	_ =	sdelay $0x4  }
0x25: {  	v1 =	vadd.f32 $-5.000000000e-01, v1;
	_ =	sdelay $0x1  }
0x26: {  	v1 =	vand.u32 $0x7FFFFFFF, v1  }
0x27: {  	v1 =	vmul.f32 $8.388608000e+06, v1;
	_ =	sdelay $0x1  }
0x28: {  	v1 =	vtrunc.f32 v1  }
0x29: {  	v1 =	vcvt.f32.s32 v1;
	_ =	sdelay $0x1  }
0x2a: {  	v1 =	vsub.s32 $0x0, v1  }
0x2b: {  	v2 =	vand.u32 $0x7FF, v1  }
0x2c: {  	(xrf1) =	vunique.msk.u32 $0xffff, v2;
	_ =	sdelay $0xd  }
0x2d: {  	v1 =	vld.idx.msk [tilespmem:v2+s14+$0x0], $0xffff;
	_, v3, vm0 =	vpop (xrf1);
	_ =	sdelay $0x4  }
0x2e: {  	s11 =	simm.s32 $0x80;
	v3 =	vadd.s32 v1, v3  }
0x2f: {  	s10 =	simm.s32 $0x10;
	s8 =	sshll.u32 s2, $0x2;
	s6 =	smov.u32 s0;
	v1 =	vadd.s32 $0xFFFFFFFF, v3;
	[tilespmem:v2+s14+$0x0] =	vst.idx.msk vm0, v3;
	v2 =	vor.u32 s0, v0  }
.LBB2_3:
0x30: {  	p1 =	sne.s32 s11, $0x7FC0  }
0x31: {  	v3 =	vld [tilespmem:s10+$0x0];
	[tilespmem:s9+$0x2800] =	vst v2;
	s6 =	sadd.s32 $0x10, s6;
	s24 =	smov.u32 s11;
	s11 =	sadd.s32 $0x40, s11  }
0x32: {  	[tilespmem:s9+$0xA800] =	vst v1;
	s9 =	smov.u32 s10;
	_ =	sdelay $0x3  }
0x33: {  	v1 =	vadd.f32 $-5.000000000e-01, v3;
	_ =	sdelay $0x1  }
0x34: {  	v1 =	vand.u32 $0x7FFFFFFF, v1  }
0x35: {  	v1 =	vmul.f32 $8.388608000e+06, v1;
	_ =	sdelay $0x1  }
0x36: {  	v1 =	vtrunc.f32 v1  }
0x37: {  	v1 =	vcvt.f32.s32 v1;
	_ =	sdelay $0x1  }
0x38: {  	v1 =	vsub.s32 $0x0, v1  }
0x39: {  	v2 =	vand.u32 $0x7FF, v1  }
0x3a: {  	(xrf1) =	vunique.msk.u32 $0xffff, v2;
	_ =	sdelay $0xc  }
0x3b: {  	v1 =	vld.idx.msk [tilespmem:v2+s14+$0x0], $0xffff  }
0x3c: {  	_, v3, vm0 =	vpop (xrf1);
	_ =	sdelay $0x1  }
.Ltmp0:
0x3d: {  	(pc) =	sbr.rel @p1 .LBB2_3-.Ltmp0, $3  }
0x3e: {  	_ =	sdelay $0x1  }
0x3f: {  	v3 =	vadd.s32 v1, v3  }
0x40: {  	s10 =	sshra.s32 s24, $0x2;
	v1 =	vadd.s32 $0xFFFFFFFF, v3;
	[tilespmem:v2+s14+$0x0] =	vst.idx.msk vm0, v3;
	v2 =	vor.u32 s6, v0  }
0x41: {  	v3 =	vld [tilespmem:s10+$0x0];
	_ =	sdelay $0x4  }
0x42: {  	v3 =	vadd.f32 $-5.000000000e-01, v3;
	_ =	sdelay $0x1  }
0x43: {  	v3 =	vand.u32 $0x7FFFFFFF, v3  }
0x44: {  	v3 =	vmul.f32 $8.388608000e+06, v3;
	_ =	sdelay $0x1  }
0x45: {  	v3 =	vtrunc.f32 v3  }
0x46: {  	v3 =	vcvt.f32.s32 v3;
	_ =	sdelay $0x1  }
0x47: {  	v3 =	vsub.s32 $0x0, v3  }
0x48: {  	v3 =	vand.u32 $0x7FF, v3  }
0x49: {  	(xrf1) =	vunique.msk.u32 $0xffff, v3;
	_ =	sdelay $0xb  }
0x4a: {  	[tilespmem:s9+$0x2800] =	vst v2  }
0x4b: {  	[tilespmem:s9+$0xA800] =	vst v1  }
0x4c: {  	v1 =	vld.idx.msk [tilespmem:v3+s14+$0x0], $0xffff;
	_, v2, vm0 =	vpop (xrf1);
	_ =	sdelay $0x4  }
0x4d: {  	s6 =	sadd.s32 $0x10, s6;
	v1 =	vadd.s32 v1, v2  }
0x4e: {  	s11 =	sor.u32 $0x1, s8;
	v2 =	vor.u32 s6, v0;
	[tilespmem:v3+s14+$0x0] =	vst.idx.msk vm0, v1  }
0x4f: {  	s6 =	sshll.u32 s11, $0x7;
	v1 =	vadd.s32 $0xFFFFFFFF, v1;
	[tilespmem:s10+$0x2800] =	vst v2  }
0x50: {  	s9 =	simm.s32 @!p0 $0x2;
	s6 =	sand.u32 $0x280, s6;
	[tilespmem:s10+$0xA800] =	vst v1  }
0x51: {  	[hbm4b:s4+s14] =	stream.indirect.scatter [tilespmem:s17], [sflag:$0x1], $0x1, s16, s14, $0xb8;
	[tilespmem:$0x12800] =	vst v63  }
0x52: {  	s6 =	sor.u32 s5, s6;
	_ =	swait.ge @!p0 [sflag:s9], $0x2000  }
0x53: {  	s6 =	sshrl.u32 s6, $0x3;
	[sflag:s9] =	ssyncset.done @!p0 $0x0  }
0x54: {  	s24 =	simm.s32 $0x0;
	s6 =	sadd.s32 s3, s6;
	[sflag:s9] =	ssyncadd.s32 @!p0 $0xFFFFE000  }
0x55: {  	[tilespmem:s24], [sflag:$0x5] =	stream.strided.gather [hbm4b:s6+s12], $0x2000, s13, s12, $0x38;
	[tilespmem:$0x12800] =	vst v63  }
0x56: {  	_ =	swait.ge [sflag:s15], $0x2000  }
0x57: {  	[sflag:s15] =	ssyncset.done $0x0  }
0x58: {  	s9 =	simm.s32 $0x0;
	[sflag:s15] =	ssyncadd.s32 $0xFFFFE000  }
0x59: {  	v1 =	vld [tilespmem:s9+$0x0];
	_ =	sdelay $0x4  }
0x5a: {  	v1 =	vadd.f32 $-5.000000000e-01, v1;
	_ =	sdelay $0x1  }
0x5b: {  	v1 =	vand.u32 $0x7FFFFFFF, v1  }
0x5c: {  	v1 =	vmul.f32 $8.388608000e+06, v1;
	_ =	sdelay $0x1  }
0x5d: {  	v1 =	vtrunc.f32 v1  }
0x5e: {  	v1 =	vcvt.f32.s32 v1;
	_ =	sdelay $0x1  }
0x5f: {  	v1 =	vsub.s32 $0x0, v1  }
0x60: {  	v2 =	vand.u32 $0x7FF, v1  }
0x61: {  	(xrf1) =	vunique.msk.u32 $0xffff, v2;
	_ =	sdelay $0xd  }
0x62: {  	v1 =	vld.idx.msk [tilespmem:v2+s14+$0x0], $0xffff;
	_, v3, vm0 =	vpop (xrf1);
	_ =	sdelay $0x4  }
0x63: {  	v3 =	vadd.s32 v1, v3  }
0x64: {  	s11 =	simm.s32 $0x80;
	s10 =	simm.s32 $0x10;
	s6 =	smov.u32 s31;
	v1 =	vadd.s32 $0xFFFFFFFF, v3;
	[tilespmem:v2+s14+$0x0] =	vst.idx.msk vm0, v3;
	v2 =	vor.u32 s31, v0  }
.LBB2_5:
0x65: {  	p1 =	sne.s32 s11, $0x7FC0  }
0x66: {  	v3 =	vld [tilespmem:s10+$0x0];
	[tilespmem:s9+$0x4800] =	vst v2;
	s6 =	sadd.s32 $0x10, s6;
	s24 =	smov.u32 s11;
	s11 =	sadd.s32 $0x40, s11  }
0x67: {  	[tilespmem:s9+$0xC800] =	vst v1;
	s9 =	smov.u32 s10;
	_ =	sdelay $0x3  }
0x68: {  	v1 =	vadd.f32 $-5.000000000e-01, v3;
	_ =	sdelay $0x1  }
0x69: {  	v1 =	vand.u32 $0x7FFFFFFF, v1  }
0x6a: {  	v1 =	vmul.f32 $8.388608000e+06, v1;
	_ =	sdelay $0x1  }
0x6b: {  	v1 =	vtrunc.f32 v1  }
0x6c: {  	v1 =	vcvt.f32.s32 v1;
	_ =	sdelay $0x1  }
0x6d: {  	v1 =	vsub.s32 $0x0, v1  }
0x6e: {  	v2 =	vand.u32 $0x7FF, v1  }
0x6f: {  	(xrf1) =	vunique.msk.u32 $0xffff, v2;
	_ =	sdelay $0xc  }
0x70: {  	v1 =	vld.idx.msk [tilespmem:v2+s14+$0x0], $0xffff  }
0x71: {  	_, v3, vm0 =	vpop (xrf1);
	_ =	sdelay $0x1  }
.Ltmp1:
0x72: {  	(pc) =	sbr.rel @p1 .LBB2_5-.Ltmp1, $3  }
0x73: {  	_ =	sdelay $0x1  }
0x74: {  	v3 =	vadd.s32 v1, v3  }
0x75: {  	s10 =	sshra.s32 s24, $0x2;
	v1 =	vadd.s32 $0xFFFFFFFF, v3;
	[tilespmem:v2+s14+$0x0] =	vst.idx.msk vm0, v3;
	v2 =	vor.u32 s6, v0  }
0x76: {  	v3 =	vld [tilespmem:s10+$0x0];
	_ =	sdelay $0x4  }
0x77: {  	v3 =	vadd.f32 $-5.000000000e-01, v3;
	_ =	sdelay $0x1  }
0x78: {  	v3 =	vand.u32 $0x7FFFFFFF, v3  }
0x79: {  	v3 =	vmul.f32 $8.388608000e+06, v3;
	_ =	sdelay $0x1  }
0x7a: {  	v3 =	vtrunc.f32 v3  }
0x7b: {  	v3 =	vcvt.f32.s32 v3;
	_ =	sdelay $0x1  }
0x7c: {  	v3 =	vsub.s32 $0x0, v3  }
0x7d: {  	v3 =	vand.u32 $0x7FF, v3  }
0x7e: {  	(xrf1) =	vunique.msk.u32 $0xffff, v3;
	_ =	sdelay $0xb  }
0x7f: {  	[tilespmem:s9+$0x4800] =	vst v2  }
0x80: {  	[tilespmem:s9+$0xC800] =	vst v1  }
0x81: {  	v1 =	vld.idx.msk [tilespmem:v3+s14+$0x0], $0xffff;
	_, v2, vm0 =	vpop (xrf1);
	_ =	sdelay $0x4  }
0x82: {  	s6 =	sadd.s32 $0x10, s6;
	v1 =	vadd.s32 v1, v2  }
0x83: {  	s11 =	sor.u32 $0x2, s8;
	v2 =	vor.u32 s6, v0;
	[tilespmem:v3+s14+$0x0] =	vst.idx.msk vm0, v1  }
0x84: {  	s6 =	sshll.u32 s11, $0x7;
	v1 =	vadd.s32 $0xFFFFFFFF, v1;
	[tilespmem:s10+$0x4800] =	vst v2  }
0x85: {  	s9 =	simm.s32 @!p0 $0x3;
	s6 =	sand.u32 $0x300, s6;
	[tilespmem:s10+$0xC800] =	vst v1  }
0x86: {  	[hbm4b:s4+s14] =	stream.indirect.scatter [tilespmem:s19], [sflag:$0x2], $0x1, s18, s14, $0xb8;
	[tilespmem:$0x12800] =	vst v63  }
0x87: {  	s6 =	sor.u32 s5, s6;
	_ =	swait.ge @!p0 [sflag:s9], $0x2000  }
0x88: {  	s6 =	sshrl.u32 s6, $0x3;
	[sflag:s9] =	ssyncset.done @!p0 $0x0  }
0x89: {  	s24 =	simm.s32 $0x0;
	s6 =	sadd.s32 s3, s6;
	[sflag:s9] =	ssyncadd.s32 @!p0 $0xFFFFE000  }
0x8a: {  	[tilespmem:s24], [sflag:$0x5] =	stream.strided.gather [hbm4b:s6+s12], $0x2000, s13, s12, $0x38;
	[tilespmem:$0x12800] =	vst v63  }
0x8b: {  	_ =	swait.ge [sflag:s15], $0x2000  }
0x8c: {  	[sflag:s15] =	ssyncset.done $0x0  }
0x8d: {  	s9 =	simm.s32 $0x0;
	[sflag:s15] =	ssyncadd.s32 $0xFFFFE000  }
0x8e: {  	v1 =	vld [tilespmem:s9+$0x0];
	_ =	sdelay $0x4  }
0x8f: {  	v1 =	vadd.f32 $-5.000000000e-01, v1;
	_ =	sdelay $0x1  }
0x90: {  	v1 =	vand.u32 $0x7FFFFFFF, v1  }
0x91: {  	v1 =	vmul.f32 $8.388608000e+06, v1;
	_ =	sdelay $0x1  }
0x92: {  	v1 =	vtrunc.f32 v1  }
0x93: {  	v1 =	vcvt.f32.s32 v1;
	_ =	sdelay $0x1  }
0x94: {  	v1 =	vsub.s32 $0x0, v1  }
0x95: {  	v2 =	vand.u32 $0x7FF, v1  }
0x96: {  	(xrf1) =	vunique.msk.u32 $0xffff, v2;
	_ =	sdelay $0xd  }
0x97: {  	v1 =	vld.idx.msk [tilespmem:v2+s14+$0x0], $0xffff;
	_, v3, vm0 =	vpop (xrf1);
	_ =	sdelay $0x4  }
0x98: {  	v3 =	vadd.s32 v1, v3  }
0x99: {  	s11 =	simm.s32 $0x80;
	s10 =	simm.s32 $0x10;
	s6 =	smov.u32 s30;
	v1 =	vadd.s32 $0xFFFFFFFF, v3;
	[tilespmem:v2+s14+$0x0] =	vst.idx.msk vm0, v3;
	v2 =	vor.u32 s30, v0  }
.LBB2_7:
0x9a: {  	p1 =	sne.s32 s11, $0x7FC0  }
0x9b: {  	v3 =	vld [tilespmem:s10+$0x0];
	[tilespmem:s9+$0x6800] =	vst v2;
	s6 =	sadd.s32 $0x10, s6;
	s24 =	smov.u32 s11;
	s11 =	sadd.s32 $0x40, s11  }
0x9c: {  	[tilespmem:s9+$0xE800] =	vst v1;
	s9 =	smov.u32 s10;
	_ =	sdelay $0x3  }
0x9d: {  	v1 =	vadd.f32 $-5.000000000e-01, v3;
	_ =	sdelay $0x1  }
0x9e: {  	v1 =	vand.u32 $0x7FFFFFFF, v1  }
0x9f: {  	v1 =	vmul.f32 $8.388608000e+06, v1;
	_ =	sdelay $0x1  }
0xa0: {  	v1 =	vtrunc.f32 v1  }
0xa1: {  	v1 =	vcvt.f32.s32 v1;
	_ =	sdelay $0x1  }
0xa2: {  	v1 =	vsub.s32 $0x0, v1  }
0xa3: {  	v2 =	vand.u32 $0x7FF, v1  }
0xa4: {  	(xrf1) =	vunique.msk.u32 $0xffff, v2;
	_ =	sdelay $0xc  }
0xa5: {  	v1 =	vld.idx.msk [tilespmem:v2+s14+$0x0], $0xffff  }
0xa6: {  	_, v3, vm0 =	vpop (xrf1);
	_ =	sdelay $0x1  }
.Ltmp2:
0xa7: {  	(pc) =	sbr.rel @p1 .LBB2_7-.Ltmp2, $3  }
0xa8: {  	_ =	sdelay $0x1  }
0xa9: {  	v3 =	vadd.s32 v1, v3  }
0xaa: {  	s10 =	sshra.s32 s24, $0x2;
	v1 =	vadd.s32 $0xFFFFFFFF, v3;
	[tilespmem:v2+s14+$0x0] =	vst.idx.msk vm0, v3;
	v2 =	vor.u32 s6, v0  }
0xab: {  	v3 =	vld [tilespmem:s10+$0x0];
	_ =	sdelay $0x4  }
0xac: {  	v3 =	vadd.f32 $-5.000000000e-01, v3;
	_ =	sdelay $0x1  }
0xad: {  	v3 =	vand.u32 $0x7FFFFFFF, v3  }
0xae: {  	v3 =	vmul.f32 $8.388608000e+06, v3;
	_ =	sdelay $0x1  }
0xaf: {  	v3 =	vtrunc.f32 v3  }
0xb0: {  	v3 =	vcvt.f32.s32 v3;
	_ =	sdelay $0x1  }
0xb1: {  	v3 =	vsub.s32 $0x0, v3  }
0xb2: {  	v3 =	vand.u32 $0x7FF, v3  }
0xb3: {  	(xrf1) =	vunique.msk.u32 $0xffff, v3;
	_ =	sdelay $0xb  }
0xb4: {  	[tilespmem:s9+$0x6800] =	vst v2  }
0xb5: {  	[tilespmem:s9+$0xE800] =	vst v1  }
0xb6: {  	v1 =	vld.idx.msk [tilespmem:v3+s14+$0x0], $0xffff;
	_, v2, vm0 =	vpop (xrf1);
	_ =	sdelay $0x4  }
0xb7: {  	s6 =	sadd.s32 $0x10, s6;
	v1 =	vadd.s32 v1, v2  }
0xb8: {  	s11 =	sor.u32 $0x3, s8;
	v2 =	vor.u32 s6, v0;
	[tilespmem:v3+s14+$0x0] =	vst.idx.msk vm0, v1  }
0xb9: {  	s6 =	sshll.u32 s11, $0x7;
	v1 =	vadd.s32 $0xFFFFFFFF, v1;
	[tilespmem:s10+$0x6800] =	vst v2  }
0xba: {  	s8 =	simm.s32 @!p0 $0x4;
	s6 =	sand.u32 $0x380, s6;
	[tilespmem:s10+$0xE800] =	vst v1  }
0xbb: {  	[hbm4b:s4+s14] =	stream.indirect.scatter [tilespmem:s21], [sflag:$0x3], $0x1, s20, s14, $0xb8;
	[tilespmem:$0x12800] =	vst v63  }
0xbc: {  	s5 =	sor.u32 s5, s6;
	_ =	swait.ge @!p0 [sflag:s8], $0x2000  }
0xbd: {  	s5 =	sshrl.u32 s5, $0x3;
	[sflag:s8] =	ssyncset.done @!p0 $0x0  }
0xbe: {  	s24 =	simm.s32 $0x0;
	s5 =	sadd.s32 s3, s5;
	[sflag:s8] =	ssyncadd.s32 @!p0 $0xFFFFE000  }
0xbf: {  	[tilespmem:s24], [sflag:$0x5] =	stream.strided.gather [hbm4b:s5+s12], $0x2000, s13, s12, $0x38;
	[tilespmem:$0x12800] =	vst v63  }
0xc0: {  	_ =	swait.ge [sflag:s15], $0x2000  }
0xc1: {  	[sflag:s15] =	ssyncset.done $0x0  }
0xc2: {  	s5 =	simm.s32 $0x0;
	[sflag:s15] =	ssyncadd.s32 $0xFFFFE000  }
0xc3: {  	v1 =	vld [tilespmem:s5+$0x0];
	_ =	sdelay $0x4  }
0xc4: {  	v1 =	vadd.f32 $-5.000000000e-01, v1;
	_ =	sdelay $0x1  }
0xc5: {  	v1 =	vand.u32 $0x7FFFFFFF, v1  }
0xc6: {  	v1 =	vmul.f32 $8.388608000e+06, v1;
	_ =	sdelay $0x1  }
0xc7: {  	v1 =	vtrunc.f32 v1  }
0xc8: {  	v1 =	vcvt.f32.s32 v1;
	_ =	sdelay $0x1  }
0xc9: {  	v1 =	vsub.s32 $0x0, v1  }
0xca: {  	v2 =	vand.u32 $0x7FF, v1  }
0xcb: {  	(xrf1) =	vunique.msk.u32 $0xffff, v2;
	_ =	sdelay $0xd  }
0xcc: {  	v1 =	vld.idx.msk [tilespmem:v2+s14+$0x0], $0xffff;
	_, v3, vm0 =	vpop (xrf1);
	_ =	sdelay $0x4  }
0xcd: {  	v3 =	vadd.s32 v1, v3  }
0xce: {  	s9 =	simm.s32 $0x10;
	s6 =	smov.u32 s29;
	s8 =	simm.s32 $0x80;
	v1 =	vadd.s32 $0xFFFFFFFF, v3;
	[tilespmem:v2+s14+$0x0] =	vst.idx.msk vm0, v3;
	v2 =	vor.u32 s29, v0  }
.LBB2_9:
0xcf: {  	p0 =	sne.s32 s8, $0x7FC0  }
0xd0: {  	v3 =	vld [tilespmem:s9+$0x0];
	[tilespmem:s5+$0x8800] =	vst v2;
	s6 =	sadd.s32 $0x10, s6;
	s10 =	smov.u32 s8;
	s8 =	sadd.s32 $0x40, s8  }
0xd1: {  	[tilespmem:s5+$0x10800] =	vst v1;
	s5 =	smov.u32 s9;
	_ =	sdelay $0x3  }
0xd2: {  	v1 =	vadd.f32 $-5.000000000e-01, v3;
	_ =	sdelay $0x1  }
0xd3: {  	v1 =	vand.u32 $0x7FFFFFFF, v1  }
0xd4: {  	v1 =	vmul.f32 $8.388608000e+06, v1;
	_ =	sdelay $0x1  }
0xd5: {  	v1 =	vtrunc.f32 v1  }
0xd6: {  	v1 =	vcvt.f32.s32 v1;
	_ =	sdelay $0x1  }
0xd7: {  	v1 =	vsub.s32 $0x0, v1  }
0xd8: {  	v2 =	vand.u32 $0x7FF, v1  }
0xd9: {  	(xrf1) =	vunique.msk.u32 $0xffff, v2;
	_ =	sdelay $0xc  }
0xda: {  	v1 =	vld.idx.msk [tilespmem:v2+s14+$0x0], $0xffff  }
0xdb: {  	_, v3, vm0 =	vpop (xrf1);
	_ =	sdelay $0x1  }
.Ltmp3:
0xdc: {  	(pc) =	sbr.rel @p0 .LBB2_9-.Ltmp3, $3  }
0xdd: {  	_ =	sdelay $0x1  }
0xde: {  	v3 =	vadd.s32 v1, v3  }
0xdf: {  	s9 =	sshra.s32 s10, $0x2;
	v1 =	vadd.s32 $0xFFFFFFFF, v3;
	[tilespmem:v2+s14+$0x0] =	vst.idx.msk vm0, v3;
	v2 =	vor.u32 s6, v0  }
0xe0: {  	v3 =	vld [tilespmem:s9+$0x0];
	_ =	sdelay $0x4  }
0xe1: {  	v3 =	vadd.f32 $-5.000000000e-01, v3;
	_ =	sdelay $0x1  }
0xe2: {  	v3 =	vand.u32 $0x7FFFFFFF, v3  }
0xe3: {  	v3 =	vmul.f32 $8.388608000e+06, v3;
	_ =	sdelay $0x1  }
0xe4: {  	v3 =	vtrunc.f32 v3  }
0xe5: {  	v3 =	vcvt.f32.s32 v3;
	_ =	sdelay $0x1  }
0xe6: {  	v3 =	vsub.s32 $0x0, v3  }
0xe7: {  	v3 =	vand.u32 $0x7FF, v3  }
0xe8: {  	(xrf1) =	vunique.msk.u32 $0xffff, v3;
	_ =	sdelay $0xb  }
0xe9: {  	[tilespmem:s5+$0x8800] =	vst v2  }
0xea: {  	[tilespmem:s5+$0x10800] =	vst v1  }
0xeb: {  	v1 =	vld.idx.msk [tilespmem:v3+s14+$0x0], $0xffff;
	_, v2, vm0 =	vpop (xrf1);
	_ =	sdelay $0x2  }
0xec: {  	s2 =	sadd.s32 $0x1, s2  }
0xed: {  	p0 =	sne.s32 s2, $0x18  }
.Ltmp4:
0xee: {  	s24 =	sadd.s32 $0x10, s6;
	v1 =	vadd.s32 v1, v2;
	(pc) =	sbr.rel @p0 .LBB2_2-.Ltmp4, $4  }
0xef: {  	v2 =	vor.u32 s24, v0;
	[tilespmem:v3+s14+$0x0] =	vst.idx.msk vm0, v1  }
0xf0: {  	s0 =	sadd.s32 $0x8000, s0;
	v1 =	vadd.s32 $0xFFFFFFFF, v1;
	[tilespmem:s9+$0x8800] =	vst v2  }
0xf1: {  	s31 =	sadd.s32 $0x8000, s31;
	s30 =	sadd.s32 $0x8000, s30;
	s29 =	sadd.s32 $0x8000, s29;
	[tilespmem:s9+$0x10800] =	vst v1  }
0xf2: {  	[hbm4b:s4+s14] =	stream.indirect.scatter [tilespmem:s23], [sflag:$0x4], $0x1, s22, s14, $0xb8;
	[tilespmem:$0x12800] =	vst v63  }
0xf3: {  	s0 =	simm.s32 $0x1  }
0xf4: {  	_ =	swait.ge [sflag:s0], $0x2000  }
0xf5: {  	[sflag:s0] =	ssyncset.done $0x0  }
0xf6: {  	[sflag:s0] =	ssyncadd.s32 $0xFFFFE000  }
0xf7: {  	_ =	swait.ge [sflag:s25], $0x2000  }
0xf8: {  	[sflag:s25] =	ssyncset.done $0x0  }
0xf9: {  	[sflag:s25] =	ssyncadd.s32 $0xFFFFE000  }
0xfa: {  	_ =	swait.ge [sflag:s26], $0x2000  }
0xfb: {  	[sflag:s26] =	ssyncset.done $0x0  }
0xfc: {  	[sflag:s26] =	ssyncadd.s32 $0xFFFFE000  }
0xfd: {  	_ =	swait.ge [sflag:s28], $0x2000  }
0xfe: {  	s1 =	sadd.s32 $0x1, s1;
	s31 =	rddreg [dreg:$0x5]  }
0xff: {  	p0 =	sne.s32 s1, s31  }
.Ltmp5:
0x100: {  	_ = 	snop;
	(pc) =	sbr.rel @p0 .LBB2_1-.Ltmp5, $3  }
0x101: {  	_ =	sdelay $0x1  }
0x102: {  	[sflag:s28] =	ssyncset.done $0x0  }
0x103: {  	[sflag:s28] =	ssyncadd.s32 $0xFFFFE000  }
0x104: {  	_ =	sfence.sel $0x180000  }
0x105: {  	[bflag:$0x0] =	sbarrier.arrive $0xFFFF  }
0x106: {  	_ =	strace $0x9000004D  }
0x107: {  	s0 =	stileid.u32;
	[bflag:$0x2] =	sbarrier.arrive $0xFFFF  }
0x108: {  	p0 =	sne.s32 s0, $0x0;
	s0 =	rddreg [dreg:$0x2]  }
0x109: {  	s0 =	sadd.s32 @!p0 $0x100000, s0  }
0x10a: {  	[sflag:s0] =	ssyncadd.tile.s32 @!p0 $0x1;
	_ =	shalt  }
.Lfunc_end2:
_tile_overlayer_lowered:
.L_overlay_start_2:
0x10b: {  	(tag) =	ssettag $0x2  }
0x10c: {  	s0 =	rddreg [dreg:$0x0];
	s2 =	stileid.u32  }
0x10d: {  	s1 =	rddreg [dreg:$0x1];
	p0 =	sne.s32 s2, $0x0  }
0x10e: {  	s3 =	rddreg [dreg:$0x2];
	[bflag:$0x3] =	sbarrier.arrive $0xFFFF;
	s2 =	simm.s32 @!p0 $0x1C05  }
0x10f: {  	[timem:s3], [sflag:s2] =	dma.local @!p0 [hbm:s0], s1  }
0x110: {  	s0 =	simm.s32 @!p0 $0x5  }
0x111: {  	_ =	swait.ge @!p0 [sflag:s0], s1  }
0x112: {  	s1 =	ssub.s32 @!p0 $0x0, s1;
	[sflag:s0] =	ssyncset.done @!p0 $0x0  }
0x113: {  	[sflag:s0] =	ssyncadd.s32 @!p0 s1  }
0x114: {  	[bflag:$0x3] =	sbarrier.arrive $0xFFFF  }
0x115: {  	_ =	shalt  }

// kernel: kernel.18.cloned.1.call-start
scs
__scs_entry_jumppad:
0x0: {  	(pc) =	sbr.rel $0x88, $3  }
0x1: {  	(tag) =	ssettag $0x0;
	lr =	simm.s32 $0x1  }
0x2: {  	[smem:$0x3FA0] =	sst lr;
	_ =	strace $0xD0000000  }
0x3: {  	_ = 	snop  }
0x4: {  	_ = 	snop  }
0x5: {  	_ = 	snop  }
0x6: {  	_ = 	snop  }
0x7: {  	_ = 	snop  }
__scs_overlays_trampoline_lowered:
0x8: {  	[smem:$0x3FAF] =	sst s0  }
0x9: {  	[smem:$0x3FB0] =	sst s1  }
0xa: {  	[smem:$0x3FB1] =	sst s2  }
0xb: {  	[smem:$0x3FB2] =	sst s3  }
0xc: {  	[smem:$0x3FB3] =	sst s4  }
0xd: {  	[smem:$0x3FB4] =	sst s5  }
0xe: {  	[smem:$0x3FB5] =	sst s6  }
0xf: {  	[smem:$0x3FB6] =	sst s7  }
0x10: {  	[smem:$0x3FB7] =	sst s8  }
0x11: {  	[smem:$0x3FB8] =	sst s9;
	s0 =	simm.s32 @!p0 $0x0  }
0x12: {  	s1 =	sld [smem:$0x3F9E];
	s0 =	simm.s32 @p0 $0x1  }
0x13: {  	[smem:$0x3FB9] =	sst s0;
	s0 =	simm.s32 @!p1 $0x0  }
0x14: {  	s2 =	sld [smem:$0x3F9D];
	s0 =	simm.s32 @p1 $0x1  }
0x15: {  	[smem:$0x3FBA] =	sst s0;
	s0 =	simm.s32 @!p2 $0x0  }
0x16: {  	s3 =	sld [smem:$0x3FDB];
	s0 =	simm.s32 @p2 $0x1  }
0x17: {  	s4 =	simm.s32 $0x1BF5;
	[smem:$0x3FBC] =	sst s0  }
0x18: {  	s0 =	sld [smem:$0x3F9F];
	_ =	swait.ge [sflag:s4], $0x0  }
0x19: {  	s7 =	sld [smem:$0x3FA0]  }
0x1a: {  	s8 =	sadd.s32 $0xFFFFE003, lr  }
0x1b: {  	s9 =	sadd.s32 $0xFFFFFEF7, lr;
	s5 =	simm.s32 $0xFFFFFFFF;
	p2 =	slt.u32 s8, $0xFFFFF086  }
0x1c: {  	p1 =	slt.u32 s9, $0xF7A;
	s5 =	simm.s32 @!p2 $0x0  }
0x1d: {  	s5 =	simm.s32 @p1 $0x1;
	p0 =	seq.s32 s7, s2  }
0x1e: {  	s7 =	smul.u32 @!p0 $0xF7A, s2;
	p2 =	seq.s32 @!p0 s5, $0x0  }
0x1f: {  	s9 =	smul.u32 $0xF7A, s1;
	s8 =	simm.s32 @!p0 $0x1BF5;
	p2 =	por !p2, p0  }
0x20: {  	[sflag:s8] =	ssyncset.s32 @!p0 $0xFFFFF086;
	s6 =	sadd.s32 @!p0 s3, s7;
	s7 =	simm.s32 @!p0 $0x108  }
0x21: {  	s3 =	sadd.s32 s3, s9;
	s6 =	sadd.s32 @!p0 $0x88, s6;
	s7 =	simm.s32 @p2 $0x1082  }
0x22: {  	[simem:s7], [sflag:s8] =	dma.local @!p0 [hbm:s6], $0xF7A  }
0x23: {  	s9 =	sor.u32 $0xD0000000, s2;
	s6 =	simm.s32 $0x108;
	_ =	swait.ge @!p0 [sflag:s8], $0x0  }
0x24: {  	s3 =	sadd.s32 $0x88, s3;
	s6 =	simm.s32 @!p1 $0x1082;
	[sflag:s4] =	ssyncset.s32 $0xFFFFF086  }
0x25: {  	[simem:s6], [sflag:s4] =	dma.local [hbm:s3], $0xF7A  }
0x26: {  	[smem:$0x3FA0] =	sst s1;
	(tag) =	ssettag s2;
	_ =	strace s9  }
0x27: {  	s1 =	sld [smem:$0x3FB0]  }
0x28: {  	s2 =	sld [smem:$0x3FB1]  }
0x29: {  	s4 =	sld [smem:$0x3FB3]  }
0x2a: {  	p0 =	seq.s32 s5, $0x0;
	s5 =	sld [smem:$0x3FB4]  }
0x2b: {  	s6 =	sld [smem:$0x3FB5]  }
0x2c: {  	s7 =	sld [smem:$0x3FB6]  }
0x2d: {  	s3 =	simm.s32 $0x108;
	s8 =	sld [smem:$0x3FB7]  }
0x2e: {  	s3 =	simm.s32 @!p0 $0x1082;
	s9 =	sld [smem:$0x3FB8]  }
0x2f: {  	lr =	sadd.s32 s0, s3;
	s0 =	sld [smem:$0x3FAF]  }
0x30: {  	s3 =	sld [smem:$0x3FB2]  }
0x31: {  	[smem:$0x3FBB] =	sst s10  }
0x32: {  	s10 =	sld [smem:$0x3FB9];
	_ =	sdelay $0x3  }
0x33: {  	p0 =	seq.s32 s10, $0x1;
	s10 =	sld [smem:$0x3FBB];
	_ =	sdelay $0x3  }
0x34: {  	[smem:$0x3FBB] =	sst s10  }
0x35: {  	s10 =	sld [smem:$0x3FBA];
	_ =	sdelay $0x3  }
0x36: {  	p1 =	seq.s32 s10, $0x1;
	s10 =	sld [smem:$0x3FBB];
	_ =	sdelay $0x3  }
0x37: {  	[smem:$0x3FBB] =	sst s10  }
0x38: {  	s10 =	sld [smem:$0x3FBC]  }
0x39: {  	_ = 	snop;
	(pc) =	sbr.ind lr, $3  }
0x3a: {  	_ = 	snop  }
0x3b: {  	_ = 	snop  }
0x3c: {  	p2 =	seq.s32 s10, $0x1;
	s10 =	sld [smem:$0x3FBB]  }
0x3d: {  	_ =	shalt  }
0x3e: {  	_ =	shalt  }
0x3f: {  	_ =	shalt  }
0x40: {  	_ =	shalt  }
0x41: {  	_ =	shalt  }
0x42: {  	_ =	shalt  }
0x43: {  	_ =	shalt  }
0x44: {  	_ =	shalt  }
0x45: {  	_ =	shalt  }
0x46: {  	_ =	shalt  }
0x47: {  	_ =	shalt  }
0x48: {  	_ =	shalt  }
0x49: {  	_ =	shalt  }
0x4a: {  	_ =	shalt  }
0x4b: {  	_ =	shalt  }
0x4c: {  	_ =	shalt  }
0x4d: {  	_ =	shalt  }
0x4e: {  	_ =	shalt  }
0x4f: {  	_ =	shalt  }
0x50: {  	_ =	shalt  }
0x51: {  	_ =	shalt  }
0x52: {  	_ =	shalt  }
0x53: {  	_ =	shalt  }
0x54: {  	_ =	shalt  }
0x55: {  	_ =	shalt  }
0x56: {  	_ =	shalt  }
0x57: {  	_ =	shalt  }
0x58: {  	_ =	shalt  }
0x59: {  	_ =	shalt  }
0x5a: {  	_ =	shalt  }
0x5b: {  	_ =	shalt  }
0x5c: {  	_ =	shalt  }
0x5d: {  	_ =	shalt  }
0x5e: {  	_ =	shalt  }
0x5f: {  	_ =	shalt  }
0x60: {  	_ =	shalt  }
0x61: {  	_ =	shalt  }
0x62: {  	_ =	shalt  }
0x63: {  	_ =	shalt  }
0x64: {  	_ =	shalt  }
0x65: {  	_ =	shalt  }
0x66: {  	_ =	shalt  }
0x67: {  	_ =	shalt  }
0x68: {  	_ =	shalt  }
0x69: {  	_ =	shalt  }
0x6a: {  	_ =	shalt  }
0x6b: {  	_ =	shalt  }
0x6c: {  	_ =	shalt  }
0x6d: {  	_ =	shalt  }
0x6e: {  	_ =	shalt  }
0x6f: {  	_ =	shalt  }
0x70: {  	_ =	shalt  }
0x71: {  	_ =	shalt  }
0x72: {  	_ =	shalt  }
0x73: {  	_ =	shalt  }
0x74: {  	_ =	shalt  }
0x75: {  	_ =	shalt  }
0x76: {  	_ =	shalt  }
0x77: {  	_ =	shalt  }
0x78: {  	_ =	shalt  }
0x79: {  	_ =	shalt  }
0x7a: {  	_ =	shalt  }
0x7b: {  	_ =	shalt  }
0x7c: {  	_ =	shalt  }
0x7d: {  	_ =	shalt  }
0x7e: {  	_ =	shalt  }
0x7f: {  	_ =	shalt  }
0x80: {  	_ =	shalt  }
0x81: {  	_ =	shalt  }
0x82: {  	_ =	shalt  }
0x83: {  	_ =	shalt  }
0x84: {  	_ =	shalt  }
0x85: {  	_ =	shalt  }
0x86: {  	_ =	shalt  }
0x87: {  	_ =	shalt  }
.Lfunc_end0:
.L_simem_size_0:
called_computation.3_lowered:
.L_overlay_start_0:
0x88: {  	s2 =	sld [smem:$0x3FD9]  }
0x89: {  	s3 =	sld [smem:$0x3FFE];
	_ =	sdelay $0x1  }
0x8a: {  	s1 =	srdreg.scid  }
0x8b: {  	s0 =	sand.u32 $0x1, s1  }
0x8c: {  	s14 =	sshll.u32 s0, $0xA;
	s2 =	sadd.s32 s3, s2  }
0x8d: {  	s2 =	sadd.s32 s2, s14  }
0x8e: {  	[smem:$0x3FC7] =	sst s2  }
0x8f: {  	_ = 	snop  }
0x90: {  	s2 =	sld [smem:$0x3FD0];
	_ =	sdelay $0x2  }
0x91: {  	s15 =	simm.s32 $0xA;
	s4 =	simm.s32 $0x10  }
0x92: {  	[smem:s4], [sflag:s15] =	dma.local [hbm:s2], $0x1  }
0x93: {  	_ =	swait.eq [sflag:s15], $0x1  }
0x94: {  	[sflag:s15] =	ssyncset.done $0x0  }
0x95: {  	[sflag:s15] =	ssyncadd.s32 $0xFFFFFFFF  }
0x96: {  	s16 =	sld [smem:$0x11];
	(tm) =	ssettm $0x1  }
0x97: {  	s17 =	sld [smem:$0x3FFB];
	_ =	sdelay $0x3  }
0x98: {  	_ =	strace s17  }
0x99: {  	s3 =	sld [smem:$0x3FFC];
	_ =	sdelay $0x3  }
0x9a: {  	_ =	strace s3  }
0x9b: {  	s3 =	sld [smem:$0x3FFD];
	_ =	sdelay $0x3  }
0x9c: {  	_ =	strace s3  }
0x9d: {  	_ =	strace $0x8FFFFFFF  }
0x9e: {  	s18 =	sld [smem:$0x3FDB];
	_ =	sdelay $0x1  }
0x9f: {  	s19 =	simm.s32 $_scs_section_size  }
0xa0: {  	s5 =	simm.s32 $_size__tile_overlayer_lowered;
	s6 =	simm.s32 $_tile_overlayer_lowered  }
0xa1: {  	s22 =	simm.s32 $0x1BFF;
	s21 =	sshll.u32 s6, $0x1;
	s3 =	sadd.s32 s19, s18  }
0xa2: {  	s7 =	simm.s32 $0x0;
	s20 =	sshll.u32 s5, $0x1;
	s5 =	sadd.s32 s21, s3  }
0xa3: {  	[timem:s7], [sflag:s22] =	dma.local [hbm:s5], s20  }
0xa4: {  	_ =	swait.ge [sflag:s22], s20  }
0xa5: {  	s4 =	ssub.s32 $0x0, s20;
	[sflag:s22] =	ssyncset.done $0x0  }
0xa6: {  	[sflag:s22] =	ssyncadd.s32 s4;
	_ =	sdelay $0x1  }
0xa7: {  	s23 =	simm.s32 $0x1B8B  }
0xa8: {  	_ =	swait.ge [sflag:s23], $0x1  }
0xa9: {  	[sflag:s23] =	ssyncset.done $0x0  }
0xaa: {  	s25 =	simm.s32 $0x1B8E;
	s24 =	sld [smem:$0x3FFE];
	[sflag:s23] =	ssyncadd.s32 $0xFFFFFFFF  }
0xab: {  	s26 =	simm.s32 $execute0_lowered;
	[smem:$0x3FD2] =	sst s25  }
0xac: {  	s5 =	sshll.u32 s26, $0x1;
	_ =	strace $0x8000004F;
	[dreg:$0x1] =	wrdreg $0xFFFFFFFF  }
0xad: {  	s28 =	simm.s32 $_size_execute0_lowered;
	s3 =	sadd.s32 s3, s5;
	[dreg:$0x0] =	wrdreg $0x0  }
0xae: {  	s5 =	sshll.u32 s28, $0x1;
	[dreg:$0x2] =	wrdreg s3  }
0xaf: {  	[dreg:$0x3] =	wrdreg s5  }
0xb0: {  	[dreg:$0x4] =	wrdreg $0xC0  }
0xb1: {  	_ =	task [dreg:s7], $0x5FFFF  }
0xb2: {  	[dreg:$0x1] =	wrdreg $0xFFFFFFFF  }
0xb3: {  	[dreg:$0x0] =	wrdreg $0x60  }
0xb4: {  	[dreg:$0x2] =	wrdreg s24  }
0xb5: {  	[dreg:$0x3] =	wrdreg s16  }
0xb6: {  	[dreg:$0x4] =	wrdreg $0x9  }
0xb7: {  	_ =	task.clear_ibuf [dreg:s7], $0x5FFFF;
	_ =	strace $0x9000004F  }
0xb8: {  	s29 =	simm.s32 $0x9;
	_ =	strace $0x80000051  }
0xb9: {  	_ =	swait.ge [sflag:s29], $0x1  }
0xba: {  	[sflag:s29] =	ssyncadd.s32 $0xFFFFFFFF  }
0xbb: {  	_ =	strace $0x90000051  }
0xbc: {  	_ =	sfence  }
0xbd: {  	s30 =	sld [smem:$0x0];
	_ =	sdelay $0x2  }
0xbe: {  	s31 =	sshll.u32 s1, $0xD;
	s1 =	sshrl.u32 s1, $0x2  }
0xbf: {  	s3 =	sand.u32 $0x4000, s31;
	s1 =	sadd.s32 s1, s30  }
0xc0: {  	s0 =	sor.u32 s3, s0;
	s1 =	sshll.u32 s1, $0x11  }
0xc1: {  	s0 =	sor.u32 s1, s0  }
0xc2: {  	s0 =	sadd.s32 $0x8F2B, s0  }
0xc3: {  	[sflag:s0] =	ssyncadd.remote.s32 $0x1  }
0xc4: {  	_ =	sfence.sel $0xFFFF  }
0xc5: {  	[dreg:$0x0] =	wrdreg $0xFFFFFFFF;
	(pc) =	sbr.abs _section_cstart, $3  }
0xc6: {  	[dreg:$0x1] =	wrdreg $0xFFFFFFFF  }
0xc7: {  	_ =	task.clear_ibuf [dreg:s7], $0x2FFFF;
	_ =	strace $0x9FFFFFFF  }
0xc8: {  	(tm) =	ssettm $0x7FFFFFFF  }
0xc9: {  	_ =	shalt  }
tec
execute0_lowered:
.L_overlay_start_1:
0x0: {  	(tag) =	ssettag $0x1  }
0x1: {  	s4 =	rddreg [dreg:$0x0]  }
0x2: {  	s6 =	rddreg [dreg:$0x1]  }
0x3: {  	s2 =	srdreg.scid;
	s1 =	stileid.u32  }
0x4: {  	s0 =	rddreg [dreg:$0x2];
	s11 =	simm.s32 $0x2000;
	s12 =	simm.s32 $0x1  }
0x5: {  	s13 =	simm.s32 $0x4000;
	s3 =	sand.u32 $0x1, s2;
	s5 =	sshll.u32 s1, $0x1  }
0x6: {  	s2 =	simm.s32 $0x0;
	s7 =	sshrl.u32 s1, $0x2;
	s5 =	sor.u32 s3, s5  }
0x7: {  	[smem:$0x7FF] =	sst s2;
	s7 =	smul.u32 $0x4400, s7;
	s9 =	ssub.s32 $0x2, s3  }
0x8: {  	s3 =	sadd.s32 $0x1C00, s4;
	s4 =	sadd.s32 $0xE01C00, s4;
	s8 =	sshll.u32 s5, $0x7  }
0x9: {  	_ =	strace $0x80000050;
	s10 =	sshrl.u32 s9, $0x1;
	s8 =	sand.u32 $0x380, s8  }
0xa: {  	s5 =	smul.u32 $0xC0000, s5;
	s31 =	ssub.s32 s9, s10;
	s7 =	sor.u32 s7, s8  }
0xb: {  	s9 =	simm.s32 $0x400;
	s10 =	simm.s32 $0x2;
	s7 =	sshrl.u32 s7, $0x3  }
0xc: {  	v0 =	vimm.s32 $0x0;
	s8 =	simm.s32 $0x80;
	s6 =	sadd.s32 s6, s7;
	s7 =	smax.u32 s31, $0x1  }
.LBB2_1:
0xd: {  	s14 =	simm.s32 $0x40;
	s15 =	simm.s32 $0x0  }
.LBB2_2:
0xe: {  	p0 =	sne.s32 s14, $0x2000;
	[tilespmem:s15+$0x4000] =	vst v0;
	s15 =	smov.u32 s14;
	s14 =	sadd.s32 $0x40, s14  }
.Ltmp0:
0xf: {  	(pc) =	sbr.rel @p0 .LBB2_2-.Ltmp0, $2  }
0x10: {  	_ =	sdelay $0x2  }
0x11: {  	s15 =	sshra.s32 s15, $0x2  }
0x12: {  	[tilespmem:s15+$0x4000] =	vst v0;
	s14 =	simm.s32 $0x0;
	s15 =	simm.s32 $0x0  }
.LBB2_4:
0x13: {  	s16 =	sshll.u32 s15, $0xD  }
0x14: {  	s17 =	sshll.u32 s15, $0x7;
	s16 =	sand.u32 $0xF0000, s16  }
0x15: {  	s17 =	sand.u32 $0x380, s17;
	s16 =	sadd.s32 s5, s16  }
0x16: {  	s16 =	sor.u32 s17, s16  }
0x17: {  	s16 =	sshrl.u32 s16, $0x3  }
0x18: {  	s16 =	sadd.s32 s3, s16  }
0x19: {  	[tilespmem:s14], [sflag:$0x2] =	stream.strided.gather [hbm4b:s16+s8], $0x2000, s9, s8, $0x38;
	[tilespmem:$0x4880] =	vst v63  }
0x1a: {  	_ =	swait.ge [sflag:s10], $0x2000  }
0x1b: {  	[sflag:s10] =	ssyncset.done $0x0  }
0x1c: {  	[sflag:s10] =	ssyncadd.s32 $0xFFFFE000  }
0x1d: {  	[tilespmem:s11], [sflag:$0x1] =	stream.indirect.gather [hbm4b:s4+s11], $0x1, s14, s11, $0xb8;
	[tilespmem:$0x4880] =	vst v63  }
0x1e: {  	_ =	swait.ge [sflag:s12], $0x2000  }
0x1f: {  	[sflag:s12] =	ssyncset.done $0x0  }
0x20: {  	s17 =	simm.s32 $0x0;
	s16 =	simm.s32 $0x40;
	[sflag:s12] =	ssyncadd.s32 $0xFFFFE000  }
.LBB2_5:
0x21: {  	p0 =	sne.s32 s16, $0x7FC0;
	v1 =	vld [tilespmem:s17+$0x2000];
	_ =	sdelay $0x4  }
0x22: {  	v1 =	vadd.f32 $-5.000000000e-01, v1;
	_ =	sdelay $0x1  }
0x23: {  	v1 =	vand.u32 $0x7FFFFFFF, v1  }
0x24: {  	v1 =	vmul.f32 $8.388608000e+06, v1;
	_ =	sdelay $0x1  }
0x25: {  	v1 =	vtrunc.f32 v1  }
0x26: {  	v1 =	vcvt.f32.s32 v1;
	_ =	sdelay $0x1  }
0x27: {  	v1 =	vsub.s32 $0x400000, v1  }
0x28: {  	v1 =	vshrl.u32 v1, $0xB  }
0x29: {  	(xrf1) =	vunique.msk.u32 $0xffff, v1;
	_ =	sdelay $0xc  }
0x2a: {  	v2 =	vld.idx.msk [tilespmem:v1+s13+$0x0], $0xffff  }
0x2b: {  	_, v3, vm0 =	vpop (xrf1);
	_ =	sdelay $0x1  }
.Ltmp1:
0x2c: {  	(pc) =	sbr.rel @p0 .LBB2_5-.Ltmp1, $3  }
0x2d: {  	_ =	sdelay $0x1  }
0x2e: {  	v2 =	vadd.s32 v2, v3  }
0x2f: {  	s17 =	sshra.s32 s16, $0x2;
	s16 =	sadd.s32 $0x40, s16;
	[tilespmem:v1+s13+$0x0] =	vst.idx.msk vm0, v2  }
0x30: {  	v1 =	vld [tilespmem:s17+$0x2000];
	_ =	sdelay $0x4  }
0x31: {  	v1 =	vadd.f32 $-5.000000000e-01, v1;
	_ =	sdelay $0x1  }
0x32: {  	v1 =	vand.u32 $0x7FFFFFFF, v1  }
0x33: {  	v1 =	vmul.f32 $8.388608000e+06, v1;
	_ =	sdelay $0x1  }
0x34: {  	v1 =	vtrunc.f32 v1  }
0x35: {  	v1 =	vcvt.f32.s32 v1;
	_ =	sdelay $0x1  }
0x36: {  	v1 =	vsub.s32 $0x400000, v1  }
0x37: {  	v1 =	vshrl.u32 v1, $0xB  }
0x38: {  	(xrf1) =	vunique.msk.u32 $0xffff, v1;
	_ =	sdelay $0xd  }
0x39: {  	s15 =	sadd.s32 $0x1, s15;
	v2 =	vld.idx.msk [tilespmem:v1+s13+$0x0], $0xffff;
	_, v3, vm0 =	vpop (xrf1)  }
0x3a: {  	p0 =	sne.s32 s15, $0x60  }
.Ltmp2:
0x3b: {  	_ = 	snop;
	(pc) =	sbr.rel @p0 .LBB2_4-.Ltmp2, $3  }
0x3c: {  	_ =	sdelay $0x1  }
0x3d: {  	v2 =	vadd.s32 v2, v3  }
0x3e: {  	[tilespmem:v1+s13+$0x0] =	vst.idx.msk vm0, v2  }
0x3f: {  	s2 =	sadd.s32 $0x1, s2  }
0x40: {  	p0 =	sne.s32 s2, s7  }
.Ltmp3:
0x41: {  	_ = 	snop;
	(pc) =	sbr.rel @p0 .LBB2_1-.Ltmp3, $4  }
0x42: {  	[hbm4b:s6+s8] =	stream.strided.scatter [tilespmem:s13], [sflag:$0x2], $0x880, s9, s8, $0x38;
	[tilespmem:$0x4880] =	vst v63  }
0x43: {  	_ =	swait.ge [sflag:s10], $0x880  }
0x44: {  	[sflag:s10] =	ssyncset.done $0x0  }
0x45: {  	[sflag:s10] =	ssyncadd.s32 $0xFFFFF780  }
0x46: {  	_ =	sfence.sel $0x180000  }
0x47: {  	[bflag:$0x0] =	sbarrier.arrive $0xFFFF  }
0x48: {  	p0 =	sne.s32 s1, $0x0;
	_ =	strace $0x90000050  }
0x49: {  	s0 =	sadd.s32 @!p0 $0x100000, s0;
	[bflag:$0x2] =	sbarrier.arrive $0xFFFF  }
0x4a: {  	[sflag:s0] =	ssyncadd.tile.s32 @!p0 $0x1;
	_ =	shalt  }
.Lfunc_end2:
_tile_overlayer_lowered:
.L_overlay_start_2:
0x4b: {  	(tag) =	ssettag $0x2  }
0x4c: {  	s0 =	rddreg [dreg:$0x0];
	s2 =	stileid.u32  }
0x4d: {  	s1 =	rddreg [dreg:$0x1];
	p0 =	sne.s32 s2, $0x0  }
0x4e: {  	s3 =	rddreg [dreg:$0x2];
	[bflag:$0x3] =	sbarrier.arrive $0xFFFF;
	s2 =	simm.s32 @!p0 $0x1C02  }
0x4f: {  	[timem:s3], [sflag:s2] =	dma.local @!p0 [hbm:s0], s1  }
0x50: {  	s0 =	simm.s32 @!p0 $0x2  }
0x51: {  	_ =	swait.ge @!p0 [sflag:s0], s1  }
0x52: {  	s1 =	ssub.s32 @!p0 $0x0, s1;
	[sflag:s0] =	ssyncset.done @!p0 $0x0  }
0x53: {  	[sflag:s0] =	ssyncadd.s32 @!p0 s1  }
0x54: {  	[bflag:$0x3] =	sbarrier.arrive $0xFFFF  }
0x55: {  	_ =	shalt  }

// kernel: kernel.21.cloned.1.call-start
scs
__scs_entry_jumppad:
0x0: {  	(pc) =	sbr.rel $0x88, $3  }
0x1: {  	(tag) =	ssettag $0x0;
	lr =	simm.s32 $0x1  }
0x2: {  	[smem:$0x3FA0] =	sst lr;
	_ =	strace $0xD0000000  }
0x3: {  	_ = 	snop  }
0x4: {  	_ = 	snop  }
0x5: {  	_ = 	snop  }
0x6: {  	_ = 	snop  }
0x7: {  	_ = 	snop  }
__scs_overlays_trampoline_lowered:
0x8: {  	[smem:$0x3FAF] =	sst s0  }
0x9: {  	[smem:$0x3FB0] =	sst s1  }
0xa: {  	[smem:$0x3FB1] =	sst s2  }
0xb: {  	[smem:$0x3FB2] =	sst s3  }
0xc: {  	[smem:$0x3FB3] =	sst s4  }
0xd: {  	[smem:$0x3FB4] =	sst s5  }
0xe: {  	[smem:$0x3FB5] =	sst s6  }
0xf: {  	[smem:$0x3FB6] =	sst s7  }
0x10: {  	[smem:$0x3FB7] =	sst s8  }
0x11: {  	[smem:$0x3FB8] =	sst s9;
	s0 =	simm.s32 @!p0 $0x0  }
0x12: {  	s1 =	sld [smem:$0x3F9E];
	s0 =	simm.s32 @p0 $0x1  }
0x13: {  	[smem:$0x3FB9] =	sst s0;
	s0 =	simm.s32 @!p1 $0x0  }
0x14: {  	s2 =	sld [smem:$0x3F9D];
	s0 =	simm.s32 @p1 $0x1  }
0x15: {  	[smem:$0x3FBA] =	sst s0;
	s0 =	simm.s32 @!p2 $0x0  }
0x16: {  	s3 =	sld [smem:$0x3FDB];
	s0 =	simm.s32 @p2 $0x1  }
0x17: {  	s4 =	simm.s32 $0x1BF5;
	[smem:$0x3FBC] =	sst s0  }
0x18: {  	s0 =	sld [smem:$0x3F9F];
	_ =	swait.ge [sflag:s4], $0x0  }
0x19: {  	s7 =	sld [smem:$0x3FA0]  }
0x1a: {  	s8 =	sadd.s32 $0xFFFFE003, lr  }
0x1b: {  	s9 =	sadd.s32 $0xFFFFFEF7, lr;
	s5 =	simm.s32 $0xFFFFFFFF;
	p2 =	slt.u32 s8, $0xFFFFF086  }
0x1c: {  	p1 =	slt.u32 s9, $0xF7A;
	s5 =	simm.s32 @!p2 $0x0  }
0x1d: {  	s5 =	simm.s32 @p1 $0x1;
	p0 =	seq.s32 s7, s2  }
0x1e: {  	s7 =	smul.u32 @!p0 $0xF7A, s2;
	p2 =	seq.s32 @!p0 s5, $0x0  }
0x1f: {  	s9 =	smul.u32 $0xF7A, s1;
	s8 =	simm.s32 @!p0 $0x1BF5;
	p2 =	por !p2, p0  }
0x20: {  	[sflag:s8] =	ssyncset.s32 @!p0 $0xFFFFF086;
	s6 =	sadd.s32 @!p0 s3, s7;
	s7 =	simm.s32 @!p0 $0x108  }
0x21: {  	s3 =	sadd.s32 s3, s9;
	s6 =	sadd.s32 @!p0 $0x88, s6;
	s7 =	simm.s32 @p2 $0x1082  }
0x22: {  	[simem:s7], [sflag:s8] =	dma.local @!p0 [hbm:s6], $0xF7A  }
0x23: {  	s9 =	sor.u32 $0xD0000000, s2;
	s6 =	simm.s32 $0x108;
	_ =	swait.ge @!p0 [sflag:s8], $0x0  }
0x24: {  	s3 =	sadd.s32 $0x88, s3;
	s6 =	simm.s32 @!p1 $0x1082;
	[sflag:s4] =	ssyncset.s32 $0xFFFFF086  }
0x25: {  	[simem:s6], [sflag:s4] =	dma.local [hbm:s3], $0xF7A  }
0x26: {  	[smem:$0x3FA0] =	sst s1;
	(tag) =	ssettag s2;
	_ =	strace s9  }
0x27: {  	s1 =	sld [smem:$0x3FB0]  }
0x28: {  	s2 =	sld [smem:$0x3FB1]  }
0x29: {  	s4 =	sld [smem:$0x3FB3]  }
0x2a: {  	p0 =	seq.s32 s5, $0x0;
	s5 =	sld [smem:$0x3FB4]  }
0x2b: {  	s6 =	sld [smem:$0x3FB5]  }
0x2c: {  	s7 =	sld [smem:$0x3FB6]  }
0x2d: {  	s3 =	simm.s32 $0x108;
	s8 =	sld [smem:$0x3FB7]  }
0x2e: {  	s3 =	simm.s32 @!p0 $0x1082;
	s9 =	sld [smem:$0x3FB8]  }
0x2f: {  	lr =	sadd.s32 s0, s3;
	s0 =	sld [smem:$0x3FAF]  }
0x30: {  	s3 =	sld [smem:$0x3FB2]  }
0x31: {  	[smem:$0x3FBB] =	sst s10  }
0x32: {  	s10 =	sld [smem:$0x3FB9];
	_ =	sdelay $0x3  }
0x33: {  	p0 =	seq.s32 s10, $0x1;
	s10 =	sld [smem:$0x3FBB];
	_ =	sdelay $0x3  }
0x34: {  	[smem:$0x3FBB] =	sst s10  }
0x35: {  	s10 =	sld [smem:$0x3FBA];
	_ =	sdelay $0x3  }
0x36: {  	p1 =	seq.s32 s10, $0x1;
	s10 =	sld [smem:$0x3FBB];
	_ =	sdelay $0x3  }
0x37: {  	[smem:$0x3FBB] =	sst s10  }
0x38: {  	s10 =	sld [smem:$0x3FBC]  }
0x39: {  	_ = 	snop;
	(pc) =	sbr.ind lr, $3  }
0x3a: {  	_ = 	snop  }
0x3b: {  	_ = 	snop  }
0x3c: {  	p2 =	seq.s32 s10, $0x1;
	s10 =	sld [smem:$0x3FBB]  }
0x3d: {  	_ =	shalt  }
0x3e: {  	_ =	shalt  }
0x3f: {  	_ =	shalt  }
0x40: {  	_ =	shalt  }
0x41: {  	_ =	shalt  }
0x42: {  	_ =	shalt  }
0x43: {  	_ =	shalt  }
0x44: {  	_ =	shalt  }
0x45: {  	_ =	shalt  }
0x46: {  	_ =	shalt  }
0x47: {  	_ =	shalt  }
0x48: {  	_ =	shalt  }
0x49: {  	_ =	shalt  }
0x4a: {  	_ =	shalt  }
0x4b: {  	_ =	shalt  }
0x4c: {  	_ =	shalt  }
0x4d: {  	_ =	shalt  }
0x4e: {  	_ =	shalt  }
0x4f: {  	_ =	shalt  }
0x50: {  	_ =	shalt  }
0x51: {  	_ =	shalt  }
0x52: {  	_ =	shalt  }
0x53: {  	_ =	shalt  }
0x54: {  	_ =	shalt  }
0x55: {  	_ =	shalt  }
0x56: {  	_ =	shalt  }
0x57: {  	_ =	shalt  }
0x58: {  	_ =	shalt  }
0x59: {  	_ =	shalt  }
0x5a: {  	_ =	shalt  }
0x5b: {  	_ =	shalt  }
0x5c: {  	_ =	shalt  }
0x5d: {  	_ =	shalt  }
0x5e: {  	_ =	shalt  }
0x5f: {  	_ =	shalt  }
0x60: {  	_ =	shalt  }
0x61: {  	_ =	shalt  }
0x62: {  	_ =	shalt  }
0x63: {  	_ =	shalt  }
0x64: {  	_ =	shalt  }
0x65: {  	_ =	shalt  }
0x66: {  	_ =	shalt  }
0x67: {  	_ =	shalt  }
0x68: {  	_ =	shalt  }
0x69: {  	_ =	shalt  }
0x6a: {  	_ =	shalt  }
0x6b: {  	_ =	shalt  }
0x6c: {  	_ =	shalt  }
0x6d: {  	_ =	shalt  }
0x6e: {  	_ =	shalt  }
0x6f: {  	_ =	shalt  }
0x70: {  	_ =	shalt  }
0x71: {  	_ =	shalt  }
0x72: {  	_ =	shalt  }
0x73: {  	_ =	shalt  }
0x74: {  	_ =	shalt  }
0x75: {  	_ =	shalt  }
0x76: {  	_ =	shalt  }
0x77: {  	_ =	shalt  }
0x78: {  	_ =	shalt  }
0x79: {  	_ =	shalt  }
0x7a: {  	_ =	shalt  }
0x7b: {  	_ =	shalt  }
0x7c: {  	_ =	shalt  }
0x7d: {  	_ =	shalt  }
0x7e: {  	_ =	shalt  }
0x7f: {  	_ =	shalt  }
0x80: {  	_ =	shalt  }
0x81: {  	_ =	shalt  }
0x82: {  	_ =	shalt  }
0x83: {  	_ =	shalt  }
0x84: {  	_ =	shalt  }
0x85: {  	_ =	shalt  }
0x86: {  	_ =	shalt  }
0x87: {  	_ =	shalt  }
.Lfunc_end0:
.L_simem_size_0:
called_computation.4_lowered:
.L_overlay_start_0:
0x88: {  	s2 =	sld [smem:$0x3FD9]  }
0x89: {  	s3 =	sld [smem:$0x3FFE];
	_ =	sdelay $0x1  }
0x8a: {  	s1 =	srdreg.scid  }
0x8b: {  	s0 =	sand.u32 $0x1, s1  }
0x8c: {  	s14 =	sshll.u32 s0, $0xA;
	s2 =	sadd.s32 s3, s2  }
0x8d: {  	s2 =	sadd.s32 s2, s14  }
0x8e: {  	[smem:$0x3FC7] =	sst s2  }
0x8f: {  	_ = 	snop  }
0x90: {  	s2 =	sld [smem:$0x3FD0];
	_ =	sdelay $0x2  }
0x91: {  	s15 =	simm.s32 $0xA;
	s4 =	simm.s32 $0x10  }
0x92: {  	[smem:s4], [sflag:s15] =	dma.local [hbm:s2], $0x1  }
0x93: {  	_ =	swait.eq [sflag:s15], $0x1  }
0x94: {  	[sflag:s15] =	ssyncset.done $0x0  }
0x95: {  	[sflag:s15] =	ssyncadd.s32 $0xFFFFFFFF  }
0x96: {  	s16 =	sld [smem:$0x10];
	(tm) =	ssettm $0x1  }
0x97: {  	s17 =	sld [smem:$0x3FFB];
	_ =	sdelay $0x3  }
0x98: {  	_ =	strace s17  }
0x99: {  	s3 =	sld [smem:$0x3FFC];
	_ =	sdelay $0x3  }
0x9a: {  	_ =	strace s3  }
0x9b: {  	s3 =	sld [smem:$0x3FFD];
	_ =	sdelay $0x3  }
0x9c: {  	_ =	strace s3  }
0x9d: {  	_ =	strace $0x8FFFFFFF  }
0x9e: {  	s18 =	sld [smem:$0x3FDB];
	_ =	sdelay $0x1  }
0x9f: {  	s19 =	simm.s32 $_scs_section_size  }
0xa0: {  	s5 =	simm.s32 $_size__tile_overlayer_lowered;
	s6 =	simm.s32 $_tile_overlayer_lowered  }
0xa1: {  	s22 =	simm.s32 $0x1BFF;
	s21 =	sshll.u32 s6, $0x1;
	s3 =	sadd.s32 s19, s18  }
0xa2: {  	s7 =	simm.s32 $0x0;
	s20 =	sshll.u32 s5, $0x1;
	s5 =	sadd.s32 s21, s3  }
0xa3: {  	[timem:s7], [sflag:s22] =	dma.local [hbm:s5], s20  }
0xa4: {  	_ =	swait.ge [sflag:s22], s20  }
0xa5: {  	s4 =	ssub.s32 $0x0, s20;
	[sflag:s22] =	ssyncset.done $0x0  }
0xa6: {  	[sflag:s22] =	ssyncadd.s32 s4;
	_ =	sdelay $0x1  }
0xa7: {  	s23 =	simm.s32 $0x1B8B  }
0xa8: {  	_ =	swait.ge [sflag:s23], $0x1  }
0xa9: {  	[sflag:s23] =	ssyncset.done $0x0  }
0xaa: {  	s25 =	simm.s32 $0x1B8E;
	s24 =	sld [smem:$0x3FFE];
	[sflag:s23] =	ssyncadd.s32 $0xFFFFFFFF  }
0xab: {  	s26 =	simm.s32 $execute0_lowered;
	[smem:$0x3FD2] =	sst s25  }
0xac: {  	s5 =	sshll.u32 s26, $0x1;
	_ =	strace $0x80000052;
	[dreg:$0x1] =	wrdreg $0xFFFFFFFF  }
0xad: {  	s28 =	simm.s32 $_size_execute0_lowered;
	s3 =	sadd.s32 s3, s5;
	[dreg:$0x0] =	wrdreg $0x0  }
0xae: {  	s5 =	sshll.u32 s28, $0x1;
	[dreg:$0x2] =	wrdreg s3  }
0xaf: {  	[dreg:$0x3] =	wrdreg s5  }
0xb0: {  	[dreg:$0x4] =	wrdreg $0xC0  }
0xb1: {  	_ =	task [dreg:s7], $0x5FFFF  }
0xb2: {  	[dreg:$0x1] =	wrdreg $0xFFFFFFFF  }
0xb3: {  	[dreg:$0x0] =	wrdreg $0x60  }
0xb4: {  	[dreg:$0x2] =	wrdreg s16  }
0xb5: {  	[dreg:$0x3] =	wrdreg s24  }
0xb6: {  	[dreg:$0x4] =	wrdreg $0x9  }
0xb7: {  	_ =	task.clear_ibuf [dreg:s7], $0x5FFFF;
	_ =	strace $0x90000052  }
0xb8: {  	s29 =	simm.s32 $0x9;
	_ =	strace $0x80000054  }
0xb9: {  	_ =	swait.ge [sflag:s29], $0x1  }
0xba: {  	[sflag:s29] =	ssyncadd.s32 $0xFFFFFFFF  }
0xbb: {  	_ =	strace $0x90000054  }
0xbc: {  	_ =	sfence  }
0xbd: {  	s30 =	sld [smem:$0x0];
	_ =	sdelay $0x2  }
0xbe: {  	s31 =	sshll.u32 s1, $0xD;
	s1 =	sshrl.u32 s1, $0x2  }
0xbf: {  	s3 =	sand.u32 $0x4000, s31;
	s1 =	sadd.s32 s1, s30  }
0xc0: {  	s0 =	sor.u32 s3, s0;
	s1 =	sshll.u32 s1, $0x11  }
0xc1: {  	s0 =	sor.u32 s1, s0  }
0xc2: {  	s0 =	sadd.s32 $0x8F2B, s0  }
0xc3: {  	[sflag:s0] =	ssyncadd.remote.s32 $0x1  }
0xc4: {  	_ =	sfence.sel $0xFFFF  }
0xc5: {  	[dreg:$0x0] =	wrdreg $0xFFFFFFFF;
	(pc) =	sbr.abs _section_cstart, $3  }
0xc6: {  	[dreg:$0x1] =	wrdreg $0xFFFFFFFF  }
0xc7: {  	_ =	task.clear_ibuf [dreg:s7], $0x2FFFF;
	_ =	strace $0x9FFFFFFF  }
0xc8: {  	(tm) =	ssettm $0x7FFFFFFF  }
0xc9: {  	_ =	shalt  }
tec
execute0_lowered:
.L_overlay_start_1:
0x0: {  	(tag) =	ssettag $0x1  }
0x1: {  	s0 =	srdreg.scid  }
0x2: {  	s4 =	sand.u32 $0x1, s0;
	s0 =	stileid.u32  }
0x3: {  	s5 =	sshll.u32 s0, $0x1;
	s6 =	ssub.s32 $0x0, s4  }
0x4: {  	p0 =	sne.s32 s5, s6  }
.Ltmp0:
0x5: {  	_ = 	snop;
	(pc) =	sbr.rel @p0 .LBB2_5-.Ltmp0, $4  }
0x6: {  	_ = 	snop  }
0x7: {  	s2 =	rddreg [dreg:$0x0]  }
0x8: {  	s3 =	rddreg [dreg:$0x1]  }
0x9: {  	s1 =	rddreg [dreg:$0x2];
	_ =	strace $0x80000053  }
0xa: {  	s4 =	ssub.s32 $0x2, s4;
	v0 =	vlaneseq.u32  }
0xb: {  	s5 =	sshrl.u32 s4, $0x1;
	v0 =	vmul.u32 $0x810, v0  }
0xc: {  	s3 =	sadd.s32 $0x301C00, s3;
	s6 =	simm.s32 $0x1;
	s4 =	ssub.s32 s4, s5  }
0xd: {  	s7 =	simm.s32 $0x0;
	s5 =	simm.s32 $0x0;
	s4 =	smax.u32 s4, $0x1;
	v1 =	vadd.s32 $0x8100, v0  }
.LBB2_2:
0xe: {  	v3 =	vadd.s32 s5, v0  }
0xf: {  	[tilespmem:s5], [sflag:$0x1] =	stream.linear.gather [hbm4b:s2+s5], $0x10200, $0x38;
	v2 =	vadd.s32 s5, v1;
	[tilespmem:$0x10200] =	vst v63  }
0x10: {  	_ =	swait.ge [sflag:s6], $0x10200  }
0x11: {  	[sflag:s6] =	ssyncset.done $0x0  }
0x12: {  	[sflag:s6] =	ssyncadd.s32 $0xFFFEFE00  }
0x13: {  	v4 =	vld.idx.msk [tilespmem:v3+s5+$0x0], $0xffff  }
0x14: {  	v5 =	vld.idx.msk [tilespmem:v2+s5+$0x0], $0xffff;
	_ =	sdelay $0x3  }
0x15: {  	(xrf0) =	vadd.scan.msk.s32 $0xffff, v4  }
0x16: {  	(xrf0) =	vadd.scan.msk.s32 $0xffff, v5;
	_ =	sdelay $0x4  }
0x17: {  	v6, _, _ =	vpop (xrf0)  }
0x18: {  	(v2sf) =	vpush v6, $0xF;
	v7, _, _ =	vpop (xrf0)  }
0x19: {  	(v2sf) =	vpush v7, $0xF;
	_ =	sdelay $0xa  }
0x1a: {  	v4 =	vsub.s32 s5, v4  }
0x1b: {  	s9 =	simm.s32 $0x1;
	v4 =	vadd.s32 v6, v4  }
0x1c: {  	[tilespmem:v3+s5+$0x0] =	vst.idx.msk $0xffff, v4;
	v3 =	vadd.s32 s9, v0  }
0x1d: {  	s8 =	spop (v2sf)  }
0x1e: {  	v5 =	vsub.s32 v7, v5;
	s8 =	sadd.s32 $0x0, s8;
	s10 =	spop (v2sf)  }
0x1f: {  	v4 =	vadd.s32 s9, v1;
	s9 =	simm.s32 $0x2;
	v5 =	vadd.s32 s8, v5;
	s8 =	sadd.s32 s10, s8  }
.LBB2_3:
0x20: {  	p0 =	sne.s32 s9, $0x80F;
	[tilespmem:v2+s5+$0x0] =	vst.idx.msk $0xffff, v5;
	v2 =	vmov v4;
	s10 =	smov.u32 s9;
	s9 =	sadd.s32 $0x1, s9  }
0x21: {  	v5 =	vld.idx.msk [tilespmem:v3+s5+$0x0], $0xffff  }
0x22: {  	v4 =	vld.idx.msk [tilespmem:v4+s5+$0x0], $0xffff;
	_ =	sdelay $0x4  }
0x23: {  	(xrf0) =	vadd.scan.msk.s32 $0xffff, v5  }
0x24: {  	(xrf0) =	vadd.scan.msk.s32 $0xffff, v4;
	_ =	sdelay $0x4  }
0x25: {  	v5 =	vsub.s32 s8, v5;
	v6, _, _ =	vpop (xrf0)  }
0x26: {  	v5 =	vadd.s32 v6, v5;
	(v2sf) =	vpush v6, $0xF;
	v6, _, _ =	vpop (xrf0)  }
0x27: {  	v7 =	vsub.s32 v6, v4;
	[tilespmem:v3+s5+$0x0] =	vst.idx.msk $0xffff, v5;
	(v2sf) =	vpush v6, $0xF;
	_ =	sdelay $0xb  }
.Ltmp1:
0x28: {  	(pc) =	sbr.rel @p0 .LBB2_3-.Ltmp1, $4  }
0x29: {  	v3 =	vadd.s32 s10, v0  }
0x2a: {  	v4 =	vadd.s32 s10, v1;
	s10 =	spop (v2sf)  }
0x2b: {  	s8 =	sadd.s32 s8, s10;
	s10 =	spop (v2sf)  }
0x2c: {  	v5 =	vadd.s32 s8, v7;
	s8 =	sadd.s32 s10, s8  }
0x2d: {  	_ =	sdelay $0x3  }
0x2e: {  	[tilespmem:v2+s5+$0x0] =	vst.idx.msk $0xffff, v5  }
0x2f: {  	v2 =	vld.idx.msk [tilespmem:v3+s5+$0x0], $0xffff;
	_ =	sdelay $0x2  }
0x30: {  	v5 =	vld.idx.msk [tilespmem:v4+s5+$0x0], $0xffff;
	_ =	sdelay $0x1  }
0x31: {  	(xrf0) =	vadd.scan.msk.s32 $0xffff, v2;
	_ =	sdelay $0x2  }
0x32: {  	(xrf0) =	vadd.scan.msk.s32 $0xffff, v5;
	_ =	sdelay $0x2  }
0x33: {  	v6, _, _ =	vpop (xrf0)  }
0x34: {  	(v2sf) =	vpush v6, $0xF;
	_ =	sdelay $0x1  }
0x35: {  	v7, _, _ =	vpop (xrf0)  }
0x36: {  	(v2sf) =	vpush v7, $0xF;
	_ =	sdelay $0xb  }
0x37: {  	v2 =	vsub.s32 s8, v2;
	s9 =	spop (v2sf)  }
0x38: {  	s7 =	sadd.s32 $0x1, s7;
	v2 =	vadd.s32 v6, v2;
	v5 =	vsub.s32 v7, v5;
	s30 =	sadd.s32 s8, s9  }
0x39: {  	p0 =	sne.s32 s7, s4;
	[tilespmem:v3+s5+$0x0] =	vst.idx.msk $0xffff, v2;
	v2 =	vadd.s32 s30, v5  }
.Ltmp2:
0x3a: {  	s31 =	spop (v2sf);
	[tilespmem:v4+s5+$0x0] =	vst.idx.msk $0xffff, v2;
	(pc) =	sbr.rel @p0 .LBB2_2-.Ltmp2, $4  }
0x3b: {  	[hbm4b:s3+s5] =	stream.linear.scatter [tilespmem:s5], [sflag:$0x1], $0x10200, $0x38;
	[tilespmem:$0x10200] =	vst v63  }
0x3c: {  	_ =	swait.ge [sflag:s6], $0x10200  }
0x3d: {  	[sflag:s6] =	ssyncset.done $0x0  }
0x3e: {  	[sflag:s6] =	ssyncadd.s32 $0xFFFEFE00  }
.LBB2_5:
0x3f: {  	_ =	sfence.sel $0x180000  }
0x40: {  	[bflag:$0x0] =	sbarrier.arrive $0xFFFF  }
0x41: {  	p0 =	sne.s32 s0, $0x0;
	_ =	strace $0x90000053  }
0x42: {  	s0 =	sadd.s32 @!p0 $0x100000, s1;
	[bflag:$0x2] =	sbarrier.arrive $0xFFFF  }
0x43: {  	[sflag:s0] =	ssyncadd.tile.s32 @!p0 $0x1;
	_ =	shalt  }
.Lfunc_end2:
_tile_overlayer_lowered:
.L_overlay_start_2:
0x44: {  	(tag) =	ssettag $0x2  }
0x45: {  	s0 =	rddreg [dreg:$0x0];
	s2 =	stileid.u32  }
0x46: {  	s1 =	rddreg [dreg:$0x1];
	p0 =	sne.s32 s2, $0x0  }
0x47: {  	s3 =	rddreg [dreg:$0x2];
	[bflag:$0x3] =	sbarrier.arrive $0xFFFF;
	s2 =	simm.s32 @!p0 $0x1C01  }
0x48: {  	[timem:s3], [sflag:s2] =	dma.local @!p0 [hbm:s0], s1  }
0x49: {  	s0 =	simm.s32 @!p0 $0x1  }
0x4a: {  	_ =	swait.ge @!p0 [sflag:s0], s1  }
0x4b: {  	s1 =	ssub.s32 @!p0 $0x0, s1;
	[sflag:s0] =	ssyncset.done @!p0 $0x0  }
0x4c: {  	[sflag:s0] =	ssyncadd.s32 @!p0 s1  }
0x4d: {  	[bflag:$0x3] =	sbarrier.arrive $0xFFFF  }
0x4e: {  	_ =	shalt  }

// kernel: kernel.24.cloned.1.call-start
scs
__scs_entry_jumppad:
0x0: {  	(pc) =	sbr.rel $0x88, $3  }
0x1: {  	(tag) =	ssettag $0x0;
	lr =	simm.s32 $0x1  }
0x2: {  	[smem:$0x3FA0] =	sst lr;
	_ =	strace $0xD0000000  }
0x3: {  	_ = 	snop  }
0x4: {  	_ = 	snop  }
0x5: {  	_ = 	snop  }
0x6: {  	_ = 	snop  }
0x7: {  	_ = 	snop  }
__scs_overlays_trampoline_lowered:
0x8: {  	[smem:$0x3FAF] =	sst s0  }
0x9: {  	[smem:$0x3FB0] =	sst s1  }
0xa: {  	[smem:$0x3FB1] =	sst s2  }
0xb: {  	[smem:$0x3FB2] =	sst s3  }
0xc: {  	[smem:$0x3FB3] =	sst s4  }
0xd: {  	[smem:$0x3FB4] =	sst s5  }
0xe: {  	[smem:$0x3FB5] =	sst s6  }
0xf: {  	[smem:$0x3FB6] =	sst s7  }
0x10: {  	[smem:$0x3FB7] =	sst s8  }
0x11: {  	[smem:$0x3FB8] =	sst s9;
	s0 =	simm.s32 @!p0 $0x0  }
0x12: {  	s1 =	sld [smem:$0x3F9E];
	s0 =	simm.s32 @p0 $0x1  }
0x13: {  	[smem:$0x3FB9] =	sst s0;
	s0 =	simm.s32 @!p1 $0x0  }
0x14: {  	s2 =	sld [smem:$0x3F9D];
	s0 =	simm.s32 @p1 $0x1  }
0x15: {  	[smem:$0x3FBA] =	sst s0;
	s0 =	simm.s32 @!p2 $0x0  }
0x16: {  	s3 =	sld [smem:$0x3FDB];
	s0 =	simm.s32 @p2 $0x1  }
0x17: {  	s4 =	simm.s32 $0x1BF5;
	[smem:$0x3FBC] =	sst s0  }
0x18: {  	s0 =	sld [smem:$0x3F9F];
	_ =	swait.ge [sflag:s4], $0x0  }
0x19: {  	s7 =	sld [smem:$0x3FA0]  }
0x1a: {  	s8 =	sadd.s32 $0xFFFFE003, lr  }
0x1b: {  	s9 =	sadd.s32 $0xFFFFFEF7, lr;
	s5 =	simm.s32 $0xFFFFFFFF;
	p2 =	slt.u32 s8, $0xFFFFF086  }
0x1c: {  	p1 =	slt.u32 s9, $0xF7A;
	s5 =	simm.s32 @!p2 $0x0  }
0x1d: {  	s5 =	simm.s32 @p1 $0x1;
	p0 =	seq.s32 s7, s2  }
0x1e: {  	s7 =	smul.u32 @!p0 $0xF7A, s2;
	p2 =	seq.s32 @!p0 s5, $0x0  }
0x1f: {  	s9 =	smul.u32 $0xF7A, s1;
	s8 =	simm.s32 @!p0 $0x1BF5;
	p2 =	por !p2, p0  }
0x20: {  	[sflag:s8] =	ssyncset.s32 @!p0 $0xFFFFF086;
	s6 =	sadd.s32 @!p0 s3, s7;
	s7 =	simm.s32 @!p0 $0x108  }
0x21: {  	s3 =	sadd.s32 s3, s9;
	s6 =	sadd.s32 @!p0 $0x88, s6;
	s7 =	simm.s32 @p2 $0x1082  }
0x22: {  	[simem:s7], [sflag:s8] =	dma.local @!p0 [hbm:s6], $0xF7A  }
0x23: {  	s9 =	sor.u32 $0xD0000000, s2;
	s6 =	simm.s32 $0x108;
	_ =	swait.ge @!p0 [sflag:s8], $0x0  }
0x24: {  	s3 =	sadd.s32 $0x88, s3;
	s6 =	simm.s32 @!p1 $0x1082;
	[sflag:s4] =	ssyncset.s32 $0xFFFFF086  }
0x25: {  	[simem:s6], [sflag:s4] =	dma.local [hbm:s3], $0xF7A  }
0x26: {  	[smem:$0x3FA0] =	sst s1;
	(tag) =	ssettag s2;
	_ =	strace s9  }
0x27: {  	s1 =	sld [smem:$0x3FB0]  }
0x28: {  	s2 =	sld [smem:$0x3FB1]  }
0x29: {  	s4 =	sld [smem:$0x3FB3]  }
0x2a: {  	p0 =	seq.s32 s5, $0x0;
	s5 =	sld [smem:$0x3FB4]  }
0x2b: {  	s6 =	sld [smem:$0x3FB5]  }
0x2c: {  	s7 =	sld [smem:$0x3FB6]  }
0x2d: {  	s3 =	simm.s32 $0x108;
	s8 =	sld [smem:$0x3FB7]  }
0x2e: {  	s3 =	simm.s32 @!p0 $0x1082;
	s9 =	sld [smem:$0x3FB8]  }
0x2f: {  	lr =	sadd.s32 s0, s3;
	s0 =	sld [smem:$0x3FAF]  }
0x30: {  	s3 =	sld [smem:$0x3FB2]  }
0x31: {  	[smem:$0x3FBB] =	sst s10  }
0x32: {  	s10 =	sld [smem:$0x3FB9];
	_ =	sdelay $0x3  }
0x33: {  	p0 =	seq.s32 s10, $0x1;
	s10 =	sld [smem:$0x3FBB];
	_ =	sdelay $0x3  }
0x34: {  	[smem:$0x3FBB] =	sst s10  }
0x35: {  	s10 =	sld [smem:$0x3FBA];
	_ =	sdelay $0x3  }
0x36: {  	p1 =	seq.s32 s10, $0x1;
	s10 =	sld [smem:$0x3FBB];
	_ =	sdelay $0x3  }
0x37: {  	[smem:$0x3FBB] =	sst s10  }
0x38: {  	s10 =	sld [smem:$0x3FBC]  }
0x39: {  	_ = 	snop;
	(pc) =	sbr.ind lr, $3  }
0x3a: {  	_ = 	snop  }
0x3b: {  	_ = 	snop  }
0x3c: {  	p2 =	seq.s32 s10, $0x1;
	s10 =	sld [smem:$0x3FBB]  }
0x3d: {  	_ =	shalt  }
0x3e: {  	_ =	shalt  }
0x3f: {  	_ =	shalt  }
0x40: {  	_ =	shalt  }
0x41: {  	_ =	shalt  }
0x42: {  	_ =	shalt  }
0x43: {  	_ =	shalt  }
0x44: {  	_ =	shalt  }
0x45: {  	_ =	shalt  }
0x46: {  	_ =	shalt  }
0x47: {  	_ =	shalt  }
0x48: {  	_ =	shalt  }
0x49: {  	_ =	shalt  }
0x4a: {  	_ =	shalt  }
0x4b: {  	_ =	shalt  }
0x4c: {  	_ =	shalt  }
0x4d: {  	_ =	shalt  }
0x4e: {  	_ =	shalt  }
0x4f: {  	_ =	shalt  }
0x50: {  	_ =	shalt  }
0x51: {  	_ =	shalt  }
0x52: {  	_ =	shalt  }
0x53: {  	_ =	shalt  }
0x54: {  	_ =	shalt  }
0x55: {  	_ =	shalt  }
0x56: {  	_ =	shalt  }
0x57: {  	_ =	shalt  }
0x58: {  	_ =	shalt  }
0x59: {  	_ =	shalt  }
0x5a: {  	_ =	shalt  }
0x5b: {  	_ =	shalt  }
0x5c: {  	_ =	shalt  }
0x5d: {  	_ =	shalt  }
0x5e: {  	_ =	shalt  }
0x5f: {  	_ =	shalt  }
0x60: {  	_ =	shalt  }
0x61: {  	_ =	shalt  }
0x62: {  	_ =	shalt  }
0x63: {  	_ =	shalt  }
0x64: {  	_ =	shalt  }
0x65: {  	_ =	shalt  }
0x66: {  	_ =	shalt  }
0x67: {  	_ =	shalt  }
0x68: {  	_ =	shalt  }
0x69: {  	_ =	shalt  }
0x6a: {  	_ =	shalt  }
0x6b: {  	_ =	shalt  }
0x6c: {  	_ =	shalt  }
0x6d: {  	_ =	shalt  }
0x6e: {  	_ =	shalt  }
0x6f: {  	_ =	shalt  }
0x70: {  	_ =	shalt  }
0x71: {  	_ =	shalt  }
0x72: {  	_ =	shalt  }
0x73: {  	_ =	shalt  }
0x74: {  	_ =	shalt  }
0x75: {  	_ =	shalt  }
0x76: {  	_ =	shalt  }
0x77: {  	_ =	shalt  }
0x78: {  	_ =	shalt  }
0x79: {  	_ =	shalt  }
0x7a: {  	_ =	shalt  }
0x7b: {  	_ =	shalt  }
0x7c: {  	_ =	shalt  }
0x7d: {  	_ =	shalt  }
0x7e: {  	_ =	shalt  }
0x7f: {  	_ =	shalt  }
0x80: {  	_ =	shalt  }
0x81: {  	_ =	shalt  }
0x82: {  	_ =	shalt  }
0x83: {  	_ =	shalt  }
0x84: {  	_ =	shalt  }
0x85: {  	_ =	shalt  }
0x86: {  	_ =	shalt  }
0x87: {  	_ =	shalt  }
.Lfunc_end0:
.L_simem_size_0:
called_computation.5_lowered:
.L_overlay_start_0:
0x88: {  	s2 =	sld [smem:$0x3FD9]  }
0x89: {  	s3 =	sld [smem:$0x3FFE];
	_ =	sdelay $0x1  }
0x8a: {  	s1 =	srdreg.scid  }
0x8b: {  	s0 =	sand.u32 $0x1, s1  }
0x8c: {  	s14 =	sshll.u32 s0, $0xA;
	s2 =	sadd.s32 s3, s2  }
0x8d: {  	s2 =	sadd.s32 s2, s14  }
0x8e: {  	[smem:$0x3FC7] =	sst s2  }
0x8f: {  	_ = 	snop  }
0x90: {  	s2 =	sld [smem:$0x3FD0];
	_ =	sdelay $0x2  }
0x91: {  	s15 =	simm.s32 $0xA;
	s4 =	simm.s32 $0x10  }
0x92: {  	[smem:s4], [sflag:s15] =	dma.local [hbm:s2], $0x1  }
0x93: {  	_ =	swait.eq [sflag:s15], $0x1  }
0x94: {  	[sflag:s15] =	ssyncset.done $0x0  }
0x95: {  	[sflag:s15] =	ssyncadd.s32 $0xFFFFFFFF  }
0x96: {  	s16 =	sld [smem:$0x11];
	(tm) =	ssettm $0x1  }
0x97: {  	s17 =	sld [smem:$0x3FFB];
	_ =	sdelay $0x3  }
0x98: {  	_ =	strace s17  }
0x99: {  	s3 =	sld [smem:$0x3FFC];
	_ =	sdelay $0x3  }
0x9a: {  	_ =	strace s3  }
0x9b: {  	s3 =	sld [smem:$0x3FFD];
	_ =	sdelay $0x3  }
0x9c: {  	_ =	strace s3  }
0x9d: {  	_ =	strace $0x8FFFFFFF  }
0x9e: {  	s18 =	sld [smem:$0x3FDB];
	_ =	sdelay $0x1  }
0x9f: {  	s19 =	simm.s32 $_scs_section_size  }
0xa0: {  	s5 =	simm.s32 $_size__tile_overlayer_lowered;
	s6 =	simm.s32 $_tile_overlayer_lowered  }
0xa1: {  	s22 =	simm.s32 $0x1BFF;
	s21 =	sshll.u32 s6, $0x1;
	s3 =	sadd.s32 s19, s18  }
0xa2: {  	s7 =	simm.s32 $0x0;
	s20 =	sshll.u32 s5, $0x1;
	s5 =	sadd.s32 s21, s3  }
0xa3: {  	[timem:s7], [sflag:s22] =	dma.local [hbm:s5], s20  }
0xa4: {  	_ =	swait.ge [sflag:s22], s20  }
0xa5: {  	s4 =	ssub.s32 $0x0, s20;
	[sflag:s22] =	ssyncset.done $0x0  }
0xa6: {  	[sflag:s22] =	ssyncadd.s32 s4;
	_ =	sdelay $0x1  }
0xa7: {  	s23 =	simm.s32 $0x1B8B  }
0xa8: {  	_ =	swait.ge [sflag:s23], $0x1  }
0xa9: {  	[sflag:s23] =	ssyncset.done $0x0  }
0xaa: {  	s25 =	simm.s32 $0x1B8E;
	s24 =	sld [smem:$0x3FFE];
	[sflag:s23] =	ssyncadd.s32 $0xFFFFFFFF  }
0xab: {  	s26 =	simm.s32 $execute0_lowered;
	[smem:$0x3FD2] =	sst s25  }
0xac: {  	s5 =	sshll.u32 s26, $0x1;
	_ =	strace $0x80000055;
	[dreg:$0x1] =	wrdreg $0xFFFFFFFF  }
0xad: {  	s28 =	simm.s32 $_size_execute0_lowered;
	s3 =	sadd.s32 s3, s5;
	[dreg:$0x0] =	wrdreg $0x0  }
0xae: {  	s5 =	sshll.u32 s28, $0x1;
	[dreg:$0x2] =	wrdreg s3  }
0xaf: {  	[dreg:$0x3] =	wrdreg s5  }
0xb0: {  	[dreg:$0x4] =	wrdreg $0xC0  }
0xb1: {  	_ =	task [dreg:s7], $0x5FFFF  }
0xb2: {  	[dreg:$0x1] =	wrdreg $0xFFFFFFFF  }
0xb3: {  	[dreg:$0x0] =	wrdreg $0x60  }
0xb4: {  	[dreg:$0x2] =	wrdreg s24  }
0xb5: {  	[dreg:$0x3] =	wrdreg s16  }
0xb6: {  	[dreg:$0x4] =	wrdreg $0x9  }
0xb7: {  	_ =	task.clear_ibuf [dreg:s7], $0x5FFFF;
	_ =	strace $0x90000055  }
0xb8: {  	s29 =	simm.s32 $0x9;
	_ =	strace $0x80000057  }
0xb9: {  	_ =	swait.ge [sflag:s29], $0x1  }
0xba: {  	[sflag:s29] =	ssyncadd.s32 $0xFFFFFFFF  }
0xbb: {  	_ =	strace $0x90000057  }
0xbc: {  	_ =	sfence  }
0xbd: {  	s30 =	sld [smem:$0x0];
	_ =	sdelay $0x2  }
0xbe: {  	s31 =	sshll.u32 s1, $0xD;
	s1 =	sshrl.u32 s1, $0x2  }
0xbf: {  	s3 =	sand.u32 $0x4000, s31;
	s1 =	sadd.s32 s1, s30  }
0xc0: {  	s0 =	sor.u32 s3, s0;
	s1 =	sshll.u32 s1, $0x11  }
0xc1: {  	s0 =	sor.u32 s1, s0  }
0xc2: {  	s0 =	sadd.s32 $0x8F2B, s0  }
0xc3: {  	[sflag:s0] =	ssyncadd.remote.s32 $0x1  }
0xc4: {  	_ =	sfence.sel $0xFFFF  }
0xc5: {  	[dreg:$0x0] =	wrdreg $0xFFFFFFFF;
	(pc) =	sbr.abs _section_cstart, $3  }
0xc6: {  	[dreg:$0x1] =	wrdreg $0xFFFFFFFF  }
0xc7: {  	_ =	task.clear_ibuf [dreg:s7], $0x2FFFF;
	_ =	strace $0x9FFFFFFF  }
0xc8: {  	(tm) =	ssettm $0x7FFFFFFF  }
0xc9: {  	_ =	shalt  }
tec
execute0_lowered:
.L_overlay_start_1:
0x0: {  	(tag) =	ssettag $0x1  }
0x1: {  	s0 =	rddreg [dreg:$0x0]  }
0x2: {  	s1 =	rddreg [dreg:$0x1];
	s2 =	simm.s32 $0x0;
	s3 =	srdreg.scid  }
0x3: {  	s10 =	stileid.u32;
	s13 =	simm.s32 $0x80;
	s14 =	simm.s32 $0x400  }
0x4: {  	s15 =	simm.s32 $0x2000;
	s16 =	simm.s32 $0x6;
	s17 =	simm.s32 $0x2880  }
0x5: {  	s18 =	simm.s32 $0x5;
	s19 =	simm.s32 $0xA880;
	s20 =	simm.s32 $0x4880  }
0x6: {  	s21 =	simm.s32 $0xC880;
	s22 =	simm.s32 $0x6880;
	s29 =	simm.s32 $0x3  }
0x7: {  	s30 =	simm.s32 $0x4;
	[smem:$0x7FF] =	sst s2;
	s5 =	sand.u32 $0x1, s3  }
0x8: {  	s4 =	sshll.u32 s10, $0x1;
	s3 =	sadd.s32 $0x1C00, s0;
	s7 =	sshrl.u32 s10, $0x2  }
0x9: {  	s10 =	smul.u32 $0x180000, s10;
	_ =	strace $0x80000056;
	s6 =	sor.u32 s5, s4  }
0xa: {  	s4 =	sadd.s32 $0xE01C00, s0;
	s9 =	ssub.s32 $0x2, s5;
	s23 =	smul.u32 $0xC0000, s5  }
0xb: {  	s7 =	smul.u32 $0x4400, s7;
	s5 =	sadd.s32 $0x301C00, s0;
	s11 =	sshrl.u32 s9, $0x1  }
0xc: {  	s8 =	sshll.u32 s6, $0x7;
	s24 =	ssub.s32 s9, s11;
	s25 =	sadd.s32 s23, s10  }
0xd: {  	s8 =	sand.u32 $0x380, s8;
	s0 =	smax.u32 s24, $0x1;
	[dreg:$0x4] =	wrdreg s25  }
0xe: {  	s23 =	simm.s32 $0xE880;
	s26 =	sor.u32 $0x2000, s25;
	[dreg:$0x5] =	wrdreg s0  }
0xf: {  	s7 =	sor.u32 s7, s8;
	s28 =	sor.u32 $0x4000, s25;
	[dreg:$0x6] =	wrdreg s26  }
0x10: {  	s31 =	sor.u32 $0x6000, s25;
	s7 =	sshrl.u32 s7, $0x3;
	[dreg:$0x7] =	wrdreg s28  }
0x11: {  	s24 =	simm.s32 $0x8880;
	[dreg:$0x8] =	wrdreg s31;
	s1 =	sadd.s32 s1, s7  }
0x12: {  	v0 =	vlaneseq.u32;
	s25 =	simm.s32 $0x10880;
	s7 =	smul.u32 $0xC0000, s6;
	[dreg:$0x3] =	wrdreg s1  }
.LBB2_1:
0x13: {  	s0 =	rddreg [dreg:$0x3]  }
0x14: {  	[tilespmem:s15], [sflag:$0x6] =	stream.strided.gather [hbm4b:s0+s13], $0x880, s14, s13, $0x38;
	[tilespmem:$0x12880] =	vst v63  }
0x15: {  	_ =	swait.ge [sflag:s16], $0x880  }
0x16: {  	s31 =	rddreg [dreg:$0x8]  }
0x17: {  	s11 =	rddreg [dreg:$0x7]  }
0x18: {  	[sflag:s16] =	ssyncset.done $0x0;
	s10 =	rddreg [dreg:$0x6]  }
0x19: {  	s9 =	simm.s32 $0x0;
	s6 =	rddreg [dreg:$0x4];
	[sflag:s16] =	ssyncadd.s32 $0xFFFFF780  }
.LBB2_2:
0x1a: {  	s0 =	sshll.u32 s9, $0xF  }
0x1b: {  	p0 =	seq.s32 s9, $0x0;
	s8 =	sshll.u32 s9, $0x9;
	s0 =	sand.u32 $0xF0000, s0  }
0x1c: {  	s12 =	simm.s32 @!p0 $0x1;
	s8 =	sand.u32 $0x200, s8;
	s1 =	sadd.s32 s7, s0  }
0x1d: {  	_ =	swait.ge @!p0 [sflag:s12], $0x2000;
	s0 =	sor.u32 s8, s1  }
0x1e: {  	[sflag:s12] =	ssyncset.done @!p0 $0x0;
	s0 =	sshrl.u32 s0, $0x3  }
0x1f: {  	[sflag:s12] =	ssyncadd.s32 @!p0 $0xFFFFE000;
	s0 =	sadd.s32 s3, s0  }
0x20: {  	[tilespmem:s17], [sflag:$0x6] =	stream.strided.gather [hbm4b:s0+s13], $0x2000, s14, s13, $0x38;
	[tilespmem:$0x12880] =	vst v63  }
0x21: {  	_ =	swait.ge [sflag:s16], $0x2000  }
0x22: {  	[sflag:s16] =	ssyncset.done $0x0  }
0x23: {  	s26 =	simm.s32 $0x0;
	[sflag:s16] =	ssyncadd.s32 $0xFFFFE000  }
0x24: {  	[tilespmem:s26], [sflag:$0x5] =	stream.indirect.gather [hbm4b:s4+s15], $0x1, s17, s15, $0xb8;
	[tilespmem:$0x12880] =	vst v63  }
0x25: {  	_ =	swait.ge [sflag:s18], $0x2000  }
0x26: {  	[sflag:s18] =	ssyncset.done $0x0  }
0x27: {  	s12 =	simm.s32 $0x0;
	[sflag:s18] =	ssyncadd.s32 $0xFFFFE000  }
0x28: {  	v1 =	vld [tilespmem:s12+$0x0];
	_ =	sdelay $0x4  }
0x29: {  	v1 =	vadd.f32 $-5.000000000e-01, v1;
	_ =	sdelay $0x1  }
0x2a: {  	v1 =	vand.u32 $0x7FFFFFFF, v1  }
0x2b: {  	v1 =	vmul.f32 $8.388608000e+06, v1;
	_ =	sdelay $0x1  }
0x2c: {  	v1 =	vtrunc.f32 v1  }
0x2d: {  	v1 =	vcvt.f32.s32 v1;
	_ =	sdelay $0x1  }
0x2e: {  	v1 =	vsub.s32 $0x400000, v1  }
0x2f: {  	v1 =	vshrl.u32 v1, $0xB  }
0x30: {  	(xrf1) =	vunique.msk.u32 $0xffff, v1;
	_ =	sdelay $0xd  }
0x31: {  	v2 =	vld.idx.msk [tilespmem:v1+s15+$0x0], $0xffff;
	_, v3, vm0 =	vpop (xrf1);
	_ =	sdelay $0x4  }
0x32: {  	s28 =	simm.s32 $0x10;
	v2 =	vadd.s32 v2, v3  }
0x33: {  	s8 =	smov.u32 s6;
	s0 =	sshll.u32 s9, $0x2;
	s26 =	simm.s32 $0x80;
	[tilespmem:v1+s15+$0x0] =	vst.idx.msk vm0, v2;
	v1 =	vor.u32 s6, v0  }
.LBB2_3:
0x34: {  	p1 =	sne.s32 s26, $0x7FC0;
	v2 =	vld [tilespmem:s28+$0x0];
	[tilespmem:s12+$0xA880] =	vst v1;
	s12 =	smov.u32 s28;
	_ =	sdelay $0x4  }
0x35: {  	v1 =	vadd.f32 $-5.000000000e-01, v2;
	_ =	sdelay $0x1  }
0x36: {  	v1 =	vand.u32 $0x7FFFFFFF, v1  }
0x37: {  	v1 =	vmul.f32 $8.388608000e+06, v1;
	_ =	sdelay $0x1  }
0x38: {  	v1 =	vtrunc.f32 v1  }
0x39: {  	v1 =	vcvt.f32.s32 v1;
	_ =	sdelay $0x1  }
0x3a: {  	v1 =	vsub.s32 $0x400000, v1  }
0x3b: {  	v1 =	vshrl.u32 v1, $0xB  }
0x3c: {  	(xrf1) =	vunique.msk.u32 $0xffff, v1;
	_ =	sdelay $0xc  }
0x3d: {  	v2 =	vld.idx.msk [tilespmem:v1+s15+$0x0], $0xffff  }
0x3e: {  	_, v3, vm0 =	vpop (xrf1);
	_ =	sdelay $0x1  }
.Ltmp0:
0x3f: {  	(pc) =	sbr.rel @p1 .LBB2_3-.Ltmp0, $3  }
0x40: {  	_ =	sdelay $0x1  }
0x41: {  	s8 =	sadd.s32 $0x10, s8;
	v2 =	vadd.s32 v2, v3  }
0x42: {  	s28 =	sshra.s32 s26, $0x2;
	s26 =	sadd.s32 $0x40, s26;
	[tilespmem:v1+s15+$0x0] =	vst.idx.msk vm0, v2;
	v1 =	vor.u32 s8, v0  }
0x43: {  	v2 =	vld [tilespmem:s28+$0x0];
	_ =	sdelay $0x4  }
0x44: {  	v2 =	vadd.f32 $-5.000000000e-01, v2;
	_ =	sdelay $0x1  }
0x45: {  	v2 =	vand.u32 $0x7FFFFFFF, v2  }
0x46: {  	v2 =	vmul.f32 $8.388608000e+06, v2;
	_ =	sdelay $0x1  }
0x47: {  	v2 =	vtrunc.f32 v2  }
0x48: {  	v2 =	vcvt.f32.s32 v2;
	_ =	sdelay $0x1  }
0x49: {  	v2 =	vsub.s32 $0x400000, v2  }
0x4a: {  	v2 =	vshrl.u32 v2, $0xB  }
0x4b: {  	(xrf1) =	vunique.msk.u32 $0xffff, v2;
	_ =	sdelay $0xc  }
0x4c: {  	[tilespmem:s12+$0xA880] =	vst v1  }
0x4d: {  	v1 =	vld.idx.msk [tilespmem:v2+s15+$0x0], $0xffff;
	_, v3, vm0 =	vpop (xrf1);
	_ =	sdelay $0x4  }
0x4e: {  	s8 =	sadd.s32 $0x10, s8;
	s12 =	sor.u32 $0x1, s0;
	v1 =	vadd.s32 v1, v3  }
0x4f: {  	[tilespmem:v2+s15+$0x0] =	vst.idx.msk vm0, v1;
	v1 =	vor.u32 s8, v0;
	s8 =	sshll.u32 s12, $0x7  }
0x50: {  	s12 =	simm.s32 @!p0 $0x2;
	[tilespmem:s28+$0xA880] =	vst v1;
	s8 =	sand.u32 $0x280, s8  }
0x51: {  	[hbm4b:s5+s15] =	stream.indirect.scatter [tilespmem:s17], [sflag:$0x1], $0x1, s19, s15, $0xb8;
	[tilespmem:$0x12880] =	vst v63  }
0x52: {  	s8 =	sor.u32 s1, s8;
	_ =	swait.ge @!p0 [sflag:s12], $0x2000  }
0x53: {  	s8 =	sshrl.u32 s8, $0x3;
	[sflag:s12] =	ssyncset.done @!p0 $0x0  }
0x54: {  	s8 =	sadd.s32 s3, s8;
	[sflag:s12] =	ssyncadd.s32 @!p0 $0xFFFFE000  }
0x55: {  	[tilespmem:s20], [sflag:$0x6] =	stream.strided.gather [hbm4b:s8+s13], $0x2000, s14, s13, $0x38;
	[tilespmem:$0x12880] =	vst v63  }
0x56: {  	_ =	swait.ge [sflag:s16], $0x2000  }
0x57: {  	[sflag:s16] =	ssyncset.done $0x0  }
0x58: {  	s26 =	simm.s32 $0x0;
	[sflag:s16] =	ssyncadd.s32 $0xFFFFE000  }
0x59: {  	[tilespmem:s26], [sflag:$0x5] =	stream.indirect.gather [hbm4b:s4+s15], $0x1, s20, s15, $0xb8;
	[tilespmem:$0x12880] =	vst v63  }
0x5a: {  	_ =	swait.ge [sflag:s18], $0x2000  }
0x5b: {  	[sflag:s18] =	ssyncset.done $0x0  }
0x5c: {  	s12 =	simm.s32 $0x0;
	[sflag:s18] =	ssyncadd.s32 $0xFFFFE000  }
0x5d: {  	v1 =	vld [tilespmem:s12+$0x0];
	_ =	sdelay $0x4  }
0x5e: {  	v1 =	vadd.f32 $-5.000000000e-01, v1;
	_ =	sdelay $0x1  }
0x5f: {  	v1 =	vand.u32 $0x7FFFFFFF, v1  }
0x60: {  	v1 =	vmul.f32 $8.388608000e+06, v1;
	_ =	sdelay $0x1  }
0x61: {  	v1 =	vtrunc.f32 v1  }
0x62: {  	v1 =	vcvt.f32.s32 v1;
	_ =	sdelay $0x1  }
0x63: {  	v1 =	vsub.s32 $0x400000, v1  }
0x64: {  	v1 =	vshrl.u32 v1, $0xB  }
0x65: {  	(xrf1) =	vunique.msk.u32 $0xffff, v1;
	_ =	sdelay $0xd  }
0x66: {  	v2 =	vld.idx.msk [tilespmem:v1+s15+$0x0], $0xffff;
	_, v3, vm15 =	vpop (xrf1);
	_ =	sdelay $0x4  }
0x67: {  	v2 =	vadd.s32 v2, v3  }
0x68: {  	s28 =	simm.s32 $0x10;
	s8 =	smov.u32 s10;
	s26 =	simm.s32 $0x80;
	[tilespmem:v1+s15+$0x0] =	vst.idx.msk vm15, v2;
	v1 =	vor.u32 s10, v0  }
.LBB2_5:
0x69: {  	p1 =	sne.s32 s26, $0x7FC0;
	v2 =	vld [tilespmem:s28+$0x0];
	[tilespmem:s12+$0xC880] =	vst v1;
	s12 =	smov.u32 s28;
	_ =	sdelay $0x4  }
0x6a: {  	v1 =	vadd.f32 $-5.000000000e-01, v2;
	_ =	sdelay $0x1  }
0x6b: {  	v1 =	vand.u32 $0x7FFFFFFF, v1  }
0x6c: {  	v1 =	vmul.f32 $8.388608000e+06, v1;
	_ =	sdelay $0x1  }
0x6d: {  	v1 =	vtrunc.f32 v1  }
0x6e: {  	v1 =	vcvt.f32.s32 v1;
	_ =	sdelay $0x1  }
0x6f: {  	v1 =	vsub.s32 $0x400000, v1  }
0x70: {  	v1 =	vshrl.u32 v1, $0xB  }
0x71: {  	(xrf1) =	vunique.msk.u32 $0xffff, v1;
	_ =	sdelay $0xc  }
0x72: {  	v2 =	vld.idx.msk [tilespmem:v1+s15+$0x0], $0xffff  }
0x73: {  	_, v3, vm0 =	vpop (xrf1);
	_ =	sdelay $0x1  }
.Ltmp1:
0x74: {  	(pc) =	sbr.rel @p1 .LBB2_5-.Ltmp1, $3  }
0x75: {  	_ =	sdelay $0x1  }
0x76: {  	s8 =	sadd.s32 $0x10, s8;
	v2 =	vadd.s32 v2, v3  }
0x77: {  	s28 =	sshra.s32 s26, $0x2;
	s26 =	sadd.s32 $0x40, s26;
	[tilespmem:v1+s15+$0x0] =	vst.idx.msk vm0, v2;
	v1 =	vor.u32 s8, v0  }
0x78: {  	v2 =	vld [tilespmem:s28+$0x0];
	_ =	sdelay $0x4  }
0x79: {  	v2 =	vadd.f32 $-5.000000000e-01, v2;
	_ =	sdelay $0x1  }
0x7a: {  	v2 =	vand.u32 $0x7FFFFFFF, v2  }
0x7b: {  	v2 =	vmul.f32 $8.388608000e+06, v2;
	_ =	sdelay $0x1  }
0x7c: {  	v2 =	vtrunc.f32 v2  }
0x7d: {  	v2 =	vcvt.f32.s32 v2;
	_ =	sdelay $0x1  }
0x7e: {  	v2 =	vsub.s32 $0x400000, v2  }
0x7f: {  	v2 =	vshrl.u32 v2, $0xB  }
0x80: {  	(xrf1) =	vunique.msk.u32 $0xffff, v2;
	_ =	sdelay $0xc  }
0x81: {  	[tilespmem:s12+$0xC880] =	vst v1  }
0x82: {  	v1 =	vld.idx.msk [tilespmem:v2+s15+$0x0], $0xffff;
	_, v3, vm0 =	vpop (xrf1);
	_ =	sdelay $0x4  }
0x83: {  	s8 =	sadd.s32 $0x10, s8;
	s12 =	sor.u32 $0x2, s0;
	v1 =	vadd.s32 v1, v3  }
0x84: {  	[tilespmem:v2+s15+$0x0] =	vst.idx.msk vm0, v1;
	v1 =	vor.u32 s8, v0;
	s8 =	sshll.u32 s12, $0x7  }
0x85: {  	s12 =	simm.s32 @!p0 $0x3;
	[tilespmem:s28+$0xC880] =	vst v1;
	s8 =	sand.u32 $0x300, s8  }
0x86: {  	[hbm4b:s5+s15] =	stream.indirect.scatter [tilespmem:s20], [sflag:$0x2], $0x1, s21, s15, $0xb8;
	[tilespmem:$0x12880] =	vst v63  }
0x87: {  	s8 =	sor.u32 s1, s8;
	_ =	swait.ge @!p0 [sflag:s12], $0x2000  }
0x88: {  	s8 =	sshrl.u32 s8, $0x3;
	[sflag:s12] =	ssyncset.done @!p0 $0x0  }
0x89: {  	s8 =	sadd.s32 s3, s8;
	[sflag:s12] =	ssyncadd.s32 @!p0 $0xFFFFE000  }
0x8a: {  	[tilespmem:s22], [sflag:$0x6] =	stream.strided.gather [hbm4b:s8+s13], $0x2000, s14, s13, $0x38;
	[tilespmem:$0x12880] =	vst v63  }
0x8b: {  	_ =	swait.ge [sflag:s16], $0x2000  }
0x8c: {  	[sflag:s16] =	ssyncset.done $0x0  }
0x8d: {  	s26 =	simm.s32 $0x0;
	[sflag:s16] =	ssyncadd.s32 $0xFFFFE000  }
0x8e: {  	[tilespmem:s26], [sflag:$0x5] =	stream.indirect.gather [hbm4b:s4+s15], $0x1, s22, s15, $0xb8;
	[tilespmem:$0x12880] =	vst v63  }
0x8f: {  	_ =	swait.ge [sflag:s18], $0x2000  }
0x90: {  	[sflag:s18] =	ssyncset.done $0x0  }
0x91: {  	s12 =	simm.s32 $0x0;
	[sflag:s18] =	ssyncadd.s32 $0xFFFFE000  }
0x92: {  	v1 =	vld [tilespmem:s12+$0x0];
	_ =	sdelay $0x4  }
0x93: {  	v1 =	vadd.f32 $-5.000000000e-01, v1;
	_ =	sdelay $0x1  }
0x94: {  	v1 =	vand.u32 $0x7FFFFFFF, v1  }
0x95: {  	v1 =	vmul.f32 $8.388608000e+06, v1;
	_ =	sdelay $0x1  }
0x96: {  	v1 =	vtrunc.f32 v1  }
0x97: {  	v1 =	vcvt.f32.s32 v1;
	_ =	sdelay $0x1  }
0x98: {  	v1 =	vsub.s32 $0x400000, v1  }
0x99: {  	v1 =	vshrl.u32 v1, $0xB  }
0x9a: {  	(xrf1) =	vunique.msk.u32 $0xffff, v1;
	_ =	sdelay $0xd  }
0x9b: {  	v2 =	vld.idx.msk [tilespmem:v1+s15+$0x0], $0xffff;
	_, v3, vm15 =	vpop (xrf1);
	_ =	sdelay $0x4  }
0x9c: {  	v2 =	vadd.s32 v2, v3  }
0x9d: {  	s28 =	simm.s32 $0x10;
	s8 =	smov.u32 s11;
	s26 =	simm.s32 $0x80;
	[tilespmem:v1+s15+$0x0] =	vst.idx.msk vm15, v2;
	v1 =	vor.u32 s11, v0  }
.LBB2_7:
0x9e: {  	p1 =	sne.s32 s26, $0x7FC0;
	v2 =	vld [tilespmem:s28+$0x0];
	[tilespmem:s12+$0xE880] =	vst v1;
	s12 =	smov.u32 s28;
	_ =	sdelay $0x4  }
0x9f: {  	v1 =	vadd.f32 $-5.000000000e-01, v2;
	_ =	sdelay $0x1  }
0xa0: {  	v1 =	vand.u32 $0x7FFFFFFF, v1  }
0xa1: {  	v1 =	vmul.f32 $8.388608000e+06, v1;
	_ =	sdelay $0x1  }
0xa2: {  	v1 =	vtrunc.f32 v1  }
0xa3: {  	v1 =	vcvt.f32.s32 v1;
	_ =	sdelay $0x1  }
0xa4: {  	v1 =	vsub.s32 $0x400000, v1  }
0xa5: {  	v1 =	vshrl.u32 v1, $0xB  }
0xa6: {  	(xrf1) =	vunique.msk.u32 $0xffff, v1;
	_ =	sdelay $0xc  }
0xa7: {  	v2 =	vld.idx.msk [tilespmem:v1+s15+$0x0], $0xffff  }
0xa8: {  	_, v3, vm0 =	vpop (xrf1);
	_ =	sdelay $0x1  }
.Ltmp2:
0xa9: {  	(pc) =	sbr.rel @p1 .LBB2_7-.Ltmp2, $3  }
0xaa: {  	_ =	sdelay $0x1  }
0xab: {  	s8 =	sadd.s32 $0x10, s8;
	v2 =	vadd.s32 v2, v3  }
0xac: {  	s28 =	sshra.s32 s26, $0x2;
	s26 =	sadd.s32 $0x40, s26;
	[tilespmem:v1+s15+$0x0] =	vst.idx.msk vm0, v2;
	v1 =	vor.u32 s8, v0  }
0xad: {  	v2 =	vld [tilespmem:s28+$0x0];
	_ =	sdelay $0x4  }
0xae: {  	v2 =	vadd.f32 $-5.000000000e-01, v2;
	_ =	sdelay $0x1  }
0xaf: {  	v2 =	vand.u32 $0x7FFFFFFF, v2  }
0xb0: {  	v2 =	vmul.f32 $8.388608000e+06, v2;
	_ =	sdelay $0x1  }
0xb1: {  	v2 =	vtrunc.f32 v2  }
0xb2: {  	v2 =	vcvt.f32.s32 v2;
	_ =	sdelay $0x1  }
0xb3: {  	v2 =	vsub.s32 $0x400000, v2  }
0xb4: {  	v2 =	vshrl.u32 v2, $0xB  }
0xb5: {  	(xrf1) =	vunique.msk.u32 $0xffff, v2;
	_ =	sdelay $0xc  }
0xb6: {  	[tilespmem:s12+$0xE880] =	vst v1  }
0xb7: {  	v1 =	vld.idx.msk [tilespmem:v2+s15+$0x0], $0xffff;
	_, v3, vm0 =	vpop (xrf1);
	_ =	sdelay $0x4  }
0xb8: {  	s8 =	sadd.s32 $0x10, s8;
	s0 =	sor.u32 $0x3, s0;
	v1 =	vadd.s32 v1, v3  }
0xb9: {  	s0 =	sshll.u32 s0, $0x7;
	[tilespmem:v2+s15+$0x0] =	vst.idx.msk vm0, v1;
	v1 =	vor.u32 s8, v0  }
0xba: {  	s0 =	sand.u32 $0x380, s0;
	s8 =	simm.s32 @!p0 $0x4;
	[tilespmem:s28+$0xE880] =	vst v1  }
0xbb: {  	[hbm4b:s5+s15] =	stream.indirect.scatter [tilespmem:s22], [sflag:$0x3], $0x1, s23, s15, $0xb8;
	[tilespmem:$0x12880] =	vst v63  }
0xbc: {  	s0 =	sor.u32 s1, s0;
	_ =	swait.ge @!p0 [sflag:s8], $0x2000  }
0xbd: {  	s0 =	sshrl.u32 s0, $0x3;
	[sflag:s8] =	ssyncset.done @!p0 $0x0  }
0xbe: {  	s0 =	sadd.s32 s3, s0;
	[sflag:s8] =	ssyncadd.s32 @!p0 $0xFFFFE000  }
0xbf: {  	[tilespmem:s24], [sflag:$0x6] =	stream.strided.gather [hbm4b:s0+s13], $0x2000, s14, s13, $0x38;
	[tilespmem:$0x12880] =	vst v63  }
0xc0: {  	_ =	swait.ge [sflag:s16], $0x2000  }
0xc1: {  	[sflag:s16] =	ssyncset.done $0x0  }
0xc2: {  	s28 =	simm.s32 $0x0;
	[sflag:s16] =	ssyncadd.s32 $0xFFFFE000  }
0xc3: {  	[tilespmem:s28], [sflag:$0x5] =	stream.indirect.gather [hbm4b:s4+s15], $0x1, s24, s15, $0xb8;
	[tilespmem:$0x12880] =	vst v63  }
0xc4: {  	_ =	swait.ge [sflag:s18], $0x2000  }
0xc5: {  	[sflag:s18] =	ssyncset.done $0x0  }
0xc6: {  	s0 =	simm.s32 $0x0;
	[sflag:s18] =	ssyncadd.s32 $0xFFFFE000  }
0xc7: {  	v1 =	vld [tilespmem:s0+$0x0];
	_ =	sdelay $0x4  }
0xc8: {  	v1 =	vadd.f32 $-5.000000000e-01, v1;
	_ =	sdelay $0x1  }
0xc9: {  	v1 =	vand.u32 $0x7FFFFFFF, v1  }
0xca: {  	v1 =	vmul.f32 $8.388608000e+06, v1;
	_ =	sdelay $0x1  }
0xcb: {  	v1 =	vtrunc.f32 v1  }
0xcc: {  	v1 =	vcvt.f32.s32 v1;
	_ =	sdelay $0x1  }
0xcd: {  	v1 =	vsub.s32 $0x400000, v1  }
0xce: {  	v1 =	vshrl.u32 v1, $0xB  }
0xcf: {  	(xrf1) =	vunique.msk.u32 $0xffff, v1;
	_ =	sdelay $0xd  }
0xd0: {  	v2 =	vld.idx.msk [tilespmem:v1+s15+$0x0], $0xffff;
	_, v3, vm15 =	vpop (xrf1);
	_ =	sdelay $0x4  }
0xd1: {  	v2 =	vadd.s32 v2, v3  }
0xd2: {  	s12 =	simm.s32 $0x10;
	s1 =	smov.u32 s31;
	s8 =	simm.s32 $0x80;
	[tilespmem:v1+s15+$0x0] =	vst.idx.msk vm15, v2;
	v1 =	vor.u32 s31, v0  }
.LBB2_9:
0xd3: {  	p0 =	sne.s32 s8, $0x7FC0;
	v2 =	vld [tilespmem:s12+$0x0];
	[tilespmem:s0+$0x10880] =	vst v1;
	s0 =	smov.u32 s12;
	_ =	sdelay $0x4  }
0xd4: {  	v1 =	vadd.f32 $-5.000000000e-01, v2;
	_ =	sdelay $0x1  }
0xd5: {  	v1 =	vand.u32 $0x7FFFFFFF, v1  }
0xd6: {  	v1 =	vmul.f32 $8.388608000e+06, v1;
	_ =	sdelay $0x1  }
0xd7: {  	v1 =	vtrunc.f32 v1  }
0xd8: {  	v1 =	vcvt.f32.s32 v1;
	_ =	sdelay $0x1  }
0xd9: {  	v1 =	vsub.s32 $0x400000, v1  }
0xda: {  	v1 =	vshrl.u32 v1, $0xB  }
0xdb: {  	(xrf1) =	vunique.msk.u32 $0xffff, v1;
	_ =	sdelay $0xc  }
0xdc: {  	v2 =	vld.idx.msk [tilespmem:v1+s15+$0x0], $0xffff  }
0xdd: {  	_, v3, vm0 =	vpop (xrf1);
	_ =	sdelay $0x1  }
.Ltmp3:
0xde: {  	(pc) =	sbr.rel @p0 .LBB2_9-.Ltmp3, $3  }
0xdf: {  	_ =	sdelay $0x1  }
0xe0: {  	s1 =	sadd.s32 $0x10, s1;
	v2 =	vadd.s32 v2, v3  }
0xe1: {  	s12 =	sshra.s32 s8, $0x2;
	s8 =	sadd.s32 $0x40, s8;
	[tilespmem:v1+s15+$0x0] =	vst.idx.msk vm0, v2;
	v1 =	vor.u32 s1, v0  }
0xe2: {  	v2 =	vld [tilespmem:s12+$0x0];
	_ =	sdelay $0x4  }
0xe3: {  	v2 =	vadd.f32 $-5.000000000e-01, v2;
	_ =	sdelay $0x1  }
0xe4: {  	v2 =	vand.u32 $0x7FFFFFFF, v2  }
0xe5: {  	v2 =	vmul.f32 $8.388608000e+06, v2;
	_ =	sdelay $0x1  }
0xe6: {  	v2 =	vtrunc.f32 v2  }
0xe7: {  	v2 =	vcvt.f32.s32 v2;
	_ =	sdelay $0x1  }
0xe8: {  	v2 =	vsub.s32 $0x400000, v2  }
0xe9: {  	v2 =	vshrl.u32 v2, $0xB  }
0xea: {  	(xrf1) =	vunique.msk.u32 $0xffff, v2;
	_ =	sdelay $0xc  }
0xeb: {  	[tilespmem:s0+$0x10880] =	vst v1  }
0xec: {  	v1 =	vld.idx.msk [tilespmem:v2+s15+$0x0], $0xffff;
	_, v3, vm0 =	vpop (xrf1);
	_ =	sdelay $0x1  }
0xed: {  	s9 =	sadd.s32 $0x1, s9  }
0xee: {  	p0 =	sne.s32 s9, $0x18  }
.Ltmp4:
0xef: {  	_ = 	snop;
	(pc) =	sbr.rel @p0 .LBB2_2-.Ltmp4, $4  }
0xf0: {  	s28 =	sadd.s32 $0x10, s1;
	v1 =	vadd.s32 v1, v3  }
0xf1: {  	s6 =	sadd.s32 $0x8000, s6;
	[tilespmem:v2+s15+$0x0] =	vst.idx.msk vm0, v1;
	v1 =	vor.u32 s28, v0  }
0xf2: {  	s10 =	sadd.s32 $0x8000, s10;
	s11 =	sadd.s32 $0x8000, s11;
	s31 =	sadd.s32 $0x8000, s31;
	[tilespmem:s12+$0x10880] =	vst v1  }
0xf3: {  	[hbm4b:s5+s15] =	stream.indirect.scatter [tilespmem:s24], [sflag:$0x4], $0x1, s25, s15, $0xb8;
	[tilespmem:$0x12880] =	vst v63  }
0xf4: {  	s0 =	simm.s32 $0x1  }
0xf5: {  	_ =	swait.ge [sflag:s0], $0x2000  }
0xf6: {  	[sflag:s0] =	ssyncset.done $0x0  }
0xf7: {  	s28 =	simm.s32 $0x2;
	[sflag:s0] =	ssyncadd.s32 $0xFFFFE000  }
0xf8: {  	_ =	swait.ge [sflag:s28], $0x2000  }
0xf9: {  	[sflag:s28] =	ssyncset.done $0x0  }
0xfa: {  	[sflag:s28] =	ssyncadd.s32 $0xFFFFE000  }
0xfb: {  	_ =	swait.ge [sflag:s29], $0x2000  }
0xfc: {  	[sflag:s29] =	ssyncset.done $0x0  }
0xfd: {  	[sflag:s29] =	ssyncadd.s32 $0xFFFFE000  }
0xfe: {  	_ =	swait.ge [sflag:s30], $0x2000  }
0xff: {  	s2 =	sadd.s32 $0x1, s2;
	s31 =	rddreg [dreg:$0x5]  }
0x100: {  	p0 =	sne.s32 s2, s31  }
.Ltmp5:
0x101: {  	_ = 	snop;
	(pc) =	sbr.rel @p0 .LBB2_1-.Ltmp5, $3  }
0x102: {  	_ =	sdelay $0x1  }
0x103: {  	[sflag:s30] =	ssyncset.done $0x0  }
0x104: {  	[sflag:s30] =	ssyncadd.s32 $0xFFFFE000  }
0x105: {  	_ =	sfence.sel $0x180000  }
0x106: {  	[bflag:$0x0] =	sbarrier.arrive $0xFFFF  }
0x107: {  	_ =	strace $0x90000056  }
0x108: {  	s0 =	stileid.u32;
	[bflag:$0x2] =	sbarrier.arrive $0xFFFF  }
0x109: {  	p0 =	sne.s32 s0, $0x0;
	s0 =	rddreg [dreg:$0x2]  }
0x10a: {  	s0 =	sadd.s32 @!p0 $0x100000, s0  }
0x10b: {  	[sflag:s0] =	ssyncadd.tile.s32 @!p0 $0x1;
	_ =	shalt  }
.Lfunc_end2:
_tile_overlayer_lowered:
.L_overlay_start_2:
0x10c: {  	(tag) =	ssettag $0x2  }
0x10d: {  	s0 =	rddreg [dreg:$0x0];
	s2 =	stileid.u32  }
0x10e: {  	s1 =	rddreg [dreg:$0x1];
	p0 =	sne.s32 s2, $0x0  }
0x10f: {  	s3 =	rddreg [dreg:$0x2];
	[bflag:$0x3] =	sbarrier.arrive $0xFFFF;
	s2 =	simm.s32 @!p0 $0x1C06  }
0x110: {  	[timem:s3], [sflag:s2] =	dma.local @!p0 [hbm:s0], s1  }
0x111: {  	s0 =	simm.s32 @!p0 $0x6  }
0x112: {  	_ =	swait.ge @!p0 [sflag:s0], s1  }
0x113: {  	s1 =	ssub.s32 @!p0 $0x0, s1;
	[sflag:s0] =	ssyncset.done @!p0 $0x0  }
0x114: {  	[sflag:s0] =	ssyncadd.s32 @!p0 s1  }
0x115: {  	[bflag:$0x3] =	sbarrier.arrive $0xFFFF  }
0x116: {  	_ =	shalt  }

// kernel: kernel.27.cloned.1.call-start
scs
__scs_entry_jumppad:
0x0: {  	(pc) =	sbr.rel $0x88, $3  }
0x1: {  	(tag) =	ssettag $0x0;
	lr =	simm.s32 $0x1  }
0x2: {  	[smem:$0x3FA0] =	sst lr;
	_ =	strace $0xD0000000  }
0x3: {  	_ = 	snop  }
0x4: {  	_ = 	snop  }
0x5: {  	_ = 	snop  }
0x6: {  	_ = 	snop  }
0x7: {  	_ = 	snop  }
__scs_overlays_trampoline_lowered:
0x8: {  	[smem:$0x3FAF] =	sst s0  }
0x9: {  	[smem:$0x3FB0] =	sst s1  }
0xa: {  	[smem:$0x3FB1] =	sst s2  }
0xb: {  	[smem:$0x3FB2] =	sst s3  }
0xc: {  	[smem:$0x3FB3] =	sst s4  }
0xd: {  	[smem:$0x3FB4] =	sst s5  }
0xe: {  	[smem:$0x3FB5] =	sst s6  }
0xf: {  	[smem:$0x3FB6] =	sst s7  }
0x10: {  	[smem:$0x3FB7] =	sst s8  }
0x11: {  	[smem:$0x3FB8] =	sst s9;
	s0 =	simm.s32 @!p0 $0x0  }
0x12: {  	s1 =	sld [smem:$0x3F9E];
	s0 =	simm.s32 @p0 $0x1  }
0x13: {  	[smem:$0x3FB9] =	sst s0;
	s0 =	simm.s32 @!p1 $0x0  }
0x14: {  	s2 =	sld [smem:$0x3F9D];
	s0 =	simm.s32 @p1 $0x1  }
0x15: {  	[smem:$0x3FBA] =	sst s0;
	s0 =	simm.s32 @!p2 $0x0  }
0x16: {  	s3 =	sld [smem:$0x3FDB];
	s0 =	simm.s32 @p2 $0x1  }
0x17: {  	s4 =	simm.s32 $0x1BF5;
	[smem:$0x3FBC] =	sst s0  }
0x18: {  	s0 =	sld [smem:$0x3F9F];
	_ =	swait.ge [sflag:s4], $0x0  }
0x19: {  	s7 =	sld [smem:$0x3FA0]  }
0x1a: {  	s8 =	sadd.s32 $0xFFFFE003, lr  }
0x1b: {  	s9 =	sadd.s32 $0xFFFFFEF7, lr;
	s5 =	simm.s32 $0xFFFFFFFF;
	p2 =	slt.u32 s8, $0xFFFFF086  }
0x1c: {  	p1 =	slt.u32 s9, $0xF7A;
	s5 =	simm.s32 @!p2 $0x0  }
0x1d: {  	s5 =	simm.s32 @p1 $0x1;
	p0 =	seq.s32 s7, s2  }
0x1e: {  	s7 =	smul.u32 @!p0 $0xF7A, s2;
	p2 =	seq.s32 @!p0 s5, $0x0  }
0x1f: {  	s9 =	smul.u32 $0xF7A, s1;
	s8 =	simm.s32 @!p0 $0x1BF5;
	p2 =	por !p2, p0  }
0x20: {  	[sflag:s8] =	ssyncset.s32 @!p0 $0xFFFFF086;
	s6 =	sadd.s32 @!p0 s3, s7;
	s7 =	simm.s32 @!p0 $0x108  }
0x21: {  	s3 =	sadd.s32 s3, s9;
	s6 =	sadd.s32 @!p0 $0x88, s6;
	s7 =	simm.s32 @p2 $0x1082  }
0x22: {  	[simem:s7], [sflag:s8] =	dma.local @!p0 [hbm:s6], $0xF7A  }
0x23: {  	s9 =	sor.u32 $0xD0000000, s2;
	s6 =	simm.s32 $0x108;
	_ =	swait.ge @!p0 [sflag:s8], $0x0  }
0x24: {  	s3 =	sadd.s32 $0x88, s3;
	s6 =	simm.s32 @!p1 $0x1082;
	[sflag:s4] =	ssyncset.s32 $0xFFFFF086  }
0x25: {  	[simem:s6], [sflag:s4] =	dma.local [hbm:s3], $0xF7A  }
0x26: {  	[smem:$0x3FA0] =	sst s1;
	(tag) =	ssettag s2;
	_ =	strace s9  }
0x27: {  	s1 =	sld [smem:$0x3FB0]  }
0x28: {  	s2 =	sld [smem:$0x3FB1]  }
0x29: {  	s4 =	sld [smem:$0x3FB3]  }
0x2a: {  	p0 =	seq.s32 s5, $0x0;
	s5 =	sld [smem:$0x3FB4]  }
0x2b: {  	s6 =	sld [smem:$0x3FB5]  }
0x2c: {  	s7 =	sld [smem:$0x3FB6]  }
0x2d: {  	s3 =	simm.s32 $0x108;
	s8 =	sld [smem:$0x3FB7]  }
0x2e: {  	s3 =	simm.s32 @!p0 $0x1082;
	s9 =	sld [smem:$0x3FB8]  }
0x2f: {  	lr =	sadd.s32 s0, s3;
	s0 =	sld [smem:$0x3FAF]  }
0x30: {  	s3 =	sld [smem:$0x3FB2]  }
0x31: {  	[smem:$0x3FBB] =	sst s10  }
0x32: {  	s10 =	sld [smem:$0x3FB9];
	_ =	sdelay $0x3  }
0x33: {  	p0 =	seq.s32 s10, $0x1;
	s10 =	sld [smem:$0x3FBB];
	_ =	sdelay $0x3  }
0x34: {  	[smem:$0x3FBB] =	sst s10  }
0x35: {  	s10 =	sld [smem:$0x3FBA];
	_ =	sdelay $0x3  }
0x36: {  	p1 =	seq.s32 s10, $0x1;
	s10 =	sld [smem:$0x3FBB];
	_ =	sdelay $0x3  }
0x37: {  	[smem:$0x3FBB] =	sst s10  }
0x38: {  	s10 =	sld [smem:$0x3FBC]  }
0x39: {  	_ = 	snop;
	(pc) =	sbr.ind lr, $3  }
0x3a: {  	_ = 	snop  }
0x3b: {  	_ = 	snop  }
0x3c: {  	p2 =	seq.s32 s10, $0x1;
	s10 =	sld [smem:$0x3FBB]  }
0x3d: {  	_ =	shalt  }
0x3e: {  	_ =	shalt  }
0x3f: {  	_ =	shalt  }
0x40: {  	_ =	shalt  }
0x41: {  	_ =	shalt  }
0x42: {  	_ =	shalt  }
0x43: {  	_ =	shalt  }
0x44: {  	_ =	shalt  }
0x45: {  	_ =	shalt  }
0x46: {  	_ =	shalt  }
0x47: {  	_ =	shalt  }
0x48: {  	_ =	shalt  }
0x49: {  	_ =	shalt  }
0x4a: {  	_ =	shalt  }
0x4b: {  	_ =	shalt  }
0x4c: {  	_ =	shalt  }
0x4d: {  	_ =	shalt  }
0x4e: {  	_ =	shalt  }
0x4f: {  	_ =	shalt  }
0x50: {  	_ =	shalt  }
0x51: {  	_ =	shalt  }
0x52: {  	_ =	shalt  }
0x53: {  	_ =	shalt  }
0x54: {  	_ =	shalt  }
0x55: {  	_ =	shalt  }
0x56: {  	_ =	shalt  }
0x57: {  	_ =	shalt  }
0x58: {  	_ =	shalt  }
0x59: {  	_ =	shalt  }
0x5a: {  	_ =	shalt  }
0x5b: {  	_ =	shalt  }
0x5c: {  	_ =	shalt  }
0x5d: {  	_ =	shalt  }
0x5e: {  	_ =	shalt  }
0x5f: {  	_ =	shalt  }
0x60: {  	_ =	shalt  }
0x61: {  	_ =	shalt  }
0x62: {  	_ =	shalt  }
0x63: {  	_ =	shalt  }
0x64: {  	_ =	shalt  }
0x65: {  	_ =	shalt  }
0x66: {  	_ =	shalt  }
0x67: {  	_ =	shalt  }
0x68: {  	_ =	shalt  }
0x69: {  	_ =	shalt  }
0x6a: {  	_ =	shalt  }
0x6b: {  	_ =	shalt  }
0x6c: {  	_ =	shalt  }
0x6d: {  	_ =	shalt  }
0x6e: {  	_ =	shalt  }
0x6f: {  	_ =	shalt  }
0x70: {  	_ =	shalt  }
0x71: {  	_ =	shalt  }
0x72: {  	_ =	shalt  }
0x73: {  	_ =	shalt  }
0x74: {  	_ =	shalt  }
0x75: {  	_ =	shalt  }
0x76: {  	_ =	shalt  }
0x77: {  	_ =	shalt  }
0x78: {  	_ =	shalt  }
0x79: {  	_ =	shalt  }
0x7a: {  	_ =	shalt  }
0x7b: {  	_ =	shalt  }
0x7c: {  	_ =	shalt  }
0x7d: {  	_ =	shalt  }
0x7e: {  	_ =	shalt  }
0x7f: {  	_ =	shalt  }
0x80: {  	_ =	shalt  }
0x81: {  	_ =	shalt  }
0x82: {  	_ =	shalt  }
0x83: {  	_ =	shalt  }
0x84: {  	_ =	shalt  }
0x85: {  	_ =	shalt  }
0x86: {  	_ =	shalt  }
0x87: {  	_ =	shalt  }
.Lfunc_end0:
.L_simem_size_0:
called_computation.6_lowered:
.L_overlay_start_0:
0x88: {  	s2 =	sld [smem:$0x3FD9]  }
0x89: {  	s3 =	sld [smem:$0x3FFE];
	_ =	sdelay $0x1  }
0x8a: {  	s1 =	srdreg.scid  }
0x8b: {  	s0 =	sand.u32 $0x1, s1  }
0x8c: {  	s14 =	sshll.u32 s0, $0xA;
	s2 =	sadd.s32 s3, s2  }
0x8d: {  	s2 =	sadd.s32 s2, s14  }
0x8e: {  	[smem:$0x3FC7] =	sst s2  }
0x8f: {  	_ = 	snop  }
0x90: {  	s2 =	sld [smem:$0x3FD0];
	_ =	sdelay $0x2  }
0x91: {  	s15 =	simm.s32 $0xA;
	s4 =	simm.s32 $0x10  }
0x92: {  	[smem:s4], [sflag:s15] =	dma.local [hbm:s2], $0x1  }
0x93: {  	_ =	swait.eq [sflag:s15], $0x1  }
0x94: {  	[sflag:s15] =	ssyncset.done $0x0  }
0x95: {  	[sflag:s15] =	ssyncadd.s32 $0xFFFFFFFF  }
0x96: {  	s16 =	sld [smem:$0x11];
	(tm) =	ssettm $0x1  }
0x97: {  	s17 =	sld [smem:$0x3FFB];
	_ =	sdelay $0x3  }
0x98: {  	_ =	strace s17  }
0x99: {  	s3 =	sld [smem:$0x3FFC];
	_ =	sdelay $0x3  }
0x9a: {  	_ =	strace s3  }
0x9b: {  	s3 =	sld [smem:$0x3FFD];
	_ =	sdelay $0x3  }
0x9c: {  	_ =	strace s3  }
0x9d: {  	_ =	strace $0x8FFFFFFF  }
0x9e: {  	s18 =	sld [smem:$0x3FDB];
	_ =	sdelay $0x1  }
0x9f: {  	s19 =	simm.s32 $_scs_section_size  }
0xa0: {  	s5 =	simm.s32 $_size__tile_overlayer_lowered;
	s6 =	simm.s32 $_tile_overlayer_lowered  }
0xa1: {  	s22 =	simm.s32 $0x1BFF;
	s21 =	sshll.u32 s6, $0x1;
	s3 =	sadd.s32 s19, s18  }
0xa2: {  	s7 =	simm.s32 $0x0;
	s20 =	sshll.u32 s5, $0x1;
	s5 =	sadd.s32 s21, s3  }
0xa3: {  	[timem:s7], [sflag:s22] =	dma.local [hbm:s5], s20  }
0xa4: {  	_ =	swait.ge [sflag:s22], s20  }
0xa5: {  	s4 =	ssub.s32 $0x0, s20;
	[sflag:s22] =	ssyncset.done $0x0  }
0xa6: {  	[sflag:s22] =	ssyncadd.s32 s4;
	_ =	sdelay $0x1  }
0xa7: {  	s23 =	simm.s32 $0x1B8B  }
0xa8: {  	_ =	swait.ge [sflag:s23], $0x1  }
0xa9: {  	[sflag:s23] =	ssyncset.done $0x0  }
0xaa: {  	s25 =	simm.s32 $0x1B8E;
	s24 =	sld [smem:$0x3FFE];
	[sflag:s23] =	ssyncadd.s32 $0xFFFFFFFF  }
0xab: {  	s26 =	simm.s32 $execute0_lowered;
	[smem:$0x3FD2] =	sst s25  }
0xac: {  	s5 =	sshll.u32 s26, $0x1;
	_ =	strace $0x80000058;
	[dreg:$0x1] =	wrdreg $0xFFFFFFFF  }
0xad: {  	s28 =	simm.s32 $_size_execute0_lowered;
	s3 =	sadd.s32 s3, s5;
	[dreg:$0x0] =	wrdreg $0x0  }
0xae: {  	s5 =	sshll.u32 s28, $0x1;
	[dreg:$0x2] =	wrdreg s3  }
0xaf: {  	[dreg:$0x3] =	wrdreg s5  }
0xb0: {  	[dreg:$0x4] =	wrdreg $0xC0  }
0xb1: {  	_ =	task [dreg:s7], $0x5FFFF  }
0xb2: {  	[dreg:$0x1] =	wrdreg $0xFFFFFFFF  }
0xb3: {  	[dreg:$0x0] =	wrdreg $0x60  }
0xb4: {  	[dreg:$0x2] =	wrdreg s16  }
0xb5: {  	[dreg:$0x3] =	wrdreg s24  }
0xb6: {  	[dreg:$0x4] =	wrdreg $0x9  }
0xb7: {  	_ =	task.clear_ibuf [dreg:s7], $0x5FFFF;
	_ =	strace $0x90000058  }
0xb8: {  	s29 =	simm.s32 $0x9;
	_ =	strace $0x8000005A  }
0xb9: {  	_ =	swait.ge [sflag:s29], $0x1  }
0xba: {  	[sflag:s29] =	ssyncadd.s32 $0xFFFFFFFF  }
0xbb: {  	_ =	strace $0x9000005A  }
0xbc: {  	_ =	sfence  }
0xbd: {  	s30 =	sld [smem:$0x0];
	_ =	sdelay $0x2  }
0xbe: {  	s31 =	sshll.u32 s1, $0xD;
	s1 =	sshrl.u32 s1, $0x2  }
0xbf: {  	s3 =	sand.u32 $0x4000, s31;
	s1 =	sadd.s32 s1, s30  }
0xc0: {  	s0 =	sor.u32 s3, s0;
	s1 =	sshll.u32 s1, $0x11  }
0xc1: {  	s0 =	sor.u32 s1, s0  }
0xc2: {  	s0 =	sadd.s32 $0x8F2B, s0  }
0xc3: {  	[sflag:s0] =	ssyncadd.remote.s32 $0x1  }
0xc4: {  	_ =	sfence.sel $0xFFFF  }
0xc5: {  	[dreg:$0x0] =	wrdreg $0xFFFFFFFF;
	(pc) =	sbr.abs _section_cstart, $3  }
0xc6: {  	[dreg:$0x1] =	wrdreg $0xFFFFFFFF  }
0xc7: {  	_ =	task.clear_ibuf [dreg:s7], $0x2FFFF;
	_ =	strace $0x9FFFFFFF  }
0xc8: {  	(tm) =	ssettm $0x7FFFFFFF  }
0xc9: {  	_ =	shalt  }
tec
execute0_lowered:
.L_overlay_start_1:
0x0: {  	(tag) =	ssettag $0x1  }
0x1: {  	s1 =	rddreg [dreg:$0x0]  }
0x2: {  	s5 =	rddreg [dreg:$0x1]  }
0x3: {  	s0 =	rddreg [dreg:$0x2]  }
0x4: {  	s2 =	simm.s32 $0x0;
	s3 =	srdreg.scid;
	s9 =	simm.s32 $0x400  }
0x5: {  	s10 =	simm.s32 $0x2;
	s11 =	simm.s32 $0x2000;
	s12 =	simm.s32 $0x1  }
0x6: {  	s13 =	simm.s32 $0x0;
	[smem:$0x7FF] =	sst s2;
	s6 =	sand.u32 $0x1, s3  }
0x7: {  	s4 =	sadd.s32 $0xE01C00, s5;
	s3 =	stileid.u32;
	s7 =	ssub.s32 $0x2, s6  }
0x8: {  	s5 =	sadd.s32 $0x1C00, s5;
	_ =	strace $0x80000059;
	s8 =	sshrl.u32 s7, $0x1  }
0x9: {  	s31 =	sshll.u32 s3, $0x11;
	s6 =	sshll.u32 s6, $0x10;
	s7 =	ssub.s32 s7, s8  }
0xa: {  	s6 =	sor.u32 s6, s31;
	s8 =	simm.s32 $0x80;
	s7 =	smax.u32 s7, $0x1  }
.LBB2_1:
0xb: {  	s14 =	sand.u32 $0xE000, s2  }
0xc: {  	s15 =	sand.u32 $0x70, s2;
	s14 =	sor.u32 s6, s14  }
0xd: {  	s15 =	sor.u32 s15, s14  }
0xe: {  	s14 =	sadd.s32 s1, s15  }
0xf: {  	[tilespmem:s2], [sflag:$0x2] =	stream.strided.gather [hbm4b:s14+s8], $0x2000, s9, s8, $0x38;
	[tilespmem:$0x4000] =	vst v63  }
0x10: {  	_ =	swait.ge [sflag:s10], $0x2000  }
0x11: {  	[sflag:s10] =	ssyncset.done $0x0  }
0x12: {  	[sflag:s10] =	ssyncadd.s32 $0xFFFFE000  }
0x13: {  	[tilespmem:s11], [sflag:$0x1] =	stream.indirect.gather [hbm4b:s4+s11], $0x1, s2, s11, $0xb8;
	[tilespmem:$0x4000] =	vst v63  }
0x14: {  	s16 =	simm.s32 $0x400;
	_ =	swait.ge [sflag:s12], $0x2000  }
0x15: {  	s16 =	sand.u32 $0xE000, s16;
	[sflag:s12] =	ssyncset.done $0x0  }
0x16: {  	s15 =	sadd.s32 s5, s15;
	s14 =	simm.s32 $0x10;
	[sflag:s12] =	ssyncadd.s32 $0xFFFFE000  }
0x17: {  	[hbm4b:s15+s8] =	stream.strided.scatter [tilespmem:s11], [sflag:$0x2], $0x2000, s9, s8, $0x38;
	[tilespmem:$0x4000] =	vst v63  }
0x18: {  	s31 =	sor.u32 s6, s16;
	s17 =	sand.u32 $0x70, s14;
	_ =	swait.ge [sflag:s10], $0x2000  }
0x19: {  	s16 =	simm.s32 $0x800;
	s15 =	sor.u32 s17, s31;
	[sflag:s10] =	ssyncset.done $0x0  }
.LBB2_2:
0x1a: {  	s17 =	sadd.s32 s1, s15  }
0x1b: {  	[sflag:s10] =	ssyncadd.s32 $0xFFFFE000;
	s18 =	smov.u32 s16;
	s19 =	sadd.s32 $0x400, s16  }
0x1c: {  	[tilespmem:s2], [sflag:$0x2] =	stream.strided.gather [hbm4b:s17+s8], $0x2000, s9, s8, $0x38;
	[tilespmem:$0x4000] =	vst v63  }
0x1d: {  	p0 =	sne.s32 s16, $0xFC00;
	_ =	swait.ge [sflag:s10], $0x2000  }
0x1e: {  	[sflag:s10] =	ssyncset.done $0x0  }
0x1f: {  	[sflag:s10] =	ssyncadd.s32 $0xFFFFE000  }
0x20: {  	[tilespmem:s11], [sflag:$0x1] =	stream.indirect.gather [hbm4b:s4+s11], $0x1, s2, s11, $0xb8;
	[tilespmem:$0x4000] =	vst v63  }
0x21: {  	_ =	swait.ge [sflag:s12], $0x2000  }
.Ltmp0:
0x22: {  	s14 =	sadd.s32 $0x10, s14;
	[sflag:s12] =	ssyncset.done $0x0;
	(pc) =	sbr.rel @p0 .LBB2_2-.Ltmp0, $4  }
0x23: {  	s15 =	sadd.s32 s5, s15;
	s16 =	sand.u32 $0xE000, s18;
	[sflag:s12] =	ssyncadd.s32 $0xFFFFE000  }
0x24: {  	[hbm4b:s15+s8] =	stream.strided.scatter [tilespmem:s11], [sflag:$0x2], $0x2000, s9, s8, $0x38;
	[tilespmem:$0x4000] =	vst v63  }
0x25: {  	s15 =	sor.u32 s6, s16;
	s16 =	sand.u32 $0x70, s14;
	_ =	swait.ge [sflag:s10], $0x2000  }
0x26: {  	s15 =	sor.u32 s16, s15;
	s16 =	smov.u32 s19;
	[sflag:s10] =	ssyncset.done $0x0  }
0x27: {  	s14 =	sadd.s32 s1, s15;
	[sflag:s10] =	ssyncadd.s32 $0xFFFFE000  }
0x28: {  	[tilespmem:s2], [sflag:$0x2] =	stream.strided.gather [hbm4b:s14+s8], $0x2000, s9, s8, $0x38;
	[tilespmem:$0x4000] =	vst v63  }
0x29: {  	_ =	swait.ge [sflag:s10], $0x2000  }
0x2a: {  	[sflag:s10] =	ssyncset.done $0x0  }
0x2b: {  	[sflag:s10] =	ssyncadd.s32 $0xFFFFE000  }
0x2c: {  	[tilespmem:s11], [sflag:$0x1] =	stream.indirect.gather [hbm4b:s4+s11], $0x1, s2, s11, $0xb8;
	[tilespmem:$0x4000] =	vst v63  }
0x2d: {  	s13 =	sadd.s32 $0x1, s13;
	_ =	swait.ge [sflag:s12], $0x2000  }
0x2e: {  	p0 =	sne.s32 s13, s7;
	[sflag:s12] =	ssyncset.done $0x0  }
.Ltmp1:
0x2f: {  	s31 =	sadd.s32 s5, s15;
	[sflag:s12] =	ssyncadd.s32 $0xFFFFE000;
	(pc) =	sbr.rel @p0 .LBB2_1-.Ltmp1, $4  }
0x30: {  	[hbm4b:s31+s8] =	stream.strided.scatter [tilespmem:s11], [sflag:$0x2], $0x2000, s9, s8, $0x38;
	[tilespmem:$0x4000] =	vst v63  }
0x31: {  	_ =	swait.ge [sflag:s10], $0x2000  }
0x32: {  	[sflag:s10] =	ssyncset.done $0x0  }
0x33: {  	[sflag:s10] =	ssyncadd.s32 $0xFFFFE000  }
0x34: {  	_ =	sfence.sel $0x180000  }
0x35: {  	[bflag:$0x0] =	sbarrier.arrive $0xFFFF  }
0x36: {  	p0 =	sne.s32 s3, $0x0;
	_ =	strace $0x90000059  }
0x37: {  	s0 =	sadd.s32 @!p0 $0x100000, s0;
	[bflag:$0x2] =	sbarrier.arrive $0xFFFF  }
0x38: {  	[sflag:s0] =	ssyncadd.tile.s32 @!p0 $0x1;
	_ =	shalt  }
.Lfunc_end2:
_tile_overlayer_lowered:
.L_overlay_start_2:
0x39: {  	(tag) =	ssettag $0x2  }
0x3a: {  	s0 =	rddreg [dreg:$0x0];
	s2 =	stileid.u32  }
0x3b: {  	s1 =	rddreg [dreg:$0x1];
	p0 =	sne.s32 s2, $0x0  }
0x3c: {  	s3 =	rddreg [dreg:$0x2];
	[bflag:$0x3] =	sbarrier.arrive $0xFFFF;
	s2 =	simm.s32 @!p0 $0x1C02  }
0x3d: {  	[timem:s3], [sflag:s2] =	dma.local @!p0 [hbm:s0], s1  }
0x3e: {  	s0 =	simm.s32 @!p0 $0x2  }
0x3f: {  	_ =	swait.ge @!p0 [sflag:s0], s1  }
0x40: {  	s1 =	ssub.s32 @!p0 $0x0, s1;
	[sflag:s0] =	ssyncset.done @!p0 $0x0  }
0x41: {  	[sflag:s0] =	ssyncadd.s32 @!p0 s1  }
0x42: {  	[bflag:$0x3] =	sbarrier.arrive $0xFFFF  }
0x43: {  	_ =	shalt  }

// kernel: kernel.9.cloned.1.call-start
scs
__scs_entry_jumppad:
0x0: {  	(pc) =	sbr.rel $0x88, $3  }
0x1: {  	(tag) =	ssettag $0x0;
	lr =	simm.s32 $0x1  }
0x2: {  	[smem:$0x3FA0] =	sst lr;
	_ =	strace $0xD0000000  }
0x3: {  	_ = 	snop  }
0x4: {  	_ = 	snop  }
0x5: {  	_ = 	snop  }
0x6: {  	_ = 	snop  }
0x7: {  	_ = 	snop  }
__scs_overlays_trampoline_lowered:
0x8: {  	[smem:$0x3FAF] =	sst s0  }
0x9: {  	[smem:$0x3FB0] =	sst s1  }
0xa: {  	[smem:$0x3FB1] =	sst s2  }
0xb: {  	[smem:$0x3FB2] =	sst s3  }
0xc: {  	[smem:$0x3FB3] =	sst s4  }
0xd: {  	[smem:$0x3FB4] =	sst s5  }
0xe: {  	[smem:$0x3FB5] =	sst s6  }
0xf: {  	[smem:$0x3FB6] =	sst s7  }
0x10: {  	[smem:$0x3FB7] =	sst s8  }
0x11: {  	[smem:$0x3FB8] =	sst s9;
	s0 =	simm.s32 @!p0 $0x0  }
0x12: {  	s1 =	sld [smem:$0x3F9E];
	s0 =	simm.s32 @p0 $0x1  }
0x13: {  	[smem:$0x3FB9] =	sst s0;
	s0 =	simm.s32 @!p1 $0x0  }
0x14: {  	s2 =	sld [smem:$0x3F9D];
	s0 =	simm.s32 @p1 $0x1  }
0x15: {  	[smem:$0x3FBA] =	sst s0;
	s0 =	simm.s32 @!p2 $0x0  }
0x16: {  	s3 =	sld [smem:$0x3FDB];
	s0 =	simm.s32 @p2 $0x1  }
0x17: {  	s4 =	simm.s32 $0x1BF5;
	[smem:$0x3FBC] =	sst s0  }
0x18: {  	s0 =	sld [smem:$0x3F9F];
	_ =	swait.ge [sflag:s4], $0x0  }
0x19: {  	s7 =	sld [smem:$0x3FA0]  }
0x1a: {  	s8 =	sadd.s32 $0xFFFFE003, lr  }
0x1b: {  	s9 =	sadd.s32 $0xFFFFFEF7, lr;
	s5 =	simm.s32 $0xFFFFFFFF;
	p2 =	slt.u32 s8, $0xFFFFF086  }
0x1c: {  	p1 =	slt.u32 s9, $0xF7A;
	s5 =	simm.s32 @!p2 $0x0  }
0x1d: {  	s5 =	simm.s32 @p1 $0x1;
	p0 =	seq.s32 s7, s2  }
0x1e: {  	s7 =	smul.u32 @!p0 $0xF7A, s2;
	p2 =	seq.s32 @!p0 s5, $0x0  }
0x1f: {  	s9 =	smul.u32 $0xF7A, s1;
	s8 =	simm.s32 @!p0 $0x1BF5;
	p2 =	por !p2, p0  }
0x20: {  	[sflag:s8] =	ssyncset.s32 @!p0 $0xFFFFF086;
	s6 =	sadd.s32 @!p0 s3, s7;
	s7 =	simm.s32 @!p0 $0x108  }
0x21: {  	s3 =	sadd.s32 s3, s9;
	s6 =	sadd.s32 @!p0 $0x88, s6;
	s7 =	simm.s32 @p2 $0x1082  }
0x22: {  	[simem:s7], [sflag:s8] =	dma.local @!p0 [hbm:s6], $0xF7A  }
0x23: {  	s9 =	sor.u32 $0xD0000000, s2;
	s6 =	simm.s32 $0x108;
	_ =	swait.ge @!p0 [sflag:s8], $0x0  }
0x24: {  	s3 =	sadd.s32 $0x88, s3;
	s6 =	simm.s32 @!p1 $0x1082;
	[sflag:s4] =	ssyncset.s32 $0xFFFFF086  }
0x25: {  	[simem:s6], [sflag:s4] =	dma.local [hbm:s3], $0xF7A  }
0x26: {  	[smem:$0x3FA0] =	sst s1;
	(tag) =	ssettag s2;
	_ =	strace s9  }
0x27: {  	s1 =	sld [smem:$0x3FB0]  }
0x28: {  	s2 =	sld [smem:$0x3FB1]  }
0x29: {  	s4 =	sld [smem:$0x3FB3]  }
0x2a: {  	p0 =	seq.s32 s5, $0x0;
	s5 =	sld [smem:$0x3FB4]  }
0x2b: {  	s6 =	sld [smem:$0x3FB5]  }
0x2c: {  	s7 =	sld [smem:$0x3FB6]  }
0x2d: {  	s3 =	simm.s32 $0x108;
	s8 =	sld [smem:$0x3FB7]  }
0x2e: {  	s3 =	simm.s32 @!p0 $0x1082;
	s9 =	sld [smem:$0x3FB8]  }
0x2f: {  	lr =	sadd.s32 s0, s3;
	s0 =	sld [smem:$0x3FAF]  }
0x30: {  	s3 =	sld [smem:$0x3FB2]  }
0x31: {  	[smem:$0x3FBB] =	sst s10  }
0x32: {  	s10 =	sld [smem:$0x3FB9];
	_ =	sdelay $0x3  }
0x33: {  	p0 =	seq.s32 s10, $0x1;
	s10 =	sld [smem:$0x3FBB];
	_ =	sdelay $0x3  }
0x34: {  	[smem:$0x3FBB] =	sst s10  }
0x35: {  	s10 =	sld [smem:$0x3FBA];
	_ =	sdelay $0x3  }
0x36: {  	p1 =	seq.s32 s10, $0x1;
	s10 =	sld [smem:$0x3FBB];
	_ =	sdelay $0x3  }
0x37: {  	[smem:$0x3FBB] =	sst s10  }
0x38: {  	s10 =	sld [smem:$0x3FBC]  }
0x39: {  	_ = 	snop;
	(pc) =	sbr.ind lr, $3  }
0x3a: {  	_ = 	snop  }
0x3b: {  	_ = 	snop  }
0x3c: {  	p2 =	seq.s32 s10, $0x1;
	s10 =	sld [smem:$0x3FBB]  }
0x3d: {  	_ =	shalt  }
0x3e: {  	_ =	shalt  }
0x3f: {  	_ =	shalt  }
0x40: {  	_ =	shalt  }
0x41: {  	_ =	shalt  }
0x42: {  	_ =	shalt  }
0x43: {  	_ =	shalt  }
0x44: {  	_ =	shalt  }
0x45: {  	_ =	shalt  }
0x46: {  	_ =	shalt  }
0x47: {  	_ =	shalt  }
0x48: {  	_ =	shalt  }
0x49: {  	_ =	shalt  }
0x4a: {  	_ =	shalt  }
0x4b: {  	_ =	shalt  }
0x4c: {  	_ =	shalt  }
0x4d: {  	_ =	shalt  }
0x4e: {  	_ =	shalt  }
0x4f: {  	_ =	shalt  }
0x50: {  	_ =	shalt  }
0x51: {  	_ =	shalt  }
0x52: {  	_ =	shalt  }
0x53: {  	_ =	shalt  }
0x54: {  	_ =	shalt  }
0x55: {  	_ =	shalt  }
0x56: {  	_ =	shalt  }
0x57: {  	_ =	shalt  }
0x58: {  	_ =	shalt  }
0x59: {  	_ =	shalt  }
0x5a: {  	_ =	shalt  }
0x5b: {  	_ =	shalt  }
0x5c: {  	_ =	shalt  }
0x5d: {  	_ =	shalt  }
0x5e: {  	_ =	shalt  }
0x5f: {  	_ =	shalt  }
0x60: {  	_ =	shalt  }
0x61: {  	_ =	shalt  }
0x62: {  	_ =	shalt  }
0x63: {  	_ =	shalt  }
0x64: {  	_ =	shalt  }
0x65: {  	_ =	shalt  }
0x66: {  	_ =	shalt  }
0x67: {  	_ =	shalt  }
0x68: {  	_ =	shalt  }
0x69: {  	_ =	shalt  }
0x6a: {  	_ =	shalt  }
0x6b: {  	_ =	shalt  }
0x6c: {  	_ =	shalt  }
0x6d: {  	_ =	shalt  }
0x6e: {  	_ =	shalt  }
0x6f: {  	_ =	shalt  }
0x70: {  	_ =	shalt  }
0x71: {  	_ =	shalt  }
0x72: {  	_ =	shalt  }
0x73: {  	_ =	shalt  }
0x74: {  	_ =	shalt  }
0x75: {  	_ =	shalt  }
0x76: {  	_ =	shalt  }
0x77: {  	_ =	shalt  }
0x78: {  	_ =	shalt  }
0x79: {  	_ =	shalt  }
0x7a: {  	_ =	shalt  }
0x7b: {  	_ =	shalt  }
0x7c: {  	_ =	shalt  }
0x7d: {  	_ =	shalt  }
0x7e: {  	_ =	shalt  }
0x7f: {  	_ =	shalt  }
0x80: {  	_ =	shalt  }
0x81: {  	_ =	shalt  }
0x82: {  	_ =	shalt  }
0x83: {  	_ =	shalt  }
0x84: {  	_ =	shalt  }
0x85: {  	_ =	shalt  }
0x86: {  	_ =	shalt  }
0x87: {  	_ =	shalt  }
.Lfunc_end0:
.L_simem_size_0:
called_computation_lowered:
.L_overlay_start_0:
0x88: {  	s2 =	sld [smem:$0x3FD9]  }
0x89: {  	s3 =	sld [smem:$0x3FFE];
	_ =	sdelay $0x1  }
0x8a: {  	s1 =	srdreg.scid  }
0x8b: {  	s0 =	sand.u32 $0x1, s1  }
0x8c: {  	s14 =	sshll.u32 s0, $0xA;
	s2 =	sadd.s32 s3, s2  }
0x8d: {  	s2 =	sadd.s32 s2, s14  }
0x8e: {  	[smem:$0x3FC7] =	sst s2  }
0x8f: {  	_ = 	snop  }
0x90: {  	s2 =	sld [smem:$0x3FD0];
	_ =	sdelay $0x2  }
0x91: {  	s15 =	simm.s32 $0xA;
	s4 =	simm.s32 $0x10  }
0x92: {  	[smem:s4], [sflag:s15] =	dma.local [hbm:s2], $0x1  }
0x93: {  	_ =	swait.eq [sflag:s15], $0x1  }
0x94: {  	[sflag:s15] =	ssyncset.done $0x0  }
0x95: {  	[sflag:s15] =	ssyncadd.s32 $0xFFFFFFFF  }
0x96: {  	s16 =	sld [smem:$0x10];
	(tm) =	ssettm $0x1  }
0x97: {  	s17 =	sld [smem:$0x3FFB];
	_ =	sdelay $0x3  }
0x98: {  	_ =	strace s17  }
0x99: {  	s3 =	sld [smem:$0x3FFC];
	_ =	sdelay $0x3  }
0x9a: {  	_ =	strace s3  }
0x9b: {  	s3 =	sld [smem:$0x3FFD];
	_ =	sdelay $0x3  }
0x9c: {  	_ =	strace s3  }
0x9d: {  	_ =	strace $0x8FFFFFFF  }
0x9e: {  	s18 =	sld [smem:$0x3FDB];
	_ =	sdelay $0x1  }
0x9f: {  	s19 =	simm.s32 $_scs_section_size  }
0xa0: {  	s5 =	simm.s32 $_size__tile_overlayer_lowered;
	s6 =	simm.s32 $_tile_overlayer_lowered  }
0xa1: {  	s22 =	simm.s32 $0x1BFF;
	s21 =	sshll.u32 s6, $0x1;
	s3 =	sadd.s32 s19, s18  }
0xa2: {  	s7 =	simm.s32 $0x0;
	s20 =	sshll.u32 s5, $0x1;
	s5 =	sadd.s32 s21, s3  }
0xa3: {  	[timem:s7], [sflag:s22] =	dma.local [hbm:s5], s20  }
0xa4: {  	_ =	swait.ge [sflag:s22], s20  }
0xa5: {  	s4 =	ssub.s32 $0x0, s20;
	[sflag:s22] =	ssyncset.done $0x0  }
0xa6: {  	[sflag:s22] =	ssyncadd.s32 s4;
	_ =	sdelay $0x1  }
0xa7: {  	s23 =	simm.s32 $0x1B8B  }
0xa8: {  	_ =	swait.ge [sflag:s23], $0x1  }
0xa9: {  	[sflag:s23] =	ssyncset.done $0x0  }
0xaa: {  	s25 =	simm.s32 $0x1B8E;
	s24 =	sld [smem:$0x3FFE];
	[sflag:s23] =	ssyncadd.s32 $0xFFFFFFFF  }
0xab: {  	s26 =	simm.s32 $execute0_lowered;
	[smem:$0x3FD2] =	sst s25  }
0xac: {  	s5 =	sshll.u32 s26, $0x1;
	_ =	strace $0x80000046;
	[dreg:$0x1] =	wrdreg $0xFFFFFFFF  }
0xad: {  	s28 =	simm.s32 $_size_execute0_lowered;
	s3 =	sadd.s32 s3, s5;
	[dreg:$0x0] =	wrdreg $0x0  }
0xae: {  	s5 =	sshll.u32 s28, $0x1;
	[dreg:$0x2] =	wrdreg s3  }
0xaf: {  	[dreg:$0x3] =	wrdreg s5  }
0xb0: {  	[dreg:$0x4] =	wrdreg $0xC0  }
0xb1: {  	_ =	task [dreg:s7], $0x5FFFF  }
0xb2: {  	[dreg:$0x1] =	wrdreg $0xFFFFFFFF  }
0xb3: {  	[dreg:$0x0] =	wrdreg $0x60  }
0xb4: {  	[dreg:$0x2] =	wrdreg s24  }
0xb5: {  	[dreg:$0x3] =	wrdreg s16  }
0xb6: {  	[dreg:$0x4] =	wrdreg $0x9  }
0xb7: {  	_ =	task.clear_ibuf [dreg:s7], $0x5FFFF;
	_ =	strace $0x90000046  }
0xb8: {  	s29 =	simm.s32 $0x9;
	_ =	strace $0x80000048  }
0xb9: {  	_ =	swait.ge [sflag:s29], $0x1  }
0xba: {  	[sflag:s29] =	ssyncadd.s32 $0xFFFFFFFF  }
0xbb: {  	_ =	strace $0x90000048  }
0xbc: {  	_ =	sfence  }
0xbd: {  	s30 =	sld [smem:$0x0];
	_ =	sdelay $0x2  }
0xbe: {  	s31 =	sshll.u32 s1, $0xD;
	s1 =	sshrl.u32 s1, $0x2  }
0xbf: {  	s3 =	sand.u32 $0x4000, s31;
	s1 =	sadd.s32 s1, s30  }
0xc0: {  	s0 =	sor.u32 s3, s0;
	s1 =	sshll.u32 s1, $0x11  }
0xc1: {  	s0 =	sor.u32 s1, s0  }
0xc2: {  	s0 =	sadd.s32 $0x8F2B, s0  }
0xc3: {  	[sflag:s0] =	ssyncadd.remote.s32 $0x1  }
0xc4: {  	_ =	sfence.sel $0xFFFF  }
0xc5: {  	[dreg:$0x0] =	wrdreg $0xFFFFFFFF;
	(pc) =	sbr.abs _section_cstart, $3  }
0xc6: {  	[dreg:$0x1] =	wrdreg $0xFFFFFFFF  }
0xc7: {  	_ =	task.clear_ibuf [dreg:s7], $0x2FFFF;
	_ =	strace $0x9FFFFFFF  }
0xc8: {  	(tm) =	ssettm $0x7FFFFFFF  }
0xc9: {  	_ =	shalt  }
tec
execute0_lowered:
.L_overlay_start_1:
0x0: {  	(tag) =	ssettag $0x1  }
0x1: {  	s3 =	rddreg [dreg:$0x0]  }
0x2: {  	s5 =	rddreg [dreg:$0x1]  }
0x3: {  	s0 =	rddreg [dreg:$0x2]  }
0x4: {  	s2 =	simm.s32 $0x0;
	s4 =	srdreg.scid;
	s1 =	stileid.u32  }
0x5: {  	s9 =	simm.s32 $0x1;
	s10 =	simm.s32 $0x2000;
	[smem:$0x7FF] =	sst s2  }
0x6: {  	s4 =	sand.u32 $0x1, s4;
	s3 =	sadd.s32 $0x801C00, s3;
	s7 =	sshll.u32 s1, $0x1  }
0x7: {  	s30 =	sshll.u32 s1, $0x9;
	_ =	strace $0x80000047;
	s6 =	ssub.s32 $0x2, s4  }
0x8: {  	s4 =	sor.u32 s4, s7;
	s7 =	sand.u32 $0x1800, s30;
	s8 =	sshrl.u32 s6, $0x1  }
0x9: {  	s31 =	sshll.u32 s4, $0x4;
	s4 =	smul.u32 $0xC0000, s4;
	s5 =	sadd.s32 s5, s7  }
0xa: {  	s7 =	simm.s32 $0x80;
	s6 =	ssub.s32 s6, s8;
	s8 =	sand.u32 $0x70, s31  }
0xb: {  	v0 =	vimm.s32 $0x0;
	s5 =	sadd.s32 s8, s5;
	s6 =	smax.u32 s6, $0x1;
	s8 =	simm.s32 $0x400  }
.LBB2_1:
0xc: {  	s11 =	simm.s32 $0x40;
	s12 =	simm.s32 $0x0  }
.LBB2_2:
0xd: {  	p0 =	sne.s32 s11, $0x1FC0;
	[tilespmem:s12+$0x2000] =	vst v0;
	s12 =	smov.u32 s11;
	s11 =	sadd.s32 $0x40, s11  }
.Ltmp0:
0xe: {  	(pc) =	sbr.rel @p0 .LBB2_2-.Ltmp0, $2  }
0xf: {  	_ =	sdelay $0x2  }
0x10: {  	s12 =	sshra.s32 s12, $0x2  }
0x11: {  	[tilespmem:s12+$0x2000] =	vst v0;
	s11 =	simm.s32 $0x0;
	s12 =	simm.s32 $0x0  }
.LBB2_4:
0x12: {  	s13 =	sshll.u32 s12, $0xD  }
0x13: {  	s14 =	sshll.u32 s12, $0x7;
	s13 =	sand.u32 $0xF0000, s13  }
0x14: {  	s14 =	sand.u32 $0x380, s14;
	s13 =	sadd.s32 s4, s13  }
0x15: {  	s13 =	sor.u32 s14, s13  }
0x16: {  	s13 =	sshrl.u32 s13, $0x3  }
0x17: {  	s13 =	sadd.s32 s3, s13  }
0x18: {  	[tilespmem:s11], [sflag:$0x1] =	stream.strided.gather [hbm4b:s13+s7], $0x2000, s8, s7, $0x38;
	[tilespmem:$0x2800] =	vst v63  }
0x19: {  	_ =	swait.ge [sflag:s9], $0x2000  }
0x1a: {  	[sflag:s9] =	ssyncset.done $0x0  }
0x1b: {  	s14 =	simm.s32 $0x0;
	s13 =	simm.s32 $0x40;
	[sflag:s9] =	ssyncadd.s32 $0xFFFFE000  }
.LBB2_5:
0x1c: {  	p0 =	sne.s32 s13, $0x7FC0;
	v1 =	vld [tilespmem:s14+$0x0];
	_ =	sdelay $0x4  }
0x1d: {  	v1 =	vadd.f32 $-5.000000000e-01, v1;
	_ =	sdelay $0x1  }
0x1e: {  	v1 =	vand.u32 $0x7FFFFFFF, v1  }
0x1f: {  	v1 =	vmul.f32 $8.388608000e+06, v1;
	_ =	sdelay $0x1  }
0x20: {  	v1 =	vtrunc.f32 v1  }
0x21: {  	v1 =	vcvt.f32.s32 v1;
	_ =	sdelay $0x1  }
0x22: {  	v1 =	vsub.s32 $0x0, v1  }
0x23: {  	v1 =	vand.u32 $0x7FF, v1  }
0x24: {  	(xrf1) =	vunique.msk.u32 $0xffff, v1;
	_ =	sdelay $0xc  }
0x25: {  	v2 =	vld.idx.msk [tilespmem:v1+s10+$0x0], $0xffff  }
0x26: {  	_, v3, vm0 =	vpop (xrf1);
	_ =	sdelay $0x1  }
.Ltmp1:
0x27: {  	(pc) =	sbr.rel @p0 .LBB2_5-.Ltmp1, $3  }
0x28: {  	_ =	sdelay $0x1  }
0x29: {  	v2 =	vadd.s32 v2, v3  }
0x2a: {  	s14 =	sshra.s32 s13, $0x2;
	s13 =	sadd.s32 $0x40, s13;
	[tilespmem:v1+s10+$0x0] =	vst.idx.msk vm0, v2  }
0x2b: {  	v1 =	vld [tilespmem:s14+$0x0];
	_ =	sdelay $0x4  }
0x2c: {  	v1 =	vadd.f32 $-5.000000000e-01, v1;
	_ =	sdelay $0x1  }
0x2d: {  	v1 =	vand.u32 $0x7FFFFFFF, v1  }
0x2e: {  	v1 =	vmul.f32 $8.388608000e+06, v1;
	_ =	sdelay $0x1  }
0x2f: {  	v1 =	vtrunc.f32 v1  }
0x30: {  	v1 =	vcvt.f32.s32 v1;
	_ =	sdelay $0x1  }
0x31: {  	v1 =	vsub.s32 $0x0, v1  }
0x32: {  	v1 =	vand.u32 $0x7FF, v1  }
0x33: {  	(xrf1) =	vunique.msk.u32 $0xffff, v1;
	_ =	sdelay $0xd  }
0x34: {  	s12 =	sadd.s32 $0x1, s12;
	v2 =	vld.idx.msk [tilespmem:v1+s10+$0x0], $0xffff;
	_, v3, vm0 =	vpop (xrf1)  }
0x35: {  	p0 =	sne.s32 s12, $0x60  }
.Ltmp2:
0x36: {  	_ = 	snop;
	(pc) =	sbr.rel @p0 .LBB2_4-.Ltmp2, $3  }
0x37: {  	_ =	sdelay $0x1  }
0x38: {  	v2 =	vadd.s32 v2, v3  }
0x39: {  	[tilespmem:v1+s10+$0x0] =	vst.idx.msk vm0, v2  }
0x3a: {  	s2 =	sadd.s32 $0x1, s2  }
0x3b: {  	p0 =	sne.s32 s2, s6  }
.Ltmp3:
0x3c: {  	_ = 	snop;
	(pc) =	sbr.rel @p0 .LBB2_1-.Ltmp3, $4  }
0x3d: {  	[hbm4b:s5+s7] =	stream.strided.scatter [tilespmem:s10], [sflag:$0x1], $0x800, s8, s7, $0x38;
	[tilespmem:$0x2800] =	vst v63  }
0x3e: {  	_ =	swait.ge [sflag:s9], $0x800  }
0x3f: {  	[sflag:s9] =	ssyncset.done $0x0  }
0x40: {  	[sflag:s9] =	ssyncadd.s32 $0xFFFFF800  }
0x41: {  	_ =	sfence.sel $0x180000  }
0x42: {  	[bflag:$0x0] =	sbarrier.arrive $0xFFFF  }
0x43: {  	p0 =	sne.s32 s1, $0x0;
	_ =	strace $0x90000047  }
0x44: {  	s0 =	sadd.s32 @!p0 $0x100000, s0;
	[bflag:$0x2] =	sbarrier.arrive $0xFFFF  }
0x45: {  	[sflag:s0] =	ssyncadd.tile.s32 @!p0 $0x1;
	_ =	shalt  }
.Lfunc_end2:
_tile_overlayer_lowered:
.L_overlay_start_2:
0x46: {  	(tag) =	ssettag $0x2  }
0x47: {  	s0 =	rddreg [dreg:$0x0];
	s2 =	stileid.u32  }
0x48: {  	s1 =	rddreg [dreg:$0x1];
	p0 =	sne.s32 s2, $0x0  }
0x49: {  	s3 =	rddreg [dreg:$0x2];
	[bflag:$0x3] =	sbarrier.arrive $0xFFFF;
	s2 =	simm.s32 @!p0 $0x1C01  }
0x4a: {  	[timem:s3], [sflag:s2] =	dma.local @!p0 [hbm:s0], s1  }
0x4b: {  	s0 =	simm.s32 @!p0 $0x1  }
0x4c: {  	_ =	swait.ge @!p0 [sflag:s0], s1  }
0x4d: {  	s1 =	ssub.s32 @!p0 $0x0, s1;
	[sflag:s0] =	ssyncset.done @!p0 $0x0  }
0x4e: {  	[sflag:s0] =	ssyncadd.s32 @!p0 s1  }
0x4f: {  	[bflag:$0x3] =	sbarrier.arrive $0xFFFF  }
0x50: {  	_ =	shalt  }

</sc_bundles>
